<compile_context>
chip_gen: v7x
topology: tpu7x:2x2x1
jax: 0.10.2.dev20260603
libtpu: 0.0.44.dev20260713+nightly
codegen_flags: <defaults>
</compile_context>

<pallas_src>
import functools

import numpy as np

import jax
import jax.numpy as jnp
from jax import lax
from jax.experimental import pallas as pl
from jax.experimental.pallas import tpu as pltpu
from jax.experimental.pallas import tpu_sc as plsc

N = 10000
E = 320000
D = 128

NC, NS = 2, 16
TILES = NC * NS
NPAD = 10240
CW = 128
EPT = NPAD
CHUNKS = EPT // CW
E_PAD = TILES * EPT
STRIPE = NPAD // NS
BLK = 1024


def _mesh():
    return plsc.VectorSubcoreMesh(
        core_axis_name="c", subcore_axis_name="s", num_cores=NC, num_subcores=NS
    )


def _deg_body(dst_r, zeros, ones, out, idx_v, obuf, deg_sh,
              semd0, semd1, semd2, semd3):
    c = lax.axis_index("c")
    s = lax.axis_index("s")
    wid = s * NC + c
    stripe = s * STRIPE
    pltpu.sync_copy(zeros.at[pl.ds(stripe, STRIPE)],
                    deg_sh.at[pl.ds(stripe, STRIPE)])
    pltpu.sync_copy(ones, obuf)
    pltpu.sync_copy(dst_r.at[wid], idx_v)
    plsc.subcore_barrier()

    semd = (semd0, semd1, semd2, semd3)

    def body(jj, carry):
        for b in range(4):
            j = jj * 4 + b

            @pl.when(j >= 4)
            def _():
                pltpu.make_async_copy(
                    obuf, deg_sh.at[idx_v.at[j]], semd[b]
                ).wait()

            pltpu.async_copy(obuf, deg_sh.at[idx_v.at[j]], semd[b], add=True)
        return carry

    lax.fori_loop(0, CHUNKS // 4, body, 0)
    for b in range(4):
        pltpu.make_async_copy(obuf, deg_sh.at[idx_v.at[0]], semd[b]).wait()
    plsc.subcore_barrier()
    pltpu.sync_copy(deg_sh.at[pl.ds(stripe, STRIPE)],
                    out.at[c, pl.ds(stripe, STRIPE)])


@functools.cache
def _sc_degree_kernel():
    return pl.kernel(
        _deg_body,
        out_type=jax.ShapeDtypeStruct((NC, NPAD, D), jnp.float32),
        mesh=_mesh(),
        scratch_types=[
            pltpu.VMEM((CHUNKS, CW), jnp.int32),
            pltpu.VMEM((CW, D), jnp.float32),
            pltpu.VMEM_SHARED((NPAD, D), jnp.float32),
            pltpu.SemaphoreType.DMA,
            pltpu.SemaphoreType.DMA,
            pltpu.SemaphoreType.DMA,
            pltpu.SemaphoreType.DMA,
        ],
    )


G = 8
NGRP = CHUNKS // G


def _agg_body(g, src_r, dst_r, zeros, part, sr, dst_v, gbuf, acc_sh,
              semg0, semg1, sems0, sems1, semi):
    c = lax.axis_index("c")
    s = lax.axis_index("s")
    wid = s * NC + c
    stripe = s * STRIPE
    pltpu.sync_copy(zeros.at[pl.ds(stripe, STRIPE)],
                    acc_sh.at[pl.ds(stripe, STRIPE)])
    pltpu.sync_copy(dst_r.at[wid], dst_v)
    pltpu.sync_copy(src_r.at[wid, pl.ds(0, G)], sr.at[0])
    pltpu.async_copy(src_r.at[wid, pl.ds(G, G)], sr.at[1], semi)
    plsc.subcore_barrier()

    semg = (semg0, semg1)
    sems = (sems0, sems1)
    pltpu.async_copy(g.at[sr.at[0, 0]], gbuf.at[0], semg0)

    def body(jj, carry):
        for b in range(2):
            bb = 1 - b
            j = jj * 2 + b

            @pl.when(jnp.logical_and(j % G == G - 1, j // G + 1 < NGRP))
            def _():
                pltpu.make_async_copy(
                    src_r.at[wid, pl.ds(0, G)], sr.at[0], semi
                ).wait()

            @pl.when(j >= 1)
            def _():
                pltpu.make_async_copy(
                    gbuf.at[bb], acc_sh.at[dst_v.at[j]], sems[bb]
                ).wait()

            @pl.when(j + 1 < CHUNKS)
            def _():
                jn = j + 1
                pltpu.async_copy(
                    g.at[sr.at[(jn // G) % 2, jn % G]], gbuf.at[bb], semg[bb]
                )

            pltpu.make_async_copy(
                g.at[sr.at[0, 0]], gbuf.at[b], semg[b]
            ).wait()
            pltpu.async_copy(gbuf.at[b], acc_sh.at[dst_v.at[j]], sems[b],
                             add=True)

            @pl.when(jnp.logical_and(j % G == G - 1, j // G + 2 < NGRP))
            def _():
                grp = j // G
                pltpu.async_copy(
                    src_r.at[wid, pl.ds((grp + 2) * G, G)], sr.at[grp % 2],
                    semi,
                )
        return carry

    lax.fori_loop(0, CHUNKS // 2, body, 0)
    pltpu.make_async_copy(gbuf.at[1], acc_sh.at[dst_v.at[0]], sems1).wait()
    plsc.subcore_barrier()
    pltpu.sync_copy(acc_sh.at[pl.ds(stripe, STRIPE)],
                    part.at[c, pl.ds(stripe, STRIPE)])


@functools.cache
def _sc_agg_kernel():
    return pl.kernel(
        _agg_body,
        out_type=jax.ShapeDtypeStruct((NC, NPAD, D), jnp.float32),
        mesh=_mesh(),
        scratch_types=[
            pltpu.VMEM((2, G, CW), jnp.int32),
            pltpu.VMEM((CHUNKS, CW), jnp.int32),
            pltpu.VMEM((2, CW, D), jnp.float32),
            pltpu.VMEM_SHARED((NPAD, D), jnp.float32),
            pltpu.SemaphoreType.DMA,
            pltpu.SemaphoreType.DMA,
            pltpu.SemaphoreType.DMA,
            pltpu.SemaphoreType.DMA,
            pltpu.SemaphoreType.DMA,
        ],
    )


def _tc_mm_body(x_ref, w_ref, h_ref):
    h_ref[...] = jnp.dot(
        x_ref[...], w_ref[...], preferred_element_type=jnp.float32
    )


def _tc_scale_body(h_ref, deg_ref, g_ref, dis_ref):
    deg = deg_ref[0][:, 0:1] + deg_ref[1][:, 0:1] + 1.0
    dis = lax.rsqrt(deg)
    g_ref[...] = h_ref[...] * dis
    dis_ref[...] = dis


def _tc_mid_body(p_ref, g1_ref, dis_ref, b1_ref, w2_ref, g2_ref):
    dis = dis_ref[...]
    a = (p_ref[0] + p_ref[1] + g1_ref[...]) * dis + b1_ref[...]
    h = jnp.maximum(a, 0.0)
    g2_ref[...] = (
        jnp.dot(h, w2_ref[...], preferred_element_type=jnp.float32) * dis
    )


def _tc_out_body(p_ref, g2_ref, dis_ref, b2_ref, o_ref):
    z = (p_ref[0] + p_ref[1] + g2_ref[...]) * dis_ref[...] + b2_ref[...]
    m = jnp.max(z, axis=1, keepdims=True)
    sh = z - m
    o_ref[...] = sh - jnp.log(jnp.sum(jnp.exp(sh), axis=1, keepdims=True))


_GRID = (NPAD // BLK,)


def _tc_mm(x_p, W1):
    return pl.pallas_call(
        _tc_mm_body,
        grid=_GRID,
        in_specs=[
            pl.BlockSpec((BLK, D), lambda i: (i, 0)),
            pl.BlockSpec((D, D), lambda i: (0, 0)),
        ],
        out_specs=pl.BlockSpec((BLK, D), lambda i: (i, 0)),
        out_shape=jax.ShapeDtypeStruct((NPAD, D), jnp.float32),
    )(x_p, W1)


def _tc_scale(h1, degp):
    return pl.pallas_call(
        _tc_scale_body,
        grid=_GRID,
        in_specs=[
            pl.BlockSpec((BLK, D), lambda i: (i, 0)),
            pl.BlockSpec((NC, BLK, D), lambda i: (0, i, 0)),
        ],
        out_specs=[
            pl.BlockSpec((BLK, D), lambda i: (i, 0)),
            pl.BlockSpec((BLK, 1), lambda i: (i, 0)),
        ],
        out_shape=[
            jax.ShapeDtypeStruct((NPAD, D), jnp.float32),
            jax.ShapeDtypeStruct((NPAD, 1), jnp.float32),
        ],
    )(h1, degp)


def _tc_mid(part1, g1, dis, b1r, W2):
    return pl.pallas_call(
        _tc_mid_body,
        grid=_GRID,
        in_specs=[
            pl.BlockSpec((NC, BLK, D), lambda i: (0, i, 0)),
            pl.BlockSpec((BLK, D), lambda i: (i, 0)),
            pl.BlockSpec((BLK, 1), lambda i: (i, 0)),
            pl.BlockSpec((1, D), lambda i: (0, 0)),
            pl.BlockSpec((D, D), lambda i: (0, 0)),
        ],
        out_specs=pl.BlockSpec((BLK, D), lambda i: (i, 0)),
        out_shape=jax.ShapeDtypeStruct((NPAD, D), jnp.float32),
    )(part1, g1, dis, b1r, W2)


def _tc_out(part2, g2, dis, b2r):
    return pl.pallas_call(
        _tc_out_body,
        grid=_GRID,
        in_specs=[
            pl.BlockSpec((NC, BLK, D), lambda i: (0, i, 0)),
            pl.BlockSpec((BLK, D), lambda i: (i, 0)),
            pl.BlockSpec((BLK, 1), lambda i: (i, 0)),
            pl.BlockSpec((1, D), lambda i: (0, 0)),
        ],
        out_specs=pl.BlockSpec((BLK, D), lambda i: (i, 0)),
        out_shape=jax.ShapeDtypeStruct((N, D), jnp.float32),
    )(part2, g2, dis, b2r)


def kernel(x, edge_index, W1, b1, W2, b2):
    pad_e = E_PAD - E
    pad_i = np.arange(pad_e, dtype=np.int64)
    pad_src = jnp.asarray((pad_i * 37) % N, dtype=jnp.int32)
    pad_dst = jnp.asarray(N + pad_i % (NPAD - N), dtype=jnp.int32)
    src_p = jnp.concatenate([edge_index[0], pad_src]).reshape(TILES, CHUNKS, CW)
    dst_p = jnp.concatenate([edge_index[1], pad_dst]).reshape(TILES, CHUNKS, CW)
    x_p = jnp.concatenate([x, jnp.zeros((NPAD - N, D), x.dtype)], axis=0)
    zeros128 = jnp.zeros((NPAD, D), jnp.float32)
    ones128 = jnp.ones((CW, D), jnp.float32)
    b1r = b1.reshape(1, D)
    b2r = b2.reshape(1, D)

    degp = _sc_degree_kernel()(dst_p, zeros128, ones128)
    h1 = _tc_mm(x_p, W1)
    g1, dis = _tc_scale(h1, degp)
    part1 = _sc_agg_kernel()(g1, src_p, dst_p, zeros128)
    g2 = _tc_mid(part1, g1, dis, b1r, W2)
    part2 = _sc_agg_kernel()(g2, src_p, dst_p, zeros128)
    return _tc_out(part2, g2, dis, b2r)

# --- scband reference (transcript-rebuilt; emitter-appended) ---
"""Pipeline reference for scband-gcn-89859305766966 (READ-ONLY COPY).

The authoritative reference and input builder live on the scoring server;
editing this copy changes nothing except your own understanding.
"""

import jax, jax.numpy as jnp
import numpy as np

N = 10000
E = 320000
D = 128
H = 128
O = 128


def glorot(key, shape):
    fan_in, fan_out = shape[0], shape[1]
    limit = float(np.sqrt(6.0 / (fan_in + fan_out)))
    return jax.random.uniform(key, shape, dtype=jnp.float32, minval=-limit, maxval=limit)


def setup_inputs(seed: int = 0) -> dict:
    key = jax.random.key(seed)
    k1, k2, k3, k4 = jax.random.split(key, 4)
    x = jax.random.normal(k1, (N, D), dtype=jnp.float32)
    edge_index = jax.random.randint(k2, (2, E), 0, N, dtype=jnp.int32)
    W1 = glorot(k3, (D, H))
    b1 = jnp.zeros((H,), dtype=jnp.float32)
    W2 = glorot(k4, (H, O))
    b2 = jnp.zeros((O,), dtype=jnp.float32)
    return {"x": x, "edge_index": edge_index, "W1": W1, "b1": b1, "W2": W2, "b2": b2}


def gcn_conv(x, edge_index, W, b, n):
    # GCNConv: symmetric normalization with added self-loops
    loop = jnp.arange(n, dtype=edge_index.dtype)
    src = jnp.concatenate([edge_index[0], loop])
    dst = jnp.concatenate([edge_index[1], loop])
    h = x @ W
    deg = jnp.zeros((n,), dtype=h.dtype).at[dst].add(1.0)
    deg_inv_sqrt = jnp.where(deg > 0, deg ** -0.5, 0.0)
    norm = deg_inv_sqrt[src] * deg_inv_sqrt[dst]
    msgs = h[src] * norm[:, None]
    out = jnp.zeros_like(h).at[dst].add(msgs)
    return out + b


def reference(x, edge_index, W1, b1, W2, b2):
    h = gcn_conv(x, edge_index, W1, b1, N)
    h = jax.nn.relu(h)  # activation; dropout p=0.0 is a no-op
    out = gcn_conv(h, edge_index, W2, b2, N)
    return jax.nn.log_softmax(out, axis=1)

if __name__ == "__main__":
    import jax
    _d = setup_inputs()
    print(jax.jit(kernel)(*tuple(_d.values())))

</pallas_src>

<mosaic_0001>
#map = affine_map<(d0, d1) -> (0, 0, 0)>
#map1 = affine_map<(d0, d1) -> (0, 0)>
module attributes {stable_mosaic.version = 14 : i64} {
  func.func @_deg_body(%arg0: i32, %arg1: i32, %arg2: memref<32x80x128xi32, #tpu.memory_space<hbm>>, %arg3: memref<10240x128xf32, #tpu.memory_space<hbm>>, %arg4: memref<128x128xf32, #tpu.memory_space<hbm>>, %arg5: memref<2x10240x128xf32, #tpu.memory_space<hbm>>, %arg6: memref<80x128xi32, #tpu.memory_space<vmem>>, %arg7: memref<128x128xf32, #tpu.memory_space<vmem>>, %arg8: memref<10240x128xf32, #tpu.memory_space<vmem_shared>>, %arg9: memref<!tpu.dma_semaphore, #tpu.memory_space<semaphore_mem>>, %arg10: memref<!tpu.dma_semaphore, #tpu.memory_space<semaphore_mem>>, %arg11: memref<!tpu.dma_semaphore, #tpu.memory_space<semaphore_mem>>, %arg12: memref<!tpu.dma_semaphore, #tpu.memory_space<semaphore_mem>>) attributes {dimension_semantics = [#tpu.dimension_semantics<core_parallel>, #tpu.dimension_semantics<subcore_parallel>], iteration_bounds = array<i64: 2, 16>, scalar_prefetch = 0 : i64, scratch_operands = 7 : i64, tpu.core_type = #tpu.core_type<sc_vector_subcore>, window_params = [{transform_indices = #map}, {transform_indices = #map1}, {transform_indices = #map1}, {transform_indices = #map}]} {
    %mul3A = arith.constant 2 : i32
    %mul3A_0 = arith.muli %arg1, %mul3A : i32
    %add3A = arith.addi %mul3A_0, %arg0 : i32
    %mul3A_1 = arith.constant 640 : i32
    %mul3A_2 = arith.muli %arg1, %mul3A_1 : i32
    "tpu.region"() ({
      %run_scoped3A = tpu.sem_alloc : memref<!tpu.dma_semaphore, #tpu.memory_space<semaphore_mem>>
      %dma_start3A = arith.constant 0 : i32
      %dma_start3A_36 = tpu.memref_slice %arg8[%mul3A_2, %dma_start3A] : memref<10240x128xf32, #tpu.memory_space<vmem_shared>> -> memref<640x128xf32, #tpu.memory_space<vmem_shared>>
      %dma_start3A_37 = arith.constant 0 : i32
      %dma_start3A_38 = tpu.memref_slice %arg3[%mul3A_2, %dma_start3A_37] : memref<10240x128xf32, #tpu.memory_space<hbm>> -> memref<640x128xf32, #tpu.memory_space<hbm>>
      tpu.enqueue_dma source(%dma_start3A_38 : memref<640x128xf32, #tpu.memory_space<hbm>>) target(%dma_start3A_36 : memref<640x128xf32, #tpu.memory_space<vmem_shared>>) target_semaphore(%run_scoped3A : memref<!tpu.dma_semaphore, #tpu.memory_space<semaphore_mem>>)
      %dma_wait3A_39 = arith.constant 0 : i32
      %dma_wait3A_40 = tpu.memref_slice %arg8[%mul3A_2, %dma_wait3A_39] : memref<10240x128xf32, #tpu.memory_space<vmem_shared>> -> memref<640x128xf32, #tpu.memory_space<vmem_shared>>
      %dma_wait3A_41 = arith.constant 0 : i32
      %dma_wait3A_42 = tpu.memref_slice %arg3[%mul3A_2, %dma_wait3A_41] : memref<10240x128xf32, #tpu.memory_space<hbm>> -> memref<640x128xf32, #tpu.memory_space<hbm>>
      tpu.wait_dma2 semaphore(%run_scoped3A : memref<!tpu.dma_semaphore, #tpu.memory_space<semaphore_mem>>) src(%dma_wait3A_42 : memref<640x128xf32, #tpu.memory_space<hbm>>) dst(%dma_wait3A_40 : memref<640x128xf32, #tpu.memory_space<vmem_shared>>)
      tpu.yield
    }) : () -> ()
    "tpu.region"() ({
      %run_scoped3A = tpu.sem_alloc : memref<!tpu.dma_semaphore, #tpu.memory_space<semaphore_mem>>
      tpu.enqueue_dma source(%arg4 : memref<128x128xf32, #tpu.memory_space<hbm>>) target(%arg7 : memref<128x128xf32, #tpu.memory_space<vmem>>) target_semaphore(%run_scoped3A : memref<!tpu.dma_semaphore, #tpu.memory_space<semaphore_mem>>)
      tpu.wait_dma2 semaphore(%run_scoped3A : memref<!tpu.dma_semaphore, #tpu.memory_space<semaphore_mem>>) src(%arg4 : memref<128x128xf32, #tpu.memory_space<hbm>>) dst(%arg7 : memref<128x128xf32, #tpu.memory_space<vmem>>)
      tpu.yield
    }) : () -> ()
    "tpu.region"() ({
      %run_scoped3A = tpu.sem_alloc : memref<!tpu.dma_semaphore, #tpu.memory_space<semaphore_mem>>
      %dma_start3A = arith.constant 0 : i32
      %dma_start3A_36 = arith.constant 0 : i32
      %dma_start3A_37 = tpu.memref_slice %arg2[%add3A, %dma_start3A, %dma_start3A_36] : memref<32x80x128xi32, #tpu.memory_space<hbm>> -> memref<1x80x128xi32, #tpu.memory_space<hbm>>
      %dma_start3A_38 = tpu.memref_squeeze %dma_start3A_37 : memref<1x80x128xi32, #tpu.memory_space<hbm>> -> memref<80x128xi32, #tpu.memory_space<hbm>>
      %dma_start3A_39 = arith.constant 0 : i32
      %dma_start3A_40 = arith.constant 0 : i32
      %dma_start3A_41 = tpu.memref_slice %arg2[%add3A, %dma_start3A_39, %dma_start3A_40] : memref<32x80x128xi32, #tpu.memory_space<hbm>> -> memref<1x80x128xi32, #tpu.memory_space<hbm>>
      %dma_start3A_42 = tpu.memref_squeeze %dma_start3A_41 : memref<1x80x128xi32, #tpu.memory_space<hbm>> -> memref<80x128xi32, #tpu.memory_space<hbm>>
      tpu.enqueue_dma source(%dma_start3A_42 : memref<80x128xi32, #tpu.memory_space<hbm>>) target(%arg6 : memref<80x128xi32, #tpu.memory_space<vmem>>) target_semaphore(%run_scoped3A : memref<!tpu.dma_semaphore, #tpu.memory_space<semaphore_mem>>)
      %dma_wait3A_43 = arith.constant 0 : i32
      %dma_wait3A_44 = arith.constant 0 : i32
      %dma_wait3A_45 = tpu.memref_slice %arg2[%add3A, %dma_wait3A_43, %dma_wait3A_44] : memref<32x80x128xi32, #tpu.memory_space<hbm>> -> memref<1x80x128xi32, #tpu.memory_space<hbm>>
      %dma_wait3A_46 = tpu.memref_squeeze %dma_wait3A_45 : memref<1x80x128xi32, #tpu.memory_space<hbm>> -> memref<80x128xi32, #tpu.memory_space<hbm>>
      %dma_wait3A_47 = arith.constant 0 : i32
      %dma_wait3A_48 = arith.constant 0 : i32
      %dma_wait3A_49 = tpu.memref_slice %arg2[%add3A, %dma_wait3A_47, %dma_wait3A_48] : memref<32x80x128xi32, #tpu.memory_space<hbm>> -> memref<1x80x128xi32, #tpu.memory_space<hbm>>
      %dma_wait3A_50 = tpu.memref_squeeze %dma_wait3A_49 : memref<1x80x128xi32, #tpu.memory_space<hbm>> -> memref<80x128xi32, #tpu.memory_space<hbm>>
      tpu.wait_dma2 semaphore(%run_scoped3A : memref<!tpu.dma_semaphore, #tpu.memory_space<semaphore_mem>>) src(%dma_wait3A_50 : memref<80x128xi32, #tpu.memory_space<hbm>>) dst(%arg6 : memref<80x128xi32, #tpu.memory_space<vmem>>)
      tpu.yield
    }) : () -> ()
    %barrier3A = arith.constant 0 : index
    tpu.barrier barrier_id(%barrier3A)
    %scan3A = arith.constant 0 : i32
    %scan3A_3 = arith.constant 0 : i32
    %scan3A_4 = arith.constant 20 : i32
    %scan3A_5 = arith.addi %scan3A_3, %scan3A_4 : i32
    %scan3A_6 = arith.constant 1 : i32
    scf.for %scan3A_36 = %scan3A_3 to %scan3A_5 step %scan3A_6  : i32 {
      %mul3A_37 = arith.constant 4 : i32
      %mul3A_38 = arith.muli %scan3A_36, %mul3A_37 : i32
      %add3A_39 = arith.constant 0 : i32
      %add3A_40 = arith.addi %mul3A_38, %add3A_39 : i32
      %ge3A = arith.constant 4 : i32
      %ge3A_41 = arith.cmpi sge, %add3A_40, %ge3A : i32
      %convert_element_type3A = arith.extui %ge3A_41 : i1 to i32
      %cond3A = arith.constant 0 : i32
      %cond3A_42 = arith.cmpi ne, %convert_element_type3A, %cond3A : i32
      scf.if %cond3A_42 {
        %dma_wait3A_93 = arith.constant 0 : i32
        %dma_wait3A_94 = tpu.memref_slice %arg6[%add3A_40, %dma_wait3A_93] : memref<80x128xi32, #tpu.memory_space<vmem>> -> memref<1x128xi32, #tpu.memory_space<vmem>>
        %dma_wait3A_95 = tpu.memref_squeeze %dma_wait3A_94 : memref<1x128xi32, #tpu.memory_space<vmem>> -> memref<128xi32, #tpu.memory_space<vmem>>
        %dma_wait3A_96 = arith.constant 0 : i32
        %dma_wait3A_97 = arith.constant 0 : i32
        %dma_wait3A_98 = tpu.memref_slice %arg8[%dma_wait3A_96, %dma_wait3A_97] : memref<10240x128xf32, #tpu.memory_space<vmem_shared>> -> memref<10240x128xf32, #tpu.memory_space<vmem_shared>>
        tpu.wait_indirect_dma semaphore(%arg9 : memref<!tpu.dma_semaphore, #tpu.memory_space<semaphore_mem>>) src(%arg7 : memref<128x128xf32, #tpu.memory_space<vmem>>) dst(%dma_wait3A_98 : memref<10240x128xf32, #tpu.memory_space<vmem_shared>>)
      } else {
      }
      %dma_start3A = arith.constant 0 : i32
      %dma_start3A_43 = tpu.memref_slice %arg6[%add3A_40, %dma_start3A] : memref<80x128xi32, #tpu.memory_space<vmem>> -> memref<1x128xi32, #tpu.memory_space<vmem>>
      %dma_start3A_44 = tpu.memref_squeeze %dma_start3A_43 : memref<1x128xi32, #tpu.memory_space<vmem>> -> memref<128xi32, #tpu.memory_space<vmem>>
      %dma_start3A_45 = arith.constant 0 : i32
      %dma_start3A_46 = arith.constant 0 : i32
      %dma_start3A_47 = tpu.memref_slice %arg8[%dma_start3A_45, %dma_start3A_46] : memref<10240x128xf32, #tpu.memory_space<vmem_shared>> -> memref<10240x128xf32, #tpu.memory_space<vmem_shared>>
      tpu.enqueue_indirect_dma source(%arg7 : memref<128x128xf32, #tpu.memory_space<vmem>>) target(%dma_start3A_47 : memref<10240x128xf32, #tpu.memory_space<vmem_shared>>) offsets(%dma_start3A_44 : memref<128xi32, #tpu.memory_space<vmem>>) semaphore(%arg9 : memref<!tpu.dma_semaphore, #tpu.memory_space<semaphore_mem>>) {add = true}
      %mul3A_48 = arith.constant 4 : i32
      %mul3A_49 = arith.muli %scan3A_36, %mul3A_48 : i32
      %add3A_50 = arith.constant 1 : i32
      %add3A_51 = arith.addi %mul3A_49, %add3A_50 : i32
      %ge3A_52 = arith.constant 4 : i32
      %ge3A_53 = arith.cmpi sge, %add3A_51, %ge3A_52 : i32
      %convert_element_type3A_54 = arith.extui %ge3A_53 : i1 to i32
      %cond3A_55 = arith.constant 0 : i32
      %cond3A_56 = arith.cmpi ne, %convert_element_type3A_54, %cond3A_55 : i32
      scf.if %cond3A_56 {
        %dma_wait3A_93 = arith.constant 0 : i32
        %dma_wait3A_94 = tpu.memref_slice %arg6[%add3A_51, %dma_wait3A_93] : memref<80x128xi32, #tpu.memory_space<vmem>> -> memref<1x128xi32, #tpu.memory_space<vmem>>
        %dma_wait3A_95 = tpu.memref_squeeze %dma_wait3A_94 : memref<1x128xi32, #tpu.memory_space<vmem>> -> memref<128xi32, #tpu.memory_space<vmem>>
        %dma_wait3A_96 = arith.constant 0 : i32
        %dma_wait3A_97 = arith.constant 0 : i32
        %dma_wait3A_98 = tpu.memref_slice %arg8[%dma_wait3A_96, %dma_wait3A_97] : memref<10240x128xf32, #tpu.memory_space<vmem_shared>> -> memref<10240x128xf32, #tpu.memory_space<vmem_shared>>
        tpu.wait_indirect_dma semaphore(%arg10 : memref<!tpu.dma_semaphore, #tpu.memory_space<semaphore_mem>>) src(%arg7 : memref<128x128xf32, #tpu.memory_space<vmem>>) dst(%dma_wait3A_98 : memref<10240x128xf32, #tpu.memory_space<vmem_shared>>)
      } else {
      }
      %dma_start3A_57 = arith.constant 0 : i32
      %dma_start3A_58 = tpu.memref_slice %arg6[%add3A_51, %dma_start3A_57] : memref<80x128xi32, #tpu.memory_space<vmem>> -> memref<1x128xi32, #tpu.memory_space<vmem>>
      %dma_start3A_59 = tpu.memref_squeeze %dma_start3A_58 : memref<1x128xi32, #tpu.memory_space<vmem>> -> memref<128xi32, #tpu.memory_space<vmem>>
      %dma_start3A_60 = arith.constant 0 : i32
      %dma_start3A_61 = arith.constant 0 : i32
      %dma_start3A_62 = tpu.memref_slice %arg8[%dma_start3A_60, %dma_start3A_61] : memref<10240x128xf32, #tpu.memory_space<vmem_shared>> -> memref<10240x128xf32, #tpu.memory_space<vmem_shared>>
      tpu.enqueue_indirect_dma source(%arg7 : memref<128x128xf32, #tpu.memory_space<vmem>>) target(%dma_start3A_62 : memref<10240x128xf32, #tpu.memory_space<vmem_shared>>) offsets(%dma_start3A_59 : memref<128xi32, #tpu.memory_space<vmem>>) semaphore(%arg10 : memref<!tpu.dma_semaphore, #tpu.memory_space<semaphore_mem>>) {add = true}
      %mul3A_63 = arith.constant 4 : i32
      %mul3A_64 = arith.muli %scan3A_36, %mul3A_63 : i32
      %add3A_65 = arith.constant 2 : i32
      %add3A_66 = arith.addi %mul3A_64, %add3A_65 : i32
      %ge3A_67 = arith.constant 4 : i32
      %ge3A_68 = arith.cmpi sge, %add3A_66, %ge3A_67 : i32
      %convert_element_type3A_69 = arith.extui %ge3A_68 : i1 to i32
      %cond3A_70 = arith.constant 0 : i32
      %cond3A_71 = arith.cmpi ne, %convert_element_type3A_69, %cond3A_70 : i32
      scf.if %cond3A_71 {
        %dma_wait3A_93 = arith.constant 0 : i32
        %dma_wait3A_94 = tpu.memref_slice %arg6[%add3A_66, %dma_wait3A_93] : memref<80x128xi32, #tpu.memory_space<vmem>> -> memref<1x128xi32, #tpu.memory_space<vmem>>
        %dma_wait3A_95 = tpu.memref_squeeze %dma_wait3A_94 : memref<1x128xi32, #tpu.memory_space<vmem>> -> memref<128xi32, #tpu.memory_space<vmem>>
        %dma_wait3A_96 = arith.constant 0 : i32
        %dma_wait3A_97 = arith.constant 0 : i32
        %dma_wait3A_98 = tpu.memref_slice %arg8[%dma_wait3A_96, %dma_wait3A_97] : memref<10240x128xf32, #tpu.memory_space<vmem_shared>> -> memref<10240x128xf32, #tpu.memory_space<vmem_shared>>
        tpu.wait_indirect_dma semaphore(%arg11 : memref<!tpu.dma_semaphore, #tpu.memory_space<semaphore_mem>>) src(%arg7 : memref<128x128xf32, #tpu.memory_space<vmem>>) dst(%dma_wait3A_98 : memref<10240x128xf32, #tpu.memory_space<vmem_shared>>)
      } else {
      }
      %dma_start3A_72 = arith.constant 0 : i32
      %dma_start3A_73 = tpu.memref_slice %arg6[%add3A_66, %dma_start3A_72] : memref<80x128xi32, #tpu.memory_space<vmem>> -> memref<1x128xi32, #tpu.memory_space<vmem>>
      %dma_start3A_74 = tpu.memref_squeeze %dma_start3A_73 : memref<1x128xi32, #tpu.memory_space<vmem>> -> memref<128xi32, #tpu.memory_space<vmem>>
      %dma_start3A_75 = arith.constant 0 : i32
      %dma_start3A_76 = arith.constant 0 : i32
      %dma_start3A_77 = tpu.memref_slice %arg8[%dma_start3A_75, %dma_start3A_76] : memref<10240x128xf32, #tpu.memory_space<vmem_shared>> -> memref<10240x128xf32, #tpu.memory_space<vmem_shared>>
      tpu.enqueue_indirect_dma source(%arg7 : memref<128x128xf32, #tpu.memory_space<vmem>>) target(%dma_start3A_77 : memref<10240x128xf32, #tpu.memory_space<vmem_shared>>) offsets(%dma_start3A_74 : memref<128xi32, #tpu.memory_space<vmem>>) semaphore(%arg11 : memref<!tpu.dma_semaphore, #tpu.memory_space<semaphore_mem>>) {add = true}
      %mul3A_78 = arith.constant 4 : i32
      %mul3A_79 = arith.muli %scan3A_36, %mul3A_78 : i32
      %add3A_80 = arith.constant 3 : i32
      %add3A_81 = arith.addi %mul3A_79, %add3A_80 : i32
      %ge3A_82 = arith.constant 4 : i32
      %ge3A_83 = arith.cmpi sge, %add3A_81, %ge3A_82 : i32
      %convert_element_type3A_84 = arith.extui %ge3A_83 : i1 to i32
      %cond3A_85 = arith.constant 0 : i32
      %cond3A_86 = arith.cmpi ne, %convert_element_type3A_84, %cond3A_85 : i32
      scf.if %cond3A_86 {
        %dma_wait3A_93 = arith.constant 0 : i32
        %dma_wait3A_94 = tpu.memref_slice %arg6[%add3A_81, %dma_wait3A_93] : memref<80x128xi32, #tpu.memory_space<vmem>> -> memref<1x128xi32, #tpu.memory_space<vmem>>
        %dma_wait3A_95 = tpu.memref_squeeze %dma_wait3A_94 : memref<1x128xi32, #tpu.memory_space<vmem>> -> memref<128xi32, #tpu.memory_space<vmem>>
        %dma_wait3A_96 = arith.constant 0 : i32
        %dma_wait3A_97 = arith.constant 0 : i32
        %dma_wait3A_98 = tpu.memref_slice %arg8[%dma_wait3A_96, %dma_wait3A_97] : memref<10240x128xf32, #tpu.memory_space<vmem_shared>> -> memref<10240x128xf32, #tpu.memory_space<vmem_shared>>
        tpu.wait_indirect_dma semaphore(%arg12 : memref<!tpu.dma_semaphore, #tpu.memory_space<semaphore_mem>>) src(%arg7 : memref<128x128xf32, #tpu.memory_space<vmem>>) dst(%dma_wait3A_98 : memref<10240x128xf32, #tpu.memory_space<vmem_shared>>)
      } else {
      }
      %dma_start3A_87 = arith.constant 0 : i32
      %dma_start3A_88 = tpu.memref_slice %arg6[%add3A_81, %dma_start3A_87] : memref<80x128xi32, #tpu.memory_space<vmem>> -> memref<1x128xi32, #tpu.memory_space<vmem>>
      %dma_start3A_89 = tpu.memref_squeeze %dma_start3A_88 : memref<1x128xi32, #tpu.memory_space<vmem>> -> memref<128xi32, #tpu.memory_space<vmem>>
      %dma_start3A_90 = arith.constant 0 : i32
      %dma_start3A_91 = arith.constant 0 : i32
      %dma_start3A_92 = tpu.memref_slice %arg8[%dma_start3A_90, %dma_start3A_91] : memref<10240x128xf32, #tpu.memory_space<vmem_shared>> -> memref<10240x128xf32, #tpu.memory_space<vmem_shared>>
      tpu.enqueue_indirect_dma source(%arg7 : memref<128x128xf32, #tpu.memory_space<vmem>>) target(%dma_start3A_92 : memref<10240x128xf32, #tpu.memory_space<vmem_shared>>) offsets(%dma_start3A_89 : memref<128xi32, #tpu.memory_space<vmem>>) semaphore(%arg12 : memref<!tpu.dma_semaphore, #tpu.memory_space<semaphore_mem>>) {add = true}
    }
    %scan3A_7 = arith.constant 20 : i32
    %dma_wait3A = arith.constant 0 : i32
    %dma_wait3A_8 = arith.constant 0 : i32
    %dma_wait3A_9 = tpu.memref_slice %arg6[%dma_wait3A, %dma_wait3A_8] : memref<80x128xi32, #tpu.memory_space<vmem>> -> memref<1x128xi32, #tpu.memory_space<vmem>>
    %dma_wait3A_10 = tpu.memref_squeeze %dma_wait3A_9 : memref<1x128xi32, #tpu.memory_space<vmem>> -> memref<128xi32, #tpu.memory_space<vmem>>
    %dma_wait3A_11 = arith.constant 0 : i32
    %dma_wait3A_12 = arith.constant 0 : i32
    %dma_wait3A_13 = tpu.memref_slice %arg8[%dma_wait3A_11, %dma_wait3A_12] : memref<10240x128xf32, #tpu.memory_space<vmem_shared>> -> memref<10240x128xf32, #tpu.memory_space<vmem_shared>>
    tpu.wait_indirect_dma semaphore(%arg9 : memref<!tpu.dma_semaphore, #tpu.memory_space<semaphore_mem>>) src(%arg7 : memref<128x128xf32, #tpu.memory_space<vmem>>) dst(%dma_wait3A_13 : memref<10240x128xf32, #tpu.memory_space<vmem_shared>>)
    %dma_wait3A_14 = arith.constant 0 : i32
    %dma_wait3A_15 = arith.constant 0 : i32
    %dma_wait3A_16 = tpu.memref_slice %arg6[%dma_wait3A_14, %dma_wait3A_15] : memref<80x128xi32, #tpu.memory_space<vmem>> -> memref<1x128xi32, #tpu.memory_space<vmem>>
    %dma_wait3A_17 = tpu.memref_squeeze %dma_wait3A_16 : memref<1x128xi32, #tpu.memory_space<vmem>> -> memref<128xi32, #tpu.memory_space<vmem>>
    %dma_wait3A_18 = arith.constant 0 : i32
    %dma_wait3A_19 = arith.constant 0 : i32
    %dma_wait3A_20 = tpu.memref_slice %arg8[%dma_wait3A_18, %dma_wait3A_19] : memref<10240x128xf32, #tpu.memory_space<vmem_shared>> -> memref<10240x128xf32, #tpu.memory_space<vmem_shared>>
    tpu.wait_indirect_dma semaphore(%arg10 : memref<!tpu.dma_semaphore, #tpu.memory_space<semaphore_mem>>) src(%arg7 : memref<128x128xf32, #tpu.memory_space<vmem>>) dst(%dma_wait3A_20 : memref<10240x128xf32, #tpu.memory_space<vmem_shared>>)
    %dma_wait3A_21 = arith.constant 0 : i32
    %dma_wait3A_22 = arith.constant 0 : i32
    %dma_wait3A_23 = tpu.memref_slice %arg6[%dma_wait3A_21, %dma_wait3A_22] : memref<80x128xi32, #tpu.memory_space<vmem>> -> memref<1x128xi32, #tpu.memory_space<vmem>>
    %dma_wait3A_24 = tpu.memref_squeeze %dma_wait3A_23 : memref<1x128xi32, #tpu.memory_space<vmem>> -> memref<128xi32, #tpu.memory_space<vmem>>
    %dma_wait3A_25 = arith.constant 0 : i32
    %dma_wait3A_26 = arith.constant 0 : i32
    %dma_wait3A_27 = tpu.memref_slice %arg8[%dma_wait3A_25, %dma_wait3A_26] : memref<10240x128xf32, #tpu.memory_space<vmem_shared>> -> memref<10240x128xf32, #tpu.memory_space<vmem_shared>>
    tpu.wait_indirect_dma semaphore(%arg11 : memref<!tpu.dma_semaphore, #tpu.memory_space<semaphore_mem>>) src(%arg7 : memref<128x128xf32, #tpu.memory_space<vmem>>) dst(%dma_wait3A_27 : memref<10240x128xf32, #tpu.memory_space<vmem_shared>>)
    %dma_wait3A_28 = arith.constant 0 : i32
    %dma_wait3A_29 = arith.constant 0 : i32
    %dma_wait3A_30 = tpu.memref_slice %arg6[%dma_wait3A_28, %dma_wait3A_29] : memref<80x128xi32, #tpu.memory_space<vmem>> -> memref<1x128xi32, #tpu.memory_space<vmem>>
    %dma_wait3A_31 = tpu.memref_squeeze %dma_wait3A_30 : memref<1x128xi32, #tpu.memory_space<vmem>> -> memref<128xi32, #tpu.memory_space<vmem>>
    %dma_wait3A_32 = arith.constant 0 : i32
    %dma_wait3A_33 = arith.constant 0 : i32
    %dma_wait3A_34 = tpu.memref_slice %arg8[%dma_wait3A_32, %dma_wait3A_33] : memref<10240x128xf32, #tpu.memory_space<vmem_shared>> -> memref<10240x128xf32, #tpu.memory_space<vmem_shared>>
    tpu.wait_indirect_dma semaphore(%arg12 : memref<!tpu.dma_semaphore, #tpu.memory_space<semaphore_mem>>) src(%arg7 : memref<128x128xf32, #tpu.memory_space<vmem>>) dst(%dma_wait3A_34 : memref<10240x128xf32, #tpu.memory_space<vmem_shared>>)
    %barrier3A_35 = arith.constant 0 : index
    tpu.barrier barrier_id(%barrier3A_35)
    "tpu.region"() ({
      %run_scoped3A = tpu.sem_alloc : memref<!tpu.dma_semaphore, #tpu.memory_space<semaphore_mem>>
      %dma_start3A = arith.constant 0 : i32
      %dma_start3A_36 = tpu.memref_slice %arg5[%arg0, %mul3A_2, %dma_start3A] : memref<2x10240x128xf32, #tpu.memory_space<hbm>> -> memref<1x640x128xf32, #tpu.memory_space<hbm>>
      %dma_start3A_37 = tpu.memref_squeeze %dma_start3A_36 : memref<1x640x128xf32, #tpu.memory_space<hbm>> -> memref<640x128xf32, #tpu.memory_space<hbm>>
      %dma_start3A_38 = arith.constant 0 : i32
      %dma_start3A_39 = tpu.memref_slice %arg8[%mul3A_2, %dma_start3A_38] : memref<10240x128xf32, #tpu.memory_space<vmem_shared>> -> memref<640x128xf32, #tpu.memory_space<vmem_shared>>
      tpu.enqueue_dma source(%dma_start3A_39 : memref<640x128xf32, #tpu.memory_space<vmem_shared>>) target(%dma_start3A_37 : memref<640x128xf32, #tpu.memory_space<hbm>>) target_semaphore(%run_scoped3A : memref<!tpu.dma_semaphore, #tpu.memory_space<semaphore_mem>>)
      %dma_wait3A_40 = arith.constant 0 : i32
      %dma_wait3A_41 = tpu.memref_slice %arg5[%arg0, %mul3A_2, %dma_wait3A_40] : memref<2x10240x128xf32, #tpu.memory_space<hbm>> -> memref<1x640x128xf32, #tpu.memory_space<hbm>>
      %dma_wait3A_42 = tpu.memref_squeeze %dma_wait3A_41 : memref<1x640x128xf32, #tpu.memory_space<hbm>> -> memref<640x128xf32, #tpu.memory_space<hbm>>
      %dma_wait3A_43 = arith.constant 0 : i32
      %dma_wait3A_44 = tpu.memref_slice %arg8[%mul3A_2, %dma_wait3A_43] : memref<10240x128xf32, #tpu.memory_space<vmem_shared>> -> memref<640x128xf32, #tpu.memory_space<vmem_shared>>
      tpu.wait_dma2 semaphore(%run_scoped3A : memref<!tpu.dma_semaphore, #tpu.memory_space<semaphore_mem>>) src(%dma_wait3A_44 : memref<640x128xf32, #tpu.memory_space<vmem_shared>>) dst(%dma_wait3A_42 : memref<640x128xf32, #tpu.memory_space<hbm>>)
      tpu.yield
    }) : () -> ()
    return
  }
}

#map = affine_map<(d0, d1) -> (0, 0)>
#map1 = affine_map<(d0, d1) -> (0, 0, 0)>
module attributes {stable_mosaic.version = 14 : i64} {
  func.func @_agg_body(%arg0: i32, %arg1: i32, %arg2: memref<10240x128xf32, #tpu.memory_space<hbm>>, %arg3: memref<32x80x128xi32, #tpu.memory_space<hbm>>, %arg4: memref<32x80x128xi32, #tpu.memory_space<hbm>>, %arg5: memref<10240x128xf32, #tpu.memory_space<hbm>>, %arg6: memref<2x10240x128xf32, #tpu.memory_space<hbm>>, %arg7: memref<2x8x128xi32, #tpu.memory_space<vmem>>, %arg8: memref<80x128xi32, #tpu.memory_space<vmem>>, %arg9: memref<2x128x128xf32, #tpu.memory_space<vmem>>, %arg10: memref<10240x128xf32, #tpu.memory_space<vmem_shared>>, %arg11: memref<!tpu.dma_semaphore, #tpu.memory_space<semaphore_mem>>, %arg12: memref<!tpu.dma_semaphore, #tpu.memory_space<semaphore_mem>>, %arg13: memref<!tpu.dma_semaphore, #tpu.memory_space<semaphore_mem>>, %arg14: memref<!tpu.dma_semaphore, #tpu.memory_space<semaphore_mem>>, %arg15: memref<!tpu.dma_semaphore, #tpu.memory_space<semaphore_mem>>) attributes {dimension_semantics = [#tpu.dimension_semantics<core_parallel>, #tpu.dimension_semantics<subcore_parallel>], iteration_bounds = array<i64: 2, 16>, scalar_prefetch = 0 : i64, scratch_operands = 9 : i64, tpu.core_type = #tpu.core_type<sc_vector_subcore>, window_params = [{transform_indices = #map}, {transform_indices = #map1}, {transform_indices = #map1}, {transform_indices = #map}, {transform_indices = #map1}]} {
    %mul3A = arith.constant 2 : i32
    %mul3A_0 = arith.muli %arg1, %mul3A : i32
    %add3A = arith.addi %mul3A_0, %arg0 : i32
    %mul3A_1 = arith.constant 640 : i32
    %mul3A_2 = arith.muli %arg1, %mul3A_1 : i32
    "tpu.region"() ({
      %run_scoped3A_49 = tpu.sem_alloc : memref<!tpu.dma_semaphore, #tpu.memory_space<semaphore_mem>>
      %dma_start3A_50 = arith.constant 0 : i32
      %dma_start3A_51 = tpu.memref_slice %arg10[%mul3A_2, %dma_start3A_50] : memref<10240x128xf32, #tpu.memory_space<vmem_shared>> -> memref<640x128xf32, #tpu.memory_space<vmem_shared>>
      %dma_start3A_52 = arith.constant 0 : i32
      %dma_start3A_53 = tpu.memref_slice %arg5[%mul3A_2, %dma_start3A_52] : memref<10240x128xf32, #tpu.memory_space<hbm>> -> memref<640x128xf32, #tpu.memory_space<hbm>>
      tpu.enqueue_dma source(%dma_start3A_53 : memref<640x128xf32, #tpu.memory_space<hbm>>) target(%dma_start3A_51 : memref<640x128xf32, #tpu.memory_space<vmem_shared>>) target_semaphore(%run_scoped3A_49 : memref<!tpu.dma_semaphore, #tpu.memory_space<semaphore_mem>>)
      %dma_wait3A_54 = arith.constant 0 : i32
      %dma_wait3A_55 = tpu.memref_slice %arg10[%mul3A_2, %dma_wait3A_54] : memref<10240x128xf32, #tpu.memory_space<vmem_shared>> -> memref<640x128xf32, #tpu.memory_space<vmem_shared>>
      %dma_wait3A_56 = arith.constant 0 : i32
      %dma_wait3A_57 = tpu.memref_slice %arg5[%mul3A_2, %dma_wait3A_56] : memref<10240x128xf32, #tpu.memory_space<hbm>> -> memref<640x128xf32, #tpu.memory_space<hbm>>
      tpu.wait_dma2 semaphore(%run_scoped3A_49 : memref<!tpu.dma_semaphore, #tpu.memory_space<semaphore_mem>>) src(%dma_wait3A_57 : memref<640x128xf32, #tpu.memory_space<hbm>>) dst(%dma_wait3A_55 : memref<640x128xf32, #tpu.memory_space<vmem_shared>>)
      tpu.yield
    }) : () -> ()
    "tpu.region"() ({
      %run_scoped3A_49 = tpu.sem_alloc : memref<!tpu.dma_semaphore, #tpu.memory_space<semaphore_mem>>
      %dma_start3A_50 = arith.constant 0 : i32
      %dma_start3A_51 = arith.constant 0 : i32
      %dma_start3A_52 = tpu.memref_slice %arg4[%add3A, %dma_start3A_50, %dma_start3A_51] : memref<32x80x128xi32, #tpu.memory_space<hbm>> -> memref<1x80x128xi32, #tpu.memory_space<hbm>>
      %dma_start3A_53 = tpu.memref_squeeze %dma_start3A_52 : memref<1x80x128xi32, #tpu.memory_space<hbm>> -> memref<80x128xi32, #tpu.memory_space<hbm>>
      %dma_start3A_54 = arith.constant 0 : i32
      %dma_start3A_55 = arith.constant 0 : i32
      %dma_start3A_56 = tpu.memref_slice %arg4[%add3A, %dma_start3A_54, %dma_start3A_55] : memref<32x80x128xi32, #tpu.memory_space<hbm>> -> memref<1x80x128xi32, #tpu.memory_space<hbm>>
      %dma_start3A_57 = tpu.memref_squeeze %dma_start3A_56 : memref<1x80x128xi32, #tpu.memory_space<hbm>> -> memref<80x128xi32, #tpu.memory_space<hbm>>
      tpu.enqueue_dma source(%dma_start3A_57 : memref<80x128xi32, #tpu.memory_space<hbm>>) target(%arg8 : memref<80x128xi32, #tpu.memory_space<vmem>>) target_semaphore(%run_scoped3A_49 : memref<!tpu.dma_semaphore, #tpu.memory_space<semaphore_mem>>)
      %dma_wait3A_58 = arith.constant 0 : i32
      %dma_wait3A_59 = arith.constant 0 : i32
      %dma_wait3A_60 = tpu.memref_slice %arg4[%add3A, %dma_wait3A_58, %dma_wait3A_59] : memref<32x80x128xi32, #tpu.memory_space<hbm>> -> memref<1x80x128xi32, #tpu.memory_space<hbm>>
      %dma_wait3A_61 = tpu.memref_squeeze %dma_wait3A_60 : memref<1x80x128xi32, #tpu.memory_space<hbm>> -> memref<80x128xi32, #tpu.memory_space<hbm>>
      %dma_wait3A_62 = arith.constant 0 : i32
      %dma_wait3A_63 = arith.constant 0 : i32
      %dma_wait3A_64 = tpu.memref_slice %arg4[%add3A, %dma_wait3A_62, %dma_wait3A_63] : memref<32x80x128xi32, #tpu.memory_space<hbm>> -> memref<1x80x128xi32, #tpu.memory_space<hbm>>
      %dma_wait3A_65 = tpu.memref_squeeze %dma_wait3A_64 : memref<1x80x128xi32, #tpu.memory_space<hbm>> -> memref<80x128xi32, #tpu.memory_space<hbm>>
      tpu.wait_dma2 semaphore(%run_scoped3A_49 : memref<!tpu.dma_semaphore, #tpu.memory_space<semaphore_mem>>) src(%dma_wait3A_65 : memref<80x128xi32, #tpu.memory_space<hbm>>) dst(%arg8 : memref<80x128xi32, #tpu.memory_space<vmem>>)
      tpu.yield
    }) : () -> ()
    %run_scoped3A = arith.constant 0 : i32
    "tpu.region"() ({
      %run_scoped3A_49 = tpu.sem_alloc : memref<!tpu.dma_semaphore, #tpu.memory_space<semaphore_mem>>
      %dma_start3A_50 = arith.constant 0 : i32
      %dma_start3A_51 = arith.constant 0 : i32
      %dma_start3A_52 = tpu.memref_slice %arg7[%run_scoped3A, %dma_start3A_50, %dma_start3A_51] : memref<2x8x128xi32, #tpu.memory_space<vmem>> -> memref<1x8x128xi32, #tpu.memory_space<vmem>>
      %dma_start3A_53 = tpu.memref_squeeze %dma_start3A_52 : memref<1x8x128xi32, #tpu.memory_space<vmem>> -> memref<8x128xi32, #tpu.memory_space<vmem>>
      %dma_start3A_54 = arith.constant 0 : i32
      %dma_start3A_55 = arith.constant 0 : i32
      %dma_start3A_56 = tpu.memref_slice %arg3[%add3A, %dma_start3A_54, %dma_start3A_55] : memref<32x80x128xi32, #tpu.memory_space<hbm>> -> memref<1x8x128xi32, #tpu.memory_space<hbm>>
      %dma_start3A_57 = tpu.memref_squeeze %dma_start3A_56 : memref<1x8x128xi32, #tpu.memory_space<hbm>> -> memref<8x128xi32, #tpu.memory_space<hbm>>
      %dma_start3A_58 = arith.constant 0 : i32
      %dma_start3A_59 = arith.constant 0 : i32
      %dma_start3A_60 = tpu.memref_slice %arg7[%run_scoped3A, %dma_start3A_58, %dma_start3A_59] : memref<2x8x128xi32, #tpu.memory_space<vmem>> -> memref<1x8x128xi32, #tpu.memory_space<vmem>>
      %dma_start3A_61 = tpu.memref_squeeze %dma_start3A_60 : memref<1x8x128xi32, #tpu.memory_space<vmem>> -> memref<8x128xi32, #tpu.memory_space<vmem>>
      %dma_start3A_62 = arith.constant 0 : i32
      %dma_start3A_63 = arith.constant 0 : i32
      %dma_start3A_64 = tpu.memref_slice %arg3[%add3A, %dma_start3A_62, %dma_start3A_63] : memref<32x80x128xi32, #tpu.memory_space<hbm>> -> memref<1x8x128xi32, #tpu.memory_space<hbm>>
      %dma_start3A_65 = tpu.memref_squeeze %dma_start3A_64 : memref<1x8x128xi32, #tpu.memory_space<hbm>> -> memref<8x128xi32, #tpu.memory_space<hbm>>
      tpu.enqueue_dma source(%dma_start3A_65 : memref<8x128xi32, #tpu.memory_space<hbm>>) target(%dma_start3A_61 : memref<8x128xi32, #tpu.memory_space<vmem>>) target_semaphore(%run_scoped3A_49 : memref<!tpu.dma_semaphore, #tpu.memory_space<semaphore_mem>>)
      %dma_wait3A_66 = arith.constant 0 : i32
      %dma_wait3A_67 = arith.constant 0 : i32
      %dma_wait3A_68 = tpu.memref_slice %arg7[%run_scoped3A, %dma_wait3A_66, %dma_wait3A_67] : memref<2x8x128xi32, #tpu.memory_space<vmem>> -> memref<1x8x128xi32, #tpu.memory_space<vmem>>
      %dma_wait3A_69 = tpu.memref_squeeze %dma_wait3A_68 : memref<1x8x128xi32, #tpu.memory_space<vmem>> -> memref<8x128xi32, #tpu.memory_space<vmem>>
      %dma_wait3A_70 = arith.constant 0 : i32
      %dma_wait3A_71 = arith.constant 0 : i32
      %dma_wait3A_72 = tpu.memref_slice %arg3[%add3A, %dma_wait3A_70, %dma_wait3A_71] : memref<32x80x128xi32, #tpu.memory_space<hbm>> -> memref<1x8x128xi32, #tpu.memory_space<hbm>>
      %dma_wait3A_73 = tpu.memref_squeeze %dma_wait3A_72 : memref<1x8x128xi32, #tpu.memory_space<hbm>> -> memref<8x128xi32, #tpu.memory_space<hbm>>
      %dma_wait3A_74 = arith.constant 0 : i32
      %dma_wait3A_75 = arith.constant 0 : i32
      %dma_wait3A_76 = tpu.memref_slice %arg7[%run_scoped3A, %dma_wait3A_74, %dma_wait3A_75] : memref<2x8x128xi32, #tpu.memory_space<vmem>> -> memref<1x8x128xi32, #tpu.memory_space<vmem>>
      %dma_wait3A_77 = tpu.memref_squeeze %dma_wait3A_76 : memref<1x8x128xi32, #tpu.memory_space<vmem>> -> memref<8x128xi32, #tpu.memory_space<vmem>>
      %dma_wait3A_78 = arith.constant 0 : i32
      %dma_wait3A_79 = arith.constant 0 : i32
      %dma_wait3A_80 = tpu.memref_slice %arg3[%add3A, %dma_wait3A_78, %dma_wait3A_79] : memref<32x80x128xi32, #tpu.memory_space<hbm>> -> memref<1x8x128xi32, #tpu.memory_space<hbm>>
      %dma_wait3A_81 = tpu.memref_squeeze %dma_wait3A_80 : memref<1x8x128xi32, #tpu.memory_space<hbm>> -> memref<8x128xi32, #tpu.memory_space<hbm>>
      tpu.wait_dma2 semaphore(%run_scoped3A_49 : memref<!tpu.dma_semaphore, #tpu.memory_space<semaphore_mem>>) src(%dma_wait3A_81 : memref<8x128xi32, #tpu.memory_space<hbm>>) dst(%dma_wait3A_77 : memref<8x128xi32, #tpu.memory_space<vmem>>)
      tpu.yield
    }) : () -> ()
    %dma_start3A = arith.constant 1 : i32
    %dma_start3A_3 = arith.constant 0 : i32
    %dma_start3A_4 = arith.constant 0 : i32
    %dma_start3A_5 = tpu.memref_slice %arg7[%dma_start3A, %dma_start3A_3, %dma_start3A_4] : memref<2x8x128xi32, #tpu.memory_space<vmem>> -> memref<1x8x128xi32, #tpu.memory_space<vmem>>
    %dma_start3A_6 = tpu.memref_squeeze %dma_start3A_5 : memref<1x8x128xi32, #tpu.memory_space<vmem>> -> memref<8x128xi32, #tpu.memory_space<vmem>>
    %dma_start3A_7 = arith.constant 8 : i32
    %dma_start3A_8 = arith.constant 0 : i32
    %dma_start3A_9 = tpu.memref_slice %arg3[%add3A, %dma_start3A_7, %dma_start3A_8] : memref<32x80x128xi32, #tpu.memory_space<hbm>> -> memref<1x8x128xi32, #tpu.memory_space<hbm>>
    %dma_start3A_10 = tpu.memref_squeeze %dma_start3A_9 : memref<1x8x128xi32, #tpu.memory_space<hbm>> -> memref<8x128xi32, #tpu.memory_space<hbm>>
    %dma_start3A_11 = arith.constant 0 : i32
    %dma_start3A_12 = arith.constant 0 : i32
    %dma_start3A_13 = tpu.memref_slice %arg7[%dma_start3A, %dma_start3A_11, %dma_start3A_12] : memref<2x8x128xi32, #tpu.memory_space<vmem>> -> memref<1x8x128xi32, #tpu.memory_space<vmem>>
    %dma_start3A_14 = tpu.memref_squeeze %dma_start3A_13 : memref<1x8x128xi32, #tpu.memory_space<vmem>> -> memref<8x128xi32, #tpu.memory_space<vmem>>
    %dma_start3A_15 = arith.constant 8 : i32
    %dma_start3A_16 = arith.constant 0 : i32
    %dma_start3A_17 = tpu.memref_slice %arg3[%add3A, %dma_start3A_15, %dma_start3A_16] : memref<32x80x128xi32, #tpu.memory_space<hbm>> -> memref<1x8x128xi32, #tpu.memory_space<hbm>>
    %dma_start3A_18 = tpu.memref_squeeze %dma_start3A_17 : memref<1x8x128xi32, #tpu.memory_space<hbm>> -> memref<8x128xi32, #tpu.memory_space<hbm>>
    tpu.enqueue_dma source(%dma_start3A_18 : memref<8x128xi32, #tpu.memory_space<hbm>>) target(%dma_start3A_14 : memref<8x128xi32, #tpu.memory_space<vmem>>) target_semaphore(%arg15 : memref<!tpu.dma_semaphore, #tpu.memory_space<semaphore_mem>>)
    %barrier3A = arith.constant 0 : index
    tpu.barrier barrier_id(%barrier3A)
    %dma_start3A_19 = arith.constant 0 : i32
    %dma_start3A_20 = arith.constant 0 : i32
    %dma_start3A_21 = arith.constant 0 : i32
    %dma_start3A_22 = arith.constant 0 : i32
    %dma_start3A_23 = arith.constant 0 : i32
    %dma_start3A_24 = tpu.memref_slice %arg9[%dma_start3A_21, %dma_start3A_22, %dma_start3A_23] : memref<2x128x128xf32, #tpu.memory_space<vmem>> -> memref<1x128x128xf32, #tpu.memory_space<vmem>>
    %dma_start3A_25 = tpu.memref_squeeze %dma_start3A_24 : memref<1x128x128xf32, #tpu.memory_space<vmem>> -> memref<128x128xf32, #tpu.memory_space<vmem>>
    %dma_start3A_26 = arith.constant 0 : i32
    %dma_start3A_27 = tpu.memref_slice %arg7[%dma_start3A_19, %dma_start3A_20, %dma_start3A_26] : memref<2x8x128xi32, #tpu.memory_space<vmem>> -> memref<1x1x128xi32, #tpu.memory_space<vmem>>
    %dma_start3A_28 = tpu.memref_squeeze %dma_start3A_27 : memref<1x1x128xi32, #tpu.memory_space<vmem>> -> memref<128xi32, #tpu.memory_space<vmem>>
    %dma_start3A_29 = arith.constant 0 : i32
    %dma_start3A_30 = arith.constant 0 : i32
    %dma_start3A_31 = tpu.memref_slice %arg2[%dma_start3A_29, %dma_start3A_30] : memref<10240x128xf32, #tpu.memory_space<hbm>> -> memref<10240x128xf32, #tpu.memory_space<hbm>>
    tpu.enqueue_indirect_dma source(%dma_start3A_31 : memref<10240x128xf32, #tpu.memory_space<hbm>>) target(%dma_start3A_25 : memref<128x128xf32, #tpu.memory_space<vmem>>) offsets(%dma_start3A_28 : memref<128xi32, #tpu.memory_space<vmem>>) semaphore(%arg11 : memref<!tpu.dma_semaphore, #tpu.memory_space<semaphore_mem>>)
    %scan3A = arith.constant 0 : i32
    %scan3A_32 = arith.constant 0 : i32
    %scan3A_33 = arith.constant 40 : i32
    %scan3A_34 = arith.addi %scan3A_32, %scan3A_33 : i32
    %scan3A_35 = arith.constant 1 : i32
    scf.for %scan3A_49 = %scan3A_32 to %scan3A_34 step %scan3A_35  : i32 {
      %mul3A_50 = arith.constant 2 : i32
      %mul3A_51 = arith.muli %scan3A_49, %mul3A_50 : i32
      %add3A_52 = arith.constant 0 : i32
      %add3A_53 = arith.addi %mul3A_51, %add3A_52 : i32
      %jit3A = arith.constant 8 : i32
      %eq3A = arith.constant 0 : i32
      %eq3A_54 = arith.cmpi eq, %jit3A, %eq3A : i32
      %jit3A_55 = arith.constant 1 : i32
      %select_n3A = arith.select %eq3A_54, %jit3A_55, %jit3A : i32
      %rem3A = arith.remsi %add3A_53, %select_n3A : i32
      %ne3A = arith.constant 0 : i32
      %ne3A_56 = arith.cmpi ne, %rem3A, %ne3A : i32
      %lt3A = arith.constant 0 : i32
      %lt3A_57 = arith.cmpi slt, %rem3A, %lt3A : i32
      %lt3A_58 = arith.constant 0 : i32
      %lt3A_59 = arith.cmpi slt, %select_n3A, %lt3A_58 : i32
      %ne3A_60 = arith.xori %lt3A_57, %lt3A_59 : i1
      %and3A = arith.andi %ne3A_60, %ne3A_56 : i1
      %add3A_61 = arith.addi %rem3A, %select_n3A : i32
      %select_n3A_62 = arith.select %and3A, %add3A_61, %rem3A : i32
      %eq3A_63 = arith.constant 7 : i32
      %eq3A_64 = arith.cmpi eq, %select_n3A_62, %eq3A_63 : i32
      %jit3A_65 = arith.constant 8 : i32
      %div3A = arith.divsi %add3A_53, %jit3A_65 : i32
      %sign3A = arith.constant 0 : i32
      %sign3A_66 = arith.cmpi sgt, %add3A_53, %sign3A : i32
      %sign3A_67 = arith.extui %sign3A_66 : i1 to i32
      %sign3A_68 = arith.constant 0 : i32
      %sign3A_69 = arith.cmpi slt, %add3A_53, %sign3A_68 : i32
      %sign3A_70 = arith.extui %sign3A_69 : i1 to i32
      %sign3A_71 = arith.subi %sign3A_67, %sign3A_70 : i32
      %sign3A_72 = arith.constant 0 : i32
      %sign3A_73 = arith.cmpi sgt, %jit3A_65, %sign3A_72 : i32
      %sign3A_74 = arith.extui %sign3A_73 : i1 to i32
      %sign3A_75 = arith.constant 0 : i32
      %sign3A_76 = arith.cmpi slt, %jit3A_65, %sign3A_75 : i32
      %sign3A_77 = arith.extui %sign3A_76 : i1 to i32
      %sign3A_78 = arith.subi %sign3A_74, %sign3A_77 : i32
      %ne3A_79 = arith.cmpi ne, %sign3A_71, %sign3A_78 : i32
      %rem3A_80 = arith.remsi %add3A_53, %jit3A_65 : i32
      %ne3A_81 = arith.constant 0 : i32
      %ne3A_82 = arith.cmpi ne, %rem3A_80, %ne3A_81 : i32
      %and3A_83 = arith.andi %ne3A_79, %ne3A_82 : i1
      %sub3A = arith.constant 1 : i32
      %sub3A_84 = arith.subi %div3A, %sub3A : i32
      %select_n3A_85 = arith.select %and3A_83, %sub3A_84, %div3A : i32
      %add3A_86 = arith.constant 1 : i32
      %add3A_87 = arith.addi %select_n3A_85, %add3A_86 : i32
      %lt3A_88 = arith.constant 10 : i32
      %lt3A_89 = arith.cmpi slt, %add3A_87, %lt3A_88 : i32
      %and3A_90 = arith.andi %eq3A_64, %lt3A_89 : i1
      %convert_element_type3A = arith.extui %and3A_90 : i1 to i32
      %cond3A = arith.constant 0 : i32
      %cond3A_91 = arith.cmpi ne, %convert_element_type3A, %cond3A : i32
      scf.if %cond3A_91 {
        %dma_wait3A_317 = arith.constant 0 : i32
        %dma_wait3A_318 = arith.constant 0 : i32
        %dma_wait3A_319 = arith.constant 0 : i32
        %dma_wait3A_320 = tpu.memref_slice %arg7[%dma_wait3A_317, %dma_wait3A_318, %dma_wait3A_319] : memref<2x8x128xi32, #tpu.memory_space<vmem>> -> memref<1x8x128xi32, #tpu.memory_space<vmem>>
        %dma_wait3A_321 = tpu.memref_squeeze %dma_wait3A_320 : memref<1x8x128xi32, #tpu.memory_space<vmem>> -> memref<8x128xi32, #tpu.memory_space<vmem>>
        %dma_wait3A_322 = arith.constant 0 : i32
        %dma_wait3A_323 = arith.constant 0 : i32
        %dma_wait3A_324 = tpu.memref_slice %arg3[%add3A, %dma_wait3A_322, %dma_wait3A_323] : memref<32x80x128xi32, #tpu.memory_space<hbm>> -> memref<1x8x128xi32, #tpu.memory_space<hbm>>
        %dma_wait3A_325 = tpu.memref_squeeze %dma_wait3A_324 : memref<1x8x128xi32, #tpu.memory_space<hbm>> -> memref<8x128xi32, #tpu.memory_space<hbm>>
        %dma_wait3A_326 = arith.constant 0 : i32
        %dma_wait3A_327 = arith.constant 0 : i32
        %dma_wait3A_328 = tpu.memref_slice %arg7[%dma_wait3A_317, %dma_wait3A_326, %dma_wait3A_327] : memref<2x8x128xi32, #tpu.memory_space<vmem>> -> memref<1x8x128xi32, #tpu.memory_space<vmem>>
        %dma_wait3A_329 = tpu.memref_squeeze %dma_wait3A_328 : memref<1x8x128xi32, #tpu.memory_space<vmem>> -> memref<8x128xi32, #tpu.memory_space<vmem>>
        %dma_wait3A_330 = arith.constant 0 : i32
        %dma_wait3A_331 = arith.constant 0 : i32
        %dma_wait3A_332 = tpu.memref_slice %arg3[%add3A, %dma_wait3A_330, %dma_wait3A_331] : memref<32x80x128xi32, #tpu.memory_space<hbm>> -> memref<1x8x128xi32, #tpu.memory_space<hbm>>
        %dma_wait3A_333 = tpu.memref_squeeze %dma_wait3A_332 : memref<1x8x128xi32, #tpu.memory_space<hbm>> -> memref<8x128xi32, #tpu.memory_space<hbm>>
        tpu.wait_dma2 semaphore(%arg15 : memref<!tpu.dma_semaphore, #tpu.memory_space<semaphore_mem>>) src(%dma_wait3A_333 : memref<8x128xi32, #tpu.memory_space<hbm>>) dst(%dma_wait3A_329 : memref<8x128xi32, #tpu.memory_space<vmem>>)
      } else {
      }
      %ge3A = arith.constant 1 : i32
      %ge3A_92 = arith.cmpi sge, %add3A_53, %ge3A : i32
      %convert_element_type3A_93 = arith.extui %ge3A_92 : i1 to i32
      %cond3A_94 = arith.constant 0 : i32
      %cond3A_95 = arith.cmpi ne, %convert_element_type3A_93, %cond3A_94 : i32
      scf.if %cond3A_95 {
        %dma_wait3A_317 = arith.constant 1 : i32
        %dma_wait3A_318 = arith.constant 0 : i32
        %dma_wait3A_319 = arith.constant 0 : i32
        %dma_wait3A_320 = tpu.memref_slice %arg9[%dma_wait3A_317, %dma_wait3A_318, %dma_wait3A_319] : memref<2x128x128xf32, #tpu.memory_space<vmem>> -> memref<1x128x128xf32, #tpu.memory_space<vmem>>
        %dma_wait3A_321 = tpu.memref_squeeze %dma_wait3A_320 : memref<1x128x128xf32, #tpu.memory_space<vmem>> -> memref<128x128xf32, #tpu.memory_space<vmem>>
        %dma_wait3A_322 = arith.constant 0 : i32
        %dma_wait3A_323 = tpu.memref_slice %arg8[%add3A_53, %dma_wait3A_322] : memref<80x128xi32, #tpu.memory_space<vmem>> -> memref<1x128xi32, #tpu.memory_space<vmem>>
        %dma_wait3A_324 = tpu.memref_squeeze %dma_wait3A_323 : memref<1x128xi32, #tpu.memory_space<vmem>> -> memref<128xi32, #tpu.memory_space<vmem>>
        %dma_wait3A_325 = arith.constant 0 : i32
        %dma_wait3A_326 = arith.constant 0 : i32
        %dma_wait3A_327 = tpu.memref_slice %arg10[%dma_wait3A_325, %dma_wait3A_326] : memref<10240x128xf32, #tpu.memory_space<vmem_shared>> -> memref<10240x128xf32, #tpu.memory_space<vmem_shared>>
        tpu.wait_indirect_dma semaphore(%arg14 : memref<!tpu.dma_semaphore, #tpu.memory_space<semaphore_mem>>) src(%dma_wait3A_321 : memref<128x128xf32, #tpu.memory_space<vmem>>) dst(%dma_wait3A_327 : memref<10240x128xf32, #tpu.memory_space<vmem_shared>>)
      } else {
      }
      %add3A_96 = arith.constant 1 : i32
      %add3A_97 = arith.addi %add3A_53, %add3A_96 : i32
      %lt3A_98 = arith.constant 80 : i32
      %lt3A_99 = arith.cmpi slt, %add3A_97, %lt3A_98 : i32
      %convert_element_type3A_100 = arith.extui %lt3A_99 : i1 to i32
      %cond3A_101 = arith.constant 0 : i32
      %cond3A_102 = arith.cmpi ne, %convert_element_type3A_100, %cond3A_101 : i32
      scf.if %cond3A_102 {
        %add3A_317 = arith.constant 1 : i32
        %add3A_318 = arith.addi %add3A_53, %add3A_317 : i32
        %jit3A_319 = arith.constant 8 : i32
        %div3A_320 = arith.divsi %add3A_318, %jit3A_319 : i32
        %sign3A_321 = arith.constant 0 : i32
        %sign3A_322 = arith.cmpi sgt, %add3A_318, %sign3A_321 : i32
        %sign3A_323 = arith.extui %sign3A_322 : i1 to i32
        %sign3A_324 = arith.constant 0 : i32
        %sign3A_325 = arith.cmpi slt, %add3A_318, %sign3A_324 : i32
        %sign3A_326 = arith.extui %sign3A_325 : i1 to i32
        %sign3A_327 = arith.subi %sign3A_323, %sign3A_326 : i32
        %sign3A_328 = arith.constant 0 : i32
        %sign3A_329 = arith.cmpi sgt, %jit3A_319, %sign3A_328 : i32
        %sign3A_330 = arith.extui %sign3A_329 : i1 to i32
        %sign3A_331 = arith.constant 0 : i32
        %sign3A_332 = arith.cmpi slt, %jit3A_319, %sign3A_331 : i32
        %sign3A_333 = arith.extui %sign3A_332 : i1 to i32
        %sign3A_334 = arith.subi %sign3A_330, %sign3A_333 : i32
        %ne3A_335 = arith.cmpi ne, %sign3A_327, %sign3A_334 : i32
        %rem3A_336 = arith.remsi %add3A_318, %jit3A_319 : i32
        %ne3A_337 = arith.constant 0 : i32
        %ne3A_338 = arith.cmpi ne, %rem3A_336, %ne3A_337 : i32
        %and3A_339 = arith.andi %ne3A_335, %ne3A_338 : i1
        %sub3A_340 = arith.constant 1 : i32
        %sub3A_341 = arith.subi %div3A_320, %sub3A_340 : i32
        %select_n3A_342 = arith.select %and3A_339, %sub3A_341, %div3A_320 : i32
        %jit3A_343 = arith.constant 2 : i32
        %eq3A_344 = arith.constant 0 : i32
        %eq3A_345 = arith.cmpi eq, %jit3A_343, %eq3A_344 : i32
        %jit3A_346 = arith.constant 1 : i32
        %select_n3A_347 = arith.select %eq3A_345, %jit3A_346, %jit3A_343 : i32
        %rem3A_348 = arith.remsi %select_n3A_342, %select_n3A_347 : i32
        %ne3A_349 = arith.constant 0 : i32
        %ne3A_350 = arith.cmpi ne, %rem3A_348, %ne3A_349 : i32
        %lt3A_351 = arith.constant 0 : i32
        %lt3A_352 = arith.cmpi slt, %rem3A_348, %lt3A_351 : i32
        %lt3A_353 = arith.constant 0 : i32
        %lt3A_354 = arith.cmpi slt, %select_n3A_347, %lt3A_353 : i32
        %ne3A_355 = arith.xori %lt3A_352, %lt3A_354 : i1
        %and3A_356 = arith.andi %ne3A_355, %ne3A_350 : i1
        %add3A_357 = arith.addi %rem3A_348, %select_n3A_347 : i32
        %select_n3A_358 = arith.select %and3A_356, %add3A_357, %rem3A_348 : i32
        %jit3A_359 = arith.constant 8 : i32
        %eq3A_360 = arith.constant 0 : i32
        %eq3A_361 = arith.cmpi eq, %jit3A_359, %eq3A_360 : i32
        %jit3A_362 = arith.constant 1 : i32
        %select_n3A_363 = arith.select %eq3A_361, %jit3A_362, %jit3A_359 : i32
        %rem3A_364 = arith.remsi %add3A_318, %select_n3A_363 : i32
        %ne3A_365 = arith.constant 0 : i32
        %ne3A_366 = arith.cmpi ne, %rem3A_364, %ne3A_365 : i32
        %lt3A_367 = arith.constant 0 : i32
        %lt3A_368 = arith.cmpi slt, %rem3A_364, %lt3A_367 : i32
        %lt3A_369 = arith.constant 0 : i32
        %lt3A_370 = arith.cmpi slt, %select_n3A_363, %lt3A_369 : i32
        %ne3A_371 = arith.xori %lt3A_368, %lt3A_370 : i1
        %and3A_372 = arith.andi %ne3A_371, %ne3A_366 : i1
        %add3A_373 = arith.addi %rem3A_364, %select_n3A_363 : i32
        %select_n3A_374 = arith.select %and3A_372, %add3A_373, %rem3A_364 : i32
        %dma_start3A_375 = arith.constant 1 : i32
        %dma_start3A_376 = arith.constant 0 : i32
        %dma_start3A_377 = arith.constant 0 : i32
        %dma_start3A_378 = tpu.memref_slice %arg9[%dma_start3A_375, %dma_start3A_376, %dma_start3A_377] : memref<2x128x128xf32, #tpu.memory_space<vmem>> -> memref<1x128x128xf32, #tpu.memory_space<vmem>>
        %dma_start3A_379 = tpu.memref_squeeze %dma_start3A_378 : memref<1x128x128xf32, #tpu.memory_space<vmem>> -> memref<128x128xf32, #tpu.memory_space<vmem>>
        %dma_start3A_380 = arith.constant 0 : i32
        %dma_start3A_381 = tpu.memref_slice %arg7[%select_n3A_358, %select_n3A_374, %dma_start3A_380] : memref<2x8x128xi32, #tpu.memory_space<vmem>> -> memref<1x1x128xi32, #tpu.memory_space<vmem>>
        %dma_start3A_382 = tpu.memref_squeeze %dma_start3A_381 : memref<1x1x128xi32, #tpu.memory_space<vmem>> -> memref<128xi32, #tpu.memory_space<vmem>>
        %dma_start3A_383 = arith.constant 0 : i32
        %dma_start3A_384 = arith.constant 0 : i32
        %dma_start3A_385 = tpu.memref_slice %arg2[%dma_start3A_383, %dma_start3A_384] : memref<10240x128xf32, #tpu.memory_space<hbm>> -> memref<10240x128xf32, #tpu.memory_space<hbm>>
        tpu.enqueue_indirect_dma source(%dma_start3A_385 : memref<10240x128xf32, #tpu.memory_space<hbm>>) target(%dma_start3A_379 : memref<128x128xf32, #tpu.memory_space<vmem>>) offsets(%dma_start3A_382 : memref<128xi32, #tpu.memory_space<vmem>>) semaphore(%arg12 : memref<!tpu.dma_semaphore, #tpu.memory_space<semaphore_mem>>)
      } else {
      }
      %dma_wait3A_103 = arith.constant 0 : i32
      %dma_wait3A_104 = arith.constant 0 : i32
      %dma_wait3A_105 = arith.constant 0 : i32
      %dma_wait3A_106 = arith.constant 0 : i32
      %dma_wait3A_107 = arith.constant 0 : i32
      %dma_wait3A_108 = tpu.memref_slice %arg9[%dma_wait3A_105, %dma_wait3A_106, %dma_wait3A_107] : memref<2x128x128xf32, #tpu.memory_space<vmem>> -> memref<1x128x128xf32, #tpu.memory_space<vmem>>
      %dma_wait3A_109 = tpu.memref_squeeze %dma_wait3A_108 : memref<1x128x128xf32, #tpu.memory_space<vmem>> -> memref<128x128xf32, #tpu.memory_space<vmem>>
      %dma_wait3A_110 = arith.constant 0 : i32
      %dma_wait3A_111 = tpu.memref_slice %arg7[%dma_wait3A_103, %dma_wait3A_104, %dma_wait3A_110] : memref<2x8x128xi32, #tpu.memory_space<vmem>> -> memref<1x1x128xi32, #tpu.memory_space<vmem>>
      %dma_wait3A_112 = tpu.memref_squeeze %dma_wait3A_111 : memref<1x1x128xi32, #tpu.memory_space<vmem>> -> memref<128xi32, #tpu.memory_space<vmem>>
      %dma_wait3A_113 = arith.constant 0 : i32
      %dma_wait3A_114 = arith.constant 0 : i32
      %dma_wait3A_115 = tpu.memref_slice %arg2[%dma_wait3A_113, %dma_wait3A_114] : memref<10240x128xf32, #tpu.memory_space<hbm>> -> memref<10240x128xf32, #tpu.memory_space<hbm>>
      tpu.wait_indirect_dma semaphore(%arg11 : memref<!tpu.dma_semaphore, #tpu.memory_space<semaphore_mem>>) src(%dma_wait3A_115 : memref<10240x128xf32, #tpu.memory_space<hbm>>) dst(%dma_wait3A_109 : memref<128x128xf32, #tpu.memory_space<vmem>>)
      %dma_start3A_116 = arith.constant 0 : i32
      %dma_start3A_117 = arith.constant 0 : i32
      %dma_start3A_118 = arith.constant 0 : i32
      %dma_start3A_119 = tpu.memref_slice %arg9[%dma_start3A_116, %dma_start3A_117, %dma_start3A_118] : memref<2x128x128xf32, #tpu.memory_space<vmem>> -> memref<1x128x128xf32, #tpu.memory_space<vmem>>
      %dma_start3A_120 = tpu.memref_squeeze %dma_start3A_119 : memref<1x128x128xf32, #tpu.memory_space<vmem>> -> memref<128x128xf32, #tpu.memory_space<vmem>>
      %dma_start3A_121 = arith.constant 0 : i32
      %dma_start3A_122 = tpu.memref_slice %arg8[%add3A_53, %dma_start3A_121] : memref<80x128xi32, #tpu.memory_space<vmem>> -> memref<1x128xi32, #tpu.memory_space<vmem>>
      %dma_start3A_123 = tpu.memref_squeeze %dma_start3A_122 : memref<1x128xi32, #tpu.memory_space<vmem>> -> memref<128xi32, #tpu.memory_space<vmem>>
      %dma_start3A_124 = arith.constant 0 : i32
      %dma_start3A_125 = arith.constant 0 : i32
      %dma_start3A_126 = tpu.memref_slice %arg10[%dma_start3A_124, %dma_start3A_125] : memref<10240x128xf32, #tpu.memory_space<vmem_shared>> -> memref<10240x128xf32, #tpu.memory_space<vmem_shared>>
      tpu.enqueue_indirect_dma source(%dma_start3A_120 : memref<128x128xf32, #tpu.memory_space<vmem>>) target(%dma_start3A_126 : memref<10240x128xf32, #tpu.memory_space<vmem_shared>>) offsets(%dma_start3A_123 : memref<128xi32, #tpu.memory_space<vmem>>) semaphore(%arg13 : memref<!tpu.dma_semaphore, #tpu.memory_space<semaphore_mem>>) {add = true}
      %jit3A_127 = arith.constant 8 : i32
      %eq3A_128 = arith.constant 0 : i32
      %eq3A_129 = arith.cmpi eq, %jit3A_127, %eq3A_128 : i32
      %jit3A_130 = arith.constant 1 : i32
      %select_n3A_131 = arith.select %eq3A_129, %jit3A_130, %jit3A_127 : i32
      %rem3A_132 = arith.remsi %add3A_53, %select_n3A_131 : i32
      %ne3A_133 = arith.constant 0 : i32
      %ne3A_134 = arith.cmpi ne, %rem3A_132, %ne3A_133 : i32
      %lt3A_135 = arith.constant 0 : i32
      %lt3A_136 = arith.cmpi slt, %rem3A_132, %lt3A_135 : i32
      %lt3A_137 = arith.constant 0 : i32
      %lt3A_138 = arith.cmpi slt, %select_n3A_131, %lt3A_137 : i32
      %ne3A_139 = arith.xori %lt3A_136, %lt3A_138 : i1
      %and3A_140 = arith.andi %ne3A_139, %ne3A_134 : i1
      %add3A_141 = arith.addi %rem3A_132, %select_n3A_131 : i32
      %select_n3A_142 = arith.select %and3A_140, %add3A_141, %rem3A_132 : i32
      %eq3A_143 = arith.constant 7 : i32
      %eq3A_144 = arith.cmpi eq, %select_n3A_142, %eq3A_143 : i32
      %jit3A_145 = arith.constant 8 : i32
      %div3A_146 = arith.divsi %add3A_53, %jit3A_145 : i32
      %sign3A_147 = arith.constant 0 : i32
      %sign3A_148 = arith.cmpi sgt, %add3A_53, %sign3A_147 : i32
      %sign3A_149 = arith.extui %sign3A_148 : i1 to i32
      %sign3A_150 = arith.constant 0 : i32
      %sign3A_151 = arith.cmpi slt, %add3A_53, %sign3A_150 : i32
      %sign3A_152 = arith.extui %sign3A_151 : i1 to i32
      %sign3A_153 = arith.subi %sign3A_149, %sign3A_152 : i32
      %sign3A_154 = arith.constant 0 : i32
      %sign3A_155 = arith.cmpi sgt, %jit3A_145, %sign3A_154 : i32
      %sign3A_156 = arith.extui %sign3A_155 : i1 to i32
      %sign3A_157 = arith.constant 0 : i32
      %sign3A_158 = arith.cmpi slt, %jit3A_145, %sign3A_157 : i32
      %sign3A_159 = arith.extui %sign3A_158 : i1 to i32
      %sign3A_160 = arith.subi %sign3A_156, %sign3A_159 : i32
      %ne3A_161 = arith.cmpi ne, %sign3A_153, %sign3A_160 : i32
      %rem3A_162 = arith.remsi %add3A_53, %jit3A_145 : i32
      %ne3A_163 = arith.constant 0 : i32
      %ne3A_164 = arith.cmpi ne, %rem3A_162, %ne3A_163 : i32
      %and3A_165 = arith.andi %ne3A_161, %ne3A_164 : i1
      %sub3A_166 = arith.constant 1 : i32
      %sub3A_167 = arith.subi %div3A_146, %sub3A_166 : i32
      %select_n3A_168 = arith.select %and3A_165, %sub3A_167, %div3A_146 : i32
      %add3A_169 = arith.constant 2 : i32
      %add3A_170 = arith.addi %select_n3A_168, %add3A_169 : i32
      %lt3A_171 = arith.constant 10 : i32
      %lt3A_172 = arith.cmpi slt, %add3A_170, %lt3A_171 : i32
      %and3A_173 = arith.andi %eq3A_144, %lt3A_172 : i1
      %convert_element_type3A_174 = arith.extui %and3A_173 : i1 to i32
      %cond3A_175 = arith.constant 0 : i32
      %cond3A_176 = arith.cmpi ne, %convert_element_type3A_174, %cond3A_175 : i32
      scf.if %cond3A_176 {
        %jit3A_317 = arith.constant 8 : i32
        %div3A_318 = arith.divsi %add3A_53, %jit3A_317 : i32
        %sign3A_319 = arith.constant 0 : i32
        %sign3A_320 = arith.cmpi sgt, %add3A_53, %sign3A_319 : i32
        %sign3A_321 = arith.extui %sign3A_320 : i1 to i32
        %sign3A_322 = arith.constant 0 : i32
        %sign3A_323 = arith.cmpi slt, %add3A_53, %sign3A_322 : i32
        %sign3A_324 = arith.extui %sign3A_323 : i1 to i32
        %sign3A_325 = arith.subi %sign3A_321, %sign3A_324 : i32
        %sign3A_326 = arith.constant 0 : i32
        %sign3A_327 = arith.cmpi sgt, %jit3A_317, %sign3A_326 : i32
        %sign3A_328 = arith.extui %sign3A_327 : i1 to i32
        %sign3A_329 = arith.constant 0 : i32
        %sign3A_330 = arith.cmpi slt, %jit3A_317, %sign3A_329 : i32
        %sign3A_331 = arith.extui %sign3A_330 : i1 to i32
        %sign3A_332 = arith.subi %sign3A_328, %sign3A_331 : i32
        %ne3A_333 = arith.cmpi ne, %sign3A_325, %sign3A_332 : i32
        %rem3A_334 = arith.remsi %add3A_53, %jit3A_317 : i32
        %ne3A_335 = arith.constant 0 : i32
        %ne3A_336 = arith.cmpi ne, %rem3A_334, %ne3A_335 : i32
        %and3A_337 = arith.andi %ne3A_333, %ne3A_336 : i1
        %sub3A_338 = arith.constant 1 : i32
        %sub3A_339 = arith.subi %div3A_318, %sub3A_338 : i32
        %select_n3A_340 = arith.select %and3A_337, %sub3A_339, %div3A_318 : i32
        %add3A_341 = arith.constant 2 : i32
        %add3A_342 = arith.addi %select_n3A_340, %add3A_341 : i32
        %mul3A_343 = arith.constant 8 : i32
        %mul3A_344 = arith.muli %add3A_342, %mul3A_343 : i32
        %jit3A_345 = arith.constant 2 : i32
        %eq3A_346 = arith.constant 0 : i32
        %eq3A_347 = arith.cmpi eq, %jit3A_345, %eq3A_346 : i32
        %jit3A_348 = arith.constant 1 : i32
        %select_n3A_349 = arith.select %eq3A_347, %jit3A_348, %jit3A_345 : i32
        %rem3A_350 = arith.remsi %select_n3A_340, %select_n3A_349 : i32
        %ne3A_351 = arith.constant 0 : i32
        %ne3A_352 = arith.cmpi ne, %rem3A_350, %ne3A_351 : i32
        %lt3A_353 = arith.constant 0 : i32
        %lt3A_354 = arith.cmpi slt, %rem3A_350, %lt3A_353 : i32
        %lt3A_355 = arith.constant 0 : i32
        %lt3A_356 = arith.cmpi slt, %select_n3A_349, %lt3A_355 : i32
        %ne3A_357 = arith.xori %lt3A_354, %lt3A_356 : i1
        %and3A_358 = arith.andi %ne3A_357, %ne3A_352 : i1
        %add3A_359 = arith.addi %rem3A_350, %select_n3A_349 : i32
        %select_n3A_360 = arith.select %and3A_358, %add3A_359, %rem3A_350 : i32
        %dma_start3A_361 = arith.constant 0 : i32
        %dma_start3A_362 = arith.constant 0 : i32
        %dma_start3A_363 = tpu.memref_slice %arg7[%select_n3A_360, %dma_start3A_361, %dma_start3A_362] : memref<2x8x128xi32, #tpu.memory_space<vmem>> -> memref<1x8x128xi32, #tpu.memory_space<vmem>>
        %dma_start3A_364 = tpu.memref_squeeze %dma_start3A_363 : memref<1x8x128xi32, #tpu.memory_space<vmem>> -> memref<8x128xi32, #tpu.memory_space<vmem>>
        %dma_start3A_365 = arith.constant 0 : i32
        %dma_start3A_366 = tpu.memref_slice %arg3[%add3A, %mul3A_344, %dma_start3A_365] : memref<32x80x128xi32, #tpu.memory_space<hbm>> -> memref<1x8x128xi32, #tpu.memory_space<hbm>>
        %dma_start3A_367 = tpu.memref_squeeze %dma_start3A_366 : memref<1x8x128xi32, #tpu.memory_space<hbm>> -> memref<8x128xi32, #tpu.memory_space<hbm>>
        %dma_start3A_368 = arith.constant 0 : i32
        %dma_start3A_369 = arith.constant 0 : i32
        %dma_start3A_370 = tpu.memref_slice %arg7[%select_n3A_360, %dma_start3A_368, %dma_start3A_369] : memref<2x8x128xi32, #tpu.memory_space<vmem>> -> memref<1x8x128xi32, #tpu.memory_space<vmem>>
        %dma_start3A_371 = tpu.memref_squeeze %dma_start3A_370 : memref<1x8x128xi32, #tpu.memory_space<vmem>> -> memref<8x128xi32, #tpu.memory_space<vmem>>
        %dma_start3A_372 = arith.constant 0 : i32
        %dma_start3A_373 = tpu.memref_slice %arg3[%add3A, %mul3A_344, %dma_start3A_372] : memref<32x80x128xi32, #tpu.memory_space<hbm>> -> memref<1x8x128xi32, #tpu.memory_space<hbm>>
        %dma_start3A_374 = tpu.memref_squeeze %dma_start3A_373 : memref<1x8x128xi32, #tpu.memory_space<hbm>> -> memref<8x128xi32, #tpu.memory_space<hbm>>
        tpu.enqueue_dma source(%dma_start3A_374 : memref<8x128xi32, #tpu.memory_space<hbm>>) target(%dma_start3A_371 : memref<8x128xi32, #tpu.memory_space<vmem>>) target_semaphore(%arg15 : memref<!tpu.dma_semaphore, #tpu.memory_space<semaphore_mem>>)
      } else {
      }
      %mul3A_177 = arith.constant 2 : i32
      %mul3A_178 = arith.muli %scan3A_49, %mul3A_177 : i32
      %add3A_179 = arith.constant 1 : i32
      %add3A_180 = arith.addi %mul3A_178, %add3A_179 : i32
      %jit3A_181 = arith.constant 8 : i32
      %eq3A_182 = arith.constant 0 : i32
      %eq3A_183 = arith.cmpi eq, %jit3A_181, %eq3A_182 : i32
      %jit3A_184 = arith.constant 1 : i32
      %select_n3A_185 = arith.select %eq3A_183, %jit3A_184, %jit3A_181 : i32
      %rem3A_186 = arith.remsi %add3A_180, %select_n3A_185 : i32
      %ne3A_187 = arith.constant 0 : i32
      %ne3A_188 = arith.cmpi ne, %rem3A_186, %ne3A_187 : i32
      %lt3A_189 = arith.constant 0 : i32
      %lt3A_190 = arith.cmpi slt, %rem3A_186, %lt3A_189 : i32
      %lt3A_191 = arith.constant 0 : i32
      %lt3A_192 = arith.cmpi slt, %select_n3A_185, %lt3A_191 : i32
      %ne3A_193 = arith.xori %lt3A_190, %lt3A_192 : i1
      %and3A_194 = arith.andi %ne3A_193, %ne3A_188 : i1
      %add3A_195 = arith.addi %rem3A_186, %select_n3A_185 : i32
      %select_n3A_196 = arith.select %and3A_194, %add3A_195, %rem3A_186 : i32
      %eq3A_197 = arith.constant 7 : i32
      %eq3A_198 = arith.cmpi eq, %select_n3A_196, %eq3A_197 : i32
      %jit3A_199 = arith.constant 8 : i32
      %div3A_200 = arith.divsi %add3A_180, %jit3A_199 : i32
      %sign3A_201 = arith.constant 0 : i32
      %sign3A_202 = arith.cmpi sgt, %add3A_180, %sign3A_201 : i32
      %sign3A_203 = arith.extui %sign3A_202 : i1 to i32
      %sign3A_204 = arith.constant 0 : i32
      %sign3A_205 = arith.cmpi slt, %add3A_180, %sign3A_204 : i32
      %sign3A_206 = arith.extui %sign3A_205 : i1 to i32
      %sign3A_207 = arith.subi %sign3A_203, %sign3A_206 : i32
      %sign3A_208 = arith.constant 0 : i32
      %sign3A_209 = arith.cmpi sgt, %jit3A_199, %sign3A_208 : i32
      %sign3A_210 = arith.extui %sign3A_209 : i1 to i32
      %sign3A_211 = arith.constant 0 : i32
      %sign3A_212 = arith.cmpi slt, %jit3A_199, %sign3A_211 : i32
      %sign3A_213 = arith.extui %sign3A_212 : i1 to i32
      %sign3A_214 = arith.subi %sign3A_210, %sign3A_213 : i32
      %ne3A_215 = arith.cmpi ne, %sign3A_207, %sign3A_214 : i32
      %rem3A_216 = arith.remsi %add3A_180, %jit3A_199 : i32
      %ne3A_217 = arith.constant 0 : i32
      %ne3A_218 = arith.cmpi ne, %rem3A_216, %ne3A_217 : i32
      %and3A_219 = arith.andi %ne3A_215, %ne3A_218 : i1
      %sub3A_220 = arith.constant 1 : i32
      %sub3A_221 = arith.subi %div3A_200, %sub3A_220 : i32
      %select_n3A_222 = arith.select %and3A_219, %sub3A_221, %div3A_200 : i32
      %add3A_223 = arith.constant 1 : i32
      %add3A_224 = arith.addi %select_n3A_222, %add3A_223 : i32
      %lt3A_225 = arith.constant 10 : i32
      %lt3A_226 = arith.cmpi slt, %add3A_224, %lt3A_225 : i32
      %and3A_227 = arith.andi %eq3A_198, %lt3A_226 : i1
      %convert_element_type3A_228 = arith.extui %and3A_227 : i1 to i32
      %cond3A_229 = arith.constant 0 : i32
      %cond3A_230 = arith.cmpi ne, %convert_element_type3A_228, %cond3A_229 : i32
      scf.if %cond3A_230 {
        %dma_wait3A_317 = arith.constant 0 : i32
        %dma_wait3A_318 = arith.constant 0 : i32
        %dma_wait3A_319 = arith.constant 0 : i32
        %dma_wait3A_320 = tpu.memref_slice %arg7[%dma_wait3A_317, %dma_wait3A_318, %dma_wait3A_319] : memref<2x8x128xi32, #tpu.memory_space<vmem>> -> memref<1x8x128xi32, #tpu.memory_space<vmem>>
        %dma_wait3A_321 = tpu.memref_squeeze %dma_wait3A_320 : memref<1x8x128xi32, #tpu.memory_space<vmem>> -> memref<8x128xi32, #tpu.memory_space<vmem>>
        %dma_wait3A_322 = arith.constant 0 : i32
        %dma_wait3A_323 = arith.constant 0 : i32
        %dma_wait3A_324 = tpu.memref_slice %arg3[%add3A, %dma_wait3A_322, %dma_wait3A_323] : memref<32x80x128xi32, #tpu.memory_space<hbm>> -> memref<1x8x128xi32, #tpu.memory_space<hbm>>
        %dma_wait3A_325 = tpu.memref_squeeze %dma_wait3A_324 : memref<1x8x128xi32, #tpu.memory_space<hbm>> -> memref<8x128xi32, #tpu.memory_space<hbm>>
        %dma_wait3A_326 = arith.constant 0 : i32
        %dma_wait3A_327 = arith.constant 0 : i32
        %dma_wait3A_328 = tpu.memref_slice %arg7[%dma_wait3A_317, %dma_wait3A_326, %dma_wait3A_327] : memref<2x8x128xi32, #tpu.memory_space<vmem>> -> memref<1x8x128xi32, #tpu.memory_space<vmem>>
        %dma_wait3A_329 = tpu.memref_squeeze %dma_wait3A_328 : memref<1x8x128xi32, #tpu.memory_space<vmem>> -> memref<8x128xi32, #tpu.memory_space<vmem>>
        %dma_wait3A_330 = arith.constant 0 : i32
        %dma_wait3A_331 = arith.constant 0 : i32
        %dma_wait3A_332 = tpu.memref_slice %arg3[%add3A, %dma_wait3A_330, %dma_wait3A_331] : memref<32x80x128xi32, #tpu.memory_space<hbm>> -> memref<1x8x128xi32, #tpu.memory_space<hbm>>
        %dma_wait3A_333 = tpu.memref_squeeze %dma_wait3A_332 : memref<1x8x128xi32, #tpu.memory_space<hbm>> -> memref<8x128xi32, #tpu.memory_space<hbm>>
        tpu.wait_dma2 semaphore(%arg15 : memref<!tpu.dma_semaphore, #tpu.memory_space<semaphore_mem>>) src(%dma_wait3A_333 : memref<8x128xi32, #tpu.memory_space<hbm>>) dst(%dma_wait3A_329 : memref<8x128xi32, #tpu.memory_space<vmem>>)
      } else {
      }
      %ge3A_231 = arith.constant 1 : i32
      %ge3A_232 = arith.cmpi sge, %add3A_180, %ge3A_231 : i32
      %convert_element_type3A_233 = arith.extui %ge3A_232 : i1 to i32
      %cond3A_234 = arith.constant 0 : i32
      %cond3A_235 = arith.cmpi ne, %convert_element_type3A_233, %cond3A_234 : i32
      scf.if %cond3A_235 {
        %dma_wait3A_317 = arith.constant 0 : i32
        %dma_wait3A_318 = arith.constant 0 : i32
        %dma_wait3A_319 = arith.constant 0 : i32
        %dma_wait3A_320 = tpu.memref_slice %arg9[%dma_wait3A_317, %dma_wait3A_318, %dma_wait3A_319] : memref<2x128x128xf32, #tpu.memory_space<vmem>> -> memref<1x128x128xf32, #tpu.memory_space<vmem>>
        %dma_wait3A_321 = tpu.memref_squeeze %dma_wait3A_320 : memref<1x128x128xf32, #tpu.memory_space<vmem>> -> memref<128x128xf32, #tpu.memory_space<vmem>>
        %dma_wait3A_322 = arith.constant 0 : i32
        %dma_wait3A_323 = tpu.memref_slice %arg8[%add3A_180, %dma_wait3A_322] : memref<80x128xi32, #tpu.memory_space<vmem>> -> memref<1x128xi32, #tpu.memory_space<vmem>>
        %dma_wait3A_324 = tpu.memref_squeeze %dma_wait3A_323 : memref<1x128xi32, #tpu.memory_space<vmem>> -> memref<128xi32, #tpu.memory_space<vmem>>
        %dma_wait3A_325 = arith.constant 0 : i32
        %dma_wait3A_326 = arith.constant 0 : i32
        %dma_wait3A_327 = tpu.memref_slice %arg10[%dma_wait3A_325, %dma_wait3A_326] : memref<10240x128xf32, #tpu.memory_space<vmem_shared>> -> memref<10240x128xf32, #tpu.memory_space<vmem_shared>>
        tpu.wait_indirect_dma semaphore(%arg13 : memref<!tpu.dma_semaphore, #tpu.memory_space<semaphore_mem>>) src(%dma_wait3A_321 : memref<128x128xf32, #tpu.memory_space<vmem>>) dst(%dma_wait3A_327 : memref<10240x128xf32, #tpu.memory_space<vmem_shared>>)
      } else {
      }
      %add3A_236 = arith.constant 1 : i32
      %add3A_237 = arith.addi %add3A_180, %add3A_236 : i32
      %lt3A_238 = arith.constant 80 : i32
      %lt3A_239 = arith.cmpi slt, %add3A_237, %lt3A_238 : i32
      %convert_element_type3A_240 = arith.extui %lt3A_239 : i1 to i32
      %cond3A_241 = arith.constant 0 : i32
      %cond3A_242 = arith.cmpi ne, %convert_element_type3A_240, %cond3A_241 : i32
      scf.if %cond3A_242 {
        %add3A_317 = arith.constant 1 : i32
        %add3A_318 = arith.addi %add3A_180, %add3A_317 : i32
        %jit3A_319 = arith.constant 8 : i32
        %div3A_320 = arith.divsi %add3A_318, %jit3A_319 : i32
        %sign3A_321 = arith.constant 0 : i32
        %sign3A_322 = arith.cmpi sgt, %add3A_318, %sign3A_321 : i32
        %sign3A_323 = arith.extui %sign3A_322 : i1 to i32
        %sign3A_324 = arith.constant 0 : i32
        %sign3A_325 = arith.cmpi slt, %add3A_318, %sign3A_324 : i32
        %sign3A_326 = arith.extui %sign3A_325 : i1 to i32
        %sign3A_327 = arith.subi %sign3A_323, %sign3A_326 : i32
        %sign3A_328 = arith.constant 0 : i32
        %sign3A_329 = arith.cmpi sgt, %jit3A_319, %sign3A_328 : i32
        %sign3A_330 = arith.extui %sign3A_329 : i1 to i32
        %sign3A_331 = arith.constant 0 : i32
        %sign3A_332 = arith.cmpi slt, %jit3A_319, %sign3A_331 : i32
        %sign3A_333 = arith.extui %sign3A_332 : i1 to i32
        %sign3A_334 = arith.subi %sign3A_330, %sign3A_333 : i32
        %ne3A_335 = arith.cmpi ne, %sign3A_327, %sign3A_334 : i32
        %rem3A_336 = arith.remsi %add3A_318, %jit3A_319 : i32
        %ne3A_337 = arith.constant 0 : i32
        %ne3A_338 = arith.cmpi ne, %rem3A_336, %ne3A_337 : i32
        %and3A_339 = arith.andi %ne3A_335, %ne3A_338 : i1
        %sub3A_340 = arith.constant 1 : i32
        %sub3A_341 = arith.subi %div3A_320, %sub3A_340 : i32
        %select_n3A_342 = arith.select %and3A_339, %sub3A_341, %div3A_320 : i32
        %jit3A_343 = arith.constant 2 : i32
        %eq3A_344 = arith.constant 0 : i32
        %eq3A_345 = arith.cmpi eq, %jit3A_343, %eq3A_344 : i32
        %jit3A_346 = arith.constant 1 : i32
        %select_n3A_347 = arith.select %eq3A_345, %jit3A_346, %jit3A_343 : i32
        %rem3A_348 = arith.remsi %select_n3A_342, %select_n3A_347 : i32
        %ne3A_349 = arith.constant 0 : i32
        %ne3A_350 = arith.cmpi ne, %rem3A_348, %ne3A_349 : i32
        %lt3A_351 = arith.constant 0 : i32
        %lt3A_352 = arith.cmpi slt, %rem3A_348, %lt3A_351 : i32
        %lt3A_353 = arith.constant 0 : i32
        %lt3A_354 = arith.cmpi slt, %select_n3A_347, %lt3A_353 : i32
        %ne3A_355 = arith.xori %lt3A_352, %lt3A_354 : i1
        %and3A_356 = arith.andi %ne3A_355, %ne3A_350 : i1
        %add3A_357 = arith.addi %rem3A_348, %select_n3A_347 : i32
        %select_n3A_358 = arith.select %and3A_356, %add3A_357, %rem3A_348 : i32
        %jit3A_359 = arith.constant 8 : i32
        %eq3A_360 = arith.constant 0 : i32
        %eq3A_361 = arith.cmpi eq, %jit3A_359, %eq3A_360 : i32
        %jit3A_362 = arith.constant 1 : i32
        %select_n3A_363 = arith.select %eq3A_361, %jit3A_362, %jit3A_359 : i32
        %rem3A_364 = arith.remsi %add3A_318, %select_n3A_363 : i32
        %ne3A_365 = arith.constant 0 : i32
        %ne3A_366 = arith.cmpi ne, %rem3A_364, %ne3A_365 : i32
        %lt3A_367 = arith.constant 0 : i32
        %lt3A_368 = arith.cmpi slt, %rem3A_364, %lt3A_367 : i32
        %lt3A_369 = arith.constant 0 : i32
        %lt3A_370 = arith.cmpi slt, %select_n3A_363, %lt3A_369 : i32
        %ne3A_371 = arith.xori %lt3A_368, %lt3A_370 : i1
        %and3A_372 = arith.andi %ne3A_371, %ne3A_366 : i1
        %add3A_373 = arith.addi %rem3A_364, %select_n3A_363 : i32
        %select_n3A_374 = arith.select %and3A_372, %add3A_373, %rem3A_364 : i32
        %dma_start3A_375 = arith.constant 0 : i32
        %dma_start3A_376 = arith.constant 0 : i32
        %dma_start3A_377 = arith.constant 0 : i32
        %dma_start3A_378 = tpu.memref_slice %arg9[%dma_start3A_375, %dma_start3A_376, %dma_start3A_377] : memref<2x128x128xf32, #tpu.memory_space<vmem>> -> memref<1x128x128xf32, #tpu.memory_space<vmem>>
        %dma_start3A_379 = tpu.memref_squeeze %dma_start3A_378 : memref<1x128x128xf32, #tpu.memory_space<vmem>> -> memref<128x128xf32, #tpu.memory_space<vmem>>
        %dma_start3A_380 = arith.constant 0 : i32
        %dma_start3A_381 = tpu.memref_slice %arg7[%select_n3A_358, %select_n3A_374, %dma_start3A_380] : memref<2x8x128xi32, #tpu.memory_space<vmem>> -> memref<1x1x128xi32, #tpu.memory_space<vmem>>
        %dma_start3A_382 = tpu.memref_squeeze %dma_start3A_381 : memref<1x1x128xi32, #tpu.memory_space<vmem>> -> memref<128xi32, #tpu.memory_space<vmem>>
        %dma_start3A_383 = arith.constant 0 : i32
        %dma_start3A_384 = arith.constant 0 : i32
        %dma_start3A_385 = tpu.memref_slice %arg2[%dma_start3A_383, %dma_start3A_384] : memref<10240x128xf32, #tpu.memory_space<hbm>> -> memref<10240x128xf32, #tpu.memory_space<hbm>>
        tpu.enqueue_indirect_dma source(%dma_start3A_385 : memref<10240x128xf32, #tpu.memory_space<hbm>>) target(%dma_start3A_379 : memref<128x128xf32, #tpu.memory_space<vmem>>) offsets(%dma_start3A_382 : memref<128xi32, #tpu.memory_space<vmem>>) semaphore(%arg11 : memref<!tpu.dma_semaphore, #tpu.memory_space<semaphore_mem>>)
      } else {
      }
      %dma_wait3A_243 = arith.constant 0 : i32
      %dma_wait3A_244 = arith.constant 0 : i32
      %dma_wait3A_245 = arith.constant 1 : i32
      %dma_wait3A_246 = arith.constant 0 : i32
      %dma_wait3A_247 = arith.constant 0 : i32
      %dma_wait3A_248 = tpu.memref_slice %arg9[%dma_wait3A_245, %dma_wait3A_246, %dma_wait3A_247] : memref<2x128x128xf32, #tpu.memory_space<vmem>> -> memref<1x128x128xf32, #tpu.memory_space<vmem>>
      %dma_wait3A_249 = tpu.memref_squeeze %dma_wait3A_248 : memref<1x128x128xf32, #tpu.memory_space<vmem>> -> memref<128x128xf32, #tpu.memory_space<vmem>>
      %dma_wait3A_250 = arith.constant 0 : i32
      %dma_wait3A_251 = tpu.memref_slice %arg7[%dma_wait3A_243, %dma_wait3A_244, %dma_wait3A_250] : memref<2x8x128xi32, #tpu.memory_space<vmem>> -> memref<1x1x128xi32, #tpu.memory_space<vmem>>
      %dma_wait3A_252 = tpu.memref_squeeze %dma_wait3A_251 : memref<1x1x128xi32, #tpu.memory_space<vmem>> -> memref<128xi32, #tpu.memory_space<vmem>>
      %dma_wait3A_253 = arith.constant 0 : i32
      %dma_wait3A_254 = arith.constant 0 : i32
      %dma_wait3A_255 = tpu.memref_slice %arg2[%dma_wait3A_253, %dma_wait3A_254] : memref<10240x128xf32, #tpu.memory_space<hbm>> -> memref<10240x128xf32, #tpu.memory_space<hbm>>
      tpu.wait_indirect_dma semaphore(%arg12 : memref<!tpu.dma_semaphore, #tpu.memory_space<semaphore_mem>>) src(%dma_wait3A_255 : memref<10240x128xf32, #tpu.memory_space<hbm>>) dst(%dma_wait3A_249 : memref<128x128xf32, #tpu.memory_space<vmem>>)
      %dma_start3A_256 = arith.constant 1 : i32
      %dma_start3A_257 = arith.constant 0 : i32
      %dma_start3A_258 = arith.constant 0 : i32
      %dma_start3A_259 = tpu.memref_slice %arg9[%dma_start3A_256, %dma_start3A_257, %dma_start3A_258] : memref<2x128x128xf32, #tpu.memory_space<vmem>> -> memref<1x128x128xf32, #tpu.memory_space<vmem>>
      %dma_start3A_260 = tpu.memref_squeeze %dma_start3A_259 : memref<1x128x128xf32, #tpu.memory_space<vmem>> -> memref<128x128xf32, #tpu.memory_space<vmem>>
      %dma_start3A_261 = arith.constant 0 : i32
      %dma_start3A_262 = tpu.memref_slice %arg8[%add3A_180, %dma_start3A_261] : memref<80x128xi32, #tpu.memory_space<vmem>> -> memref<1x128xi32, #tpu.memory_space<vmem>>
      %dma_start3A_263 = tpu.memref_squeeze %dma_start3A_262 : memref<1x128xi32, #tpu.memory_space<vmem>> -> memref<128xi32, #tpu.memory_space<vmem>>
      %dma_start3A_264 = arith.constant 0 : i32
      %dma_start3A_265 = arith.constant 0 : i32
      %dma_start3A_266 = tpu.memref_slice %arg10[%dma_start3A_264, %dma_start3A_265] : memref<10240x128xf32, #tpu.memory_space<vmem_shared>> -> memref<10240x128xf32, #tpu.memory_space<vmem_shared>>
      tpu.enqueue_indirect_dma source(%dma_start3A_260 : memref<128x128xf32, #tpu.memory_space<vmem>>) target(%dma_start3A_266 : memref<10240x128xf32, #tpu.memory_space<vmem_shared>>) offsets(%dma_start3A_263 : memref<128xi32, #tpu.memory_space<vmem>>) semaphore(%arg14 : memref<!tpu.dma_semaphore, #tpu.memory_space<semaphore_mem>>) {add = true}
      %jit3A_267 = arith.constant 8 : i32
      %eq3A_268 = arith.constant 0 : i32
      %eq3A_269 = arith.cmpi eq, %jit3A_267, %eq3A_268 : i32
      %jit3A_270 = arith.constant 1 : i32
      %select_n3A_271 = arith.select %eq3A_269, %jit3A_270, %jit3A_267 : i32
      %rem3A_272 = arith.remsi %add3A_180, %select_n3A_271 : i32
      %ne3A_273 = arith.constant 0 : i32
      %ne3A_274 = arith.cmpi ne, %rem3A_272, %ne3A_273 : i32
      %lt3A_275 = arith.constant 0 : i32
      %lt3A_276 = arith.cmpi slt, %rem3A_272, %lt3A_275 : i32
      %lt3A_277 = arith.constant 0 : i32
      %lt3A_278 = arith.cmpi slt, %select_n3A_271, %lt3A_277 : i32
      %ne3A_279 = arith.xori %lt3A_276, %lt3A_278 : i1
      %and3A_280 = arith.andi %ne3A_279, %ne3A_274 : i1
      %add3A_281 = arith.addi %rem3A_272, %select_n3A_271 : i32
      %select_n3A_282 = arith.select %and3A_280, %add3A_281, %rem3A_272 : i32
      %eq3A_283 = arith.constant 7 : i32
      %eq3A_284 = arith.cmpi eq, %select_n3A_282, %eq3A_283 : i32
      %jit3A_285 = arith.constant 8 : i32
      %div3A_286 = arith.divsi %add3A_180, %jit3A_285 : i32
      %sign3A_287 = arith.constant 0 : i32
      %sign3A_288 = arith.cmpi sgt, %add3A_180, %sign3A_287 : i32
      %sign3A_289 = arith.extui %sign3A_288 : i1 to i32
      %sign3A_290 = arith.constant 0 : i32
      %sign3A_291 = arith.cmpi slt, %add3A_180, %sign3A_290 : i32
      %sign3A_292 = arith.extui %sign3A_291 : i1 to i32
      %sign3A_293 = arith.subi %sign3A_289, %sign3A_292 : i32
      %sign3A_294 = arith.constant 0 : i32
      %sign3A_295 = arith.cmpi sgt, %jit3A_285, %sign3A_294 : i32
      %sign3A_296 = arith.extui %sign3A_295 : i1 to i32
      %sign3A_297 = arith.constant 0 : i32
      %sign3A_298 = arith.cmpi slt, %jit3A_285, %sign3A_297 : i32
      %sign3A_299 = arith.extui %sign3A_298 : i1 to i32
      %sign3A_300 = arith.subi %sign3A_296, %sign3A_299 : i32
      %ne3A_301 = arith.cmpi ne, %sign3A_293, %sign3A_300 : i32
      %rem3A_302 = arith.remsi %add3A_180, %jit3A_285 : i32
      %ne3A_303 = arith.constant 0 : i32
      %ne3A_304 = arith.cmpi ne, %rem3A_302, %ne3A_303 : i32
      %and3A_305 = arith.andi %ne3A_301, %ne3A_304 : i1
      %sub3A_306 = arith.constant 1 : i32
      %sub3A_307 = arith.subi %div3A_286, %sub3A_306 : i32
      %select_n3A_308 = arith.select %and3A_305, %sub3A_307, %div3A_286 : i32
      %add3A_309 = arith.constant 2 : i32
      %add3A_310 = arith.addi %select_n3A_308, %add3A_309 : i32
      %lt3A_311 = arith.constant 10 : i32
      %lt3A_312 = arith.cmpi slt, %add3A_310, %lt3A_311 : i32
      %and3A_313 = arith.andi %eq3A_284, %lt3A_312 : i1
      %convert_element_type3A_314 = arith.extui %and3A_313 : i1 to i32
      %cond3A_315 = arith.constant 0 : i32
      %cond3A_316 = arith.cmpi ne, %convert_element_type3A_314, %cond3A_315 : i32
      scf.if %cond3A_316 {
        %jit3A_317 = arith.constant 8 : i32
        %div3A_318 = arith.divsi %add3A_180, %jit3A_317 : i32
        %sign3A_319 = arith.constant 0 : i32
        %sign3A_320 = arith.cmpi sgt, %add3A_180, %sign3A_319 : i32
        %sign3A_321 = arith.extui %sign3A_320 : i1 to i32
        %sign3A_322 = arith.constant 0 : i32
        %sign3A_323 = arith.cmpi slt, %add3A_180, %sign3A_322 : i32
        %sign3A_324 = arith.extui %sign3A_323 : i1 to i32
        %sign3A_325 = arith.subi %sign3A_321, %sign3A_324 : i32
        %sign3A_326 = arith.constant 0 : i32
        %sign3A_327 = arith.cmpi sgt, %jit3A_317, %sign3A_326 : i32
        %sign3A_328 = arith.extui %sign3A_327 : i1 to i32
        %sign3A_329 = arith.constant 0 : i32
        %sign3A_330 = arith.cmpi slt, %jit3A_317, %sign3A_329 : i32
        %sign3A_331 = arith.extui %sign3A_330 : i1 to i32
        %sign3A_332 = arith.subi %sign3A_328, %sign3A_331 : i32
        %ne3A_333 = arith.cmpi ne, %sign3A_325, %sign3A_332 : i32
        %rem3A_334 = arith.remsi %add3A_180, %jit3A_317 : i32
        %ne3A_335 = arith.constant 0 : i32
        %ne3A_336 = arith.cmpi ne, %rem3A_334, %ne3A_335 : i32
        %and3A_337 = arith.andi %ne3A_333, %ne3A_336 : i1
        %sub3A_338 = arith.constant 1 : i32
        %sub3A_339 = arith.subi %div3A_318, %sub3A_338 : i32
        %select_n3A_340 = arith.select %and3A_337, %sub3A_339, %div3A_318 : i32
        %add3A_341 = arith.constant 2 : i32
        %add3A_342 = arith.addi %select_n3A_340, %add3A_341 : i32
        %mul3A_343 = arith.constant 8 : i32
        %mul3A_344 = arith.muli %add3A_342, %mul3A_343 : i32
        %jit3A_345 = arith.constant 2 : i32
        %eq3A_346 = arith.constant 0 : i32
        %eq3A_347 = arith.cmpi eq, %jit3A_345, %eq3A_346 : i32
        %jit3A_348 = arith.constant 1 : i32
        %select_n3A_349 = arith.select %eq3A_347, %jit3A_348, %jit3A_345 : i32
        %rem3A_350 = arith.remsi %select_n3A_340, %select_n3A_349 : i32
        %ne3A_351 = arith.constant 0 : i32
        %ne3A_352 = arith.cmpi ne, %rem3A_350, %ne3A_351 : i32
        %lt3A_353 = arith.constant 0 : i32
        %lt3A_354 = arith.cmpi slt, %rem3A_350, %lt3A_353 : i32
        %lt3A_355 = arith.constant 0 : i32
        %lt3A_356 = arith.cmpi slt, %select_n3A_349, %lt3A_355 : i32
        %ne3A_357 = arith.xori %lt3A_354, %lt3A_356 : i1
        %and3A_358 = arith.andi %ne3A_357, %ne3A_352 : i1
        %add3A_359 = arith.addi %rem3A_350, %select_n3A_349 : i32
        %select_n3A_360 = arith.select %and3A_358, %add3A_359, %rem3A_350 : i32
        %dma_start3A_361 = arith.constant 0 : i32
        %dma_start3A_362 = arith.constant 0 : i32
        %dma_start3A_363 = tpu.memref_slice %arg7[%select_n3A_360, %dma_start3A_361, %dma_start3A_362] : memref<2x8x128xi32, #tpu.memory_space<vmem>> -> memref<1x8x128xi32, #tpu.memory_space<vmem>>
        %dma_start3A_364 = tpu.memref_squeeze %dma_start3A_363 : memref<1x8x128xi32, #tpu.memory_space<vmem>> -> memref<8x128xi32, #tpu.memory_space<vmem>>
        %dma_start3A_365 = arith.constant 0 : i32
        %dma_start3A_366 = tpu.memref_slice %arg3[%add3A, %mul3A_344, %dma_start3A_365] : memref<32x80x128xi32, #tpu.memory_space<hbm>> -> memref<1x8x128xi32, #tpu.memory_space<hbm>>
        %dma_start3A_367 = tpu.memref_squeeze %dma_start3A_366 : memref<1x8x128xi32, #tpu.memory_space<hbm>> -> memref<8x128xi32, #tpu.memory_space<hbm>>
        %dma_start3A_368 = arith.constant 0 : i32
        %dma_start3A_369 = arith.constant 0 : i32
        %dma_start3A_370 = tpu.memref_slice %arg7[%select_n3A_360, %dma_start3A_368, %dma_start3A_369] : memref<2x8x128xi32, #tpu.memory_space<vmem>> -> memref<1x8x128xi32, #tpu.memory_space<vmem>>
        %dma_start3A_371 = tpu.memref_squeeze %dma_start3A_370 : memref<1x8x128xi32, #tpu.memory_space<vmem>> -> memref<8x128xi32, #tpu.memory_space<vmem>>
        %dma_start3A_372 = arith.constant 0 : i32
        %dma_start3A_373 = tpu.memref_slice %arg3[%add3A, %mul3A_344, %dma_start3A_372] : memref<32x80x128xi32, #tpu.memory_space<hbm>> -> memref<1x8x128xi32, #tpu.memory_space<hbm>>
        %dma_start3A_374 = tpu.memref_squeeze %dma_start3A_373 : memref<1x8x128xi32, #tpu.memory_space<hbm>> -> memref<8x128xi32, #tpu.memory_space<hbm>>
        tpu.enqueue_dma source(%dma_start3A_374 : memref<8x128xi32, #tpu.memory_space<hbm>>) target(%dma_start3A_371 : memref<8x128xi32, #tpu.memory_space<vmem>>) target_semaphore(%arg15 : memref<!tpu.dma_semaphore, #tpu.memory_space<semaphore_mem>>)
      } else {
      }
    }
    %scan3A_36 = arith.constant 40 : i32
    %dma_wait3A = arith.constant 1 : i32
    %dma_wait3A_37 = arith.constant 0 : i32
    %dma_wait3A_38 = arith.constant 0 : i32
    %dma_wait3A_39 = arith.constant 0 : i32
    %dma_wait3A_40 = tpu.memref_slice %arg9[%dma_wait3A, %dma_wait3A_38, %dma_wait3A_39] : memref<2x128x128xf32, #tpu.memory_space<vmem>> -> memref<1x128x128xf32, #tpu.memory_space<vmem>>
    %dma_wait3A_41 = tpu.memref_squeeze %dma_wait3A_40 : memref<1x128x128xf32, #tpu.memory_space<vmem>> -> memref<128x128xf32, #tpu.memory_space<vmem>>
    %dma_wait3A_42 = arith.constant 0 : i32
    %dma_wait3A_43 = tpu.memref_slice %arg8[%dma_wait3A_37, %dma_wait3A_42] : memref<80x128xi32, #tpu.memory_space<vmem>> -> memref<1x128xi32, #tpu.memory_space<vmem>>
    %dma_wait3A_44 = tpu.memref_squeeze %dma_wait3A_43 : memref<1x128xi32, #tpu.memory_space<vmem>> -> memref<128xi32, #tpu.memory_space<vmem>>
    %dma_wait3A_45 = arith.constant 0 : i32
    %dma_wait3A_46 = arith.constant 0 : i32
    %dma_wait3A_47 = tpu.memref_slice %arg10[%dma_wait3A_45, %dma_wait3A_46] : memref<10240x128xf32, #tpu.memory_space<vmem_shared>> -> memref<10240x128xf32, #tpu.memory_space<vmem_shared>>
    tpu.wait_indirect_dma semaphore(%arg14 : memref<!tpu.dma_semaphore, #tpu.memory_space<semaphore_mem>>) src(%dma_wait3A_41 : memref<128x128xf32, #tpu.memory_space<vmem>>) dst(%dma_wait3A_47 : memref<10240x128xf32, #tpu.memory_space<vmem_shared>>)
    %barrier3A_48 = arith.constant 0 : index
    tpu.barrier barrier_id(%barrier3A_48)
    "tpu.region"() ({
      %run_scoped3A_49 = tpu.sem_alloc : memref<!tpu.dma_semaphore, #tpu.memory_space<semaphore_mem>>
      %dma_start3A_50 = arith.constant 0 : i32
      %dma_start3A_51 = tpu.memref_slice %arg6[%arg0, %mul3A_2, %dma_start3A_50] : memref<2x10240x128xf32, #tpu.memory_space<hbm>> -> memref<1x640x128xf32, #tpu.memory_space<hbm>>
      %dma_start3A_52 = tpu.memref_squeeze %dma_start3A_51 : memref<1x640x128xf32, #tpu.memory_space<hbm>> -> memref<640x128xf32, #tpu.memory_space<hbm>>
      %dma_start3A_53 = arith.constant 0 : i32
      %dma_start3A_54 = tpu.memref_slice %arg10[%mul3A_2, %dma_start3A_53] : memref<10240x128xf32, #tpu.memory_space<vmem_shared>> -> memref<640x128xf32, #tpu.memory_space<vmem_shared>>
      tpu.enqueue_dma source(%dma_start3A_54 : memref<640x128xf32, #tpu.memory_space<vmem_shared>>) target(%dma_start3A_52 : memref<640x128xf32, #tpu.memory_space<hbm>>) target_semaphore(%run_scoped3A_49 : memref<!tpu.dma_semaphore, #tpu.memory_space<semaphore_mem>>)
      %dma_wait3A_55 = arith.constant 0 : i32
      %dma_wait3A_56 = tpu.memref_slice %arg6[%arg0, %mul3A_2, %dma_wait3A_55] : memref<2x10240x128xf32, #tpu.memory_space<hbm>> -> memref<1x640x128xf32, #tpu.memory_space<hbm>>
      %dma_wait3A_57 = tpu.memref_squeeze %dma_wait3A_56 : memref<1x640x128xf32, #tpu.memory_space<hbm>> -> memref<640x128xf32, #tpu.memory_space<hbm>>
      %dma_wait3A_58 = arith.constant 0 : i32
      %dma_wait3A_59 = tpu.memref_slice %arg10[%mul3A_2, %dma_wait3A_58] : memref<10240x128xf32, #tpu.memory_space<vmem_shared>> -> memref<640x128xf32, #tpu.memory_space<vmem_shared>>
      tpu.wait_dma2 semaphore(%run_scoped3A_49 : memref<!tpu.dma_semaphore, #tpu.memory_space<semaphore_mem>>) src(%dma_wait3A_59 : memref<640x128xf32, #tpu.memory_space<vmem_shared>>) dst(%dma_wait3A_57 : memref<640x128xf32, #tpu.memory_space<hbm>>)
      tpu.yield
    }) : () -> ()
    return
  }
}

#map = affine_map<(d0, d1) -> (0, 0)>
#map1 = affine_map<(d0, d1) -> (0, 0, 0)>
module attributes {stable_mosaic.version = 14 : i64} {
  func.func @_agg_body(%arg0: i32, %arg1: i32, %arg2: memref<10240x128xf32, #tpu.memory_space<hbm>>, %arg3: memref<32x80x128xi32, #tpu.memory_space<hbm>>, %arg4: memref<32x80x128xi32, #tpu.memory_space<hbm>>, %arg5: memref<10240x128xf32, #tpu.memory_space<hbm>>, %arg6: memref<2x10240x128xf32, #tpu.memory_space<hbm>>, %arg7: memref<2x8x128xi32, #tpu.memory_space<vmem>>, %arg8: memref<80x128xi32, #tpu.memory_space<vmem>>, %arg9: memref<2x128x128xf32, #tpu.memory_space<vmem>>, %arg10: memref<10240x128xf32, #tpu.memory_space<vmem_shared>>, %arg11: memref<!tpu.dma_semaphore, #tpu.memory_space<semaphore_mem>>, %arg12: memref<!tpu.dma_semaphore, #tpu.memory_space<semaphore_mem>>, %arg13: memref<!tpu.dma_semaphore, #tpu.memory_space<semaphore_mem>>, %arg14: memref<!tpu.dma_semaphore, #tpu.memory_space<semaphore_mem>>, %arg15: memref<!tpu.dma_semaphore, #tpu.memory_space<semaphore_mem>>) attributes {dimension_semantics = [#tpu.dimension_semantics<core_parallel>, #tpu.dimension_semantics<subcore_parallel>], iteration_bounds = array<i64: 2, 16>, scalar_prefetch = 0 : i64, scratch_operands = 9 : i64, tpu.core_type = #tpu.core_type<sc_vector_subcore>, window_params = [{transform_indices = #map}, {transform_indices = #map1}, {transform_indices = #map1}, {transform_indices = #map}, {transform_indices = #map1}]} {
    %mul3A = arith.constant 2 : i32
    %mul3A_0 = arith.muli %arg1, %mul3A : i32
    %add3A = arith.addi %mul3A_0, %arg0 : i32
    %mul3A_1 = arith.constant 640 : i32
    %mul3A_2 = arith.muli %arg1, %mul3A_1 : i32
    "tpu.region"() ({
      %run_scoped3A_49 = tpu.sem_alloc : memref<!tpu.dma_semaphore, #tpu.memory_space<semaphore_mem>>
      %dma_start3A_50 = arith.constant 0 : i32
      %dma_start3A_51 = tpu.memref_slice %arg10[%mul3A_2, %dma_start3A_50] : memref<10240x128xf32, #tpu.memory_space<vmem_shared>> -> memref<640x128xf32, #tpu.memory_space<vmem_shared>>
      %dma_start3A_52 = arith.constant 0 : i32
      %dma_start3A_53 = tpu.memref_slice %arg5[%mul3A_2, %dma_start3A_52] : memref<10240x128xf32, #tpu.memory_space<hbm>> -> memref<640x128xf32, #tpu.memory_space<hbm>>
      tpu.enqueue_dma source(%dma_start3A_53 : memref<640x128xf32, #tpu.memory_space<hbm>>) target(%dma_start3A_51 : memref<640x128xf32, #tpu.memory_space<vmem_shared>>) target_semaphore(%run_scoped3A_49 : memref<!tpu.dma_semaphore, #tpu.memory_space<semaphore_mem>>)
      %dma_wait3A_54 = arith.constant 0 : i32
      %dma_wait3A_55 = tpu.memref_slice %arg10[%mul3A_2, %dma_wait3A_54] : memref<10240x128xf32, #tpu.memory_space<vmem_shared>> -> memref<640x128xf32, #tpu.memory_space<vmem_shared>>
      %dma_wait3A_56 = arith.constant 0 : i32
      %dma_wait3A_57 = tpu.memref_slice %arg5[%mul3A_2, %dma_wait3A_56] : memref<10240x128xf32, #tpu.memory_space<hbm>> -> memref<640x128xf32, #tpu.memory_space<hbm>>
      tpu.wait_dma2 semaphore(%run_scoped3A_49 : memref<!tpu.dma_semaphore, #tpu.memory_space<semaphore_mem>>) src(%dma_wait3A_57 : memref<640x128xf32, #tpu.memory_space<hbm>>) dst(%dma_wait3A_55 : memref<640x128xf32, #tpu.memory_space<vmem_shared>>)
      tpu.yield
    }) : () -> ()
    "tpu.region"() ({
      %run_scoped3A_49 = tpu.sem_alloc : memref<!tpu.dma_semaphore, #tpu.memory_space<semaphore_mem>>
      %dma_start3A_50 = arith.constant 0 : i32
      %dma_start3A_51 = arith.constant 0 : i32
      %dma_start3A_52 = tpu.memref_slice %arg4[%add3A, %dma_start3A_50, %dma_start3A_51] : memref<32x80x128xi32, #tpu.memory_space<hbm>> -> memref<1x80x128xi32, #tpu.memory_space<hbm>>
      %dma_start3A_53 = tpu.memref_squeeze %dma_start3A_52 : memref<1x80x128xi32, #tpu.memory_space<hbm>> -> memref<80x128xi32, #tpu.memory_space<hbm>>
      %dma_start3A_54 = arith.constant 0 : i32
      %dma_start3A_55 = arith.constant 0 : i32
      %dma_start3A_56 = tpu.memref_slice %arg4[%add3A, %dma_start3A_54, %dma_start3A_55] : memref<32x80x128xi32, #tpu.memory_space<hbm>> -> memref<1x80x128xi32, #tpu.memory_space<hbm>>
      %dma_start3A_57 = tpu.memref_squeeze %dma_start3A_56 : memref<1x80x128xi32, #tpu.memory_space<hbm>> -> memref<80x128xi32, #tpu.memory_space<hbm>>
      tpu.enqueue_dma source(%dma_start3A_57 : memref<80x128xi32, #tpu.memory_space<hbm>>) target(%arg8 : memref<80x128xi32, #tpu.memory_space<vmem>>) target_semaphore(%run_scoped3A_49 : memref<!tpu.dma_semaphore, #tpu.memory_space<semaphore_mem>>)
      %dma_wait3A_58 = arith.constant 0 : i32
      %dma_wait3A_59 = arith.constant 0 : i32
      %dma_wait3A_60 = tpu.memref_slice %arg4[%add3A, %dma_wait3A_58, %dma_wait3A_59] : memref<32x80x128xi32, #tpu.memory_space<hbm>> -> memref<1x80x128xi32, #tpu.memory_space<hbm>>
      %dma_wait3A_61 = tpu.memref_squeeze %dma_wait3A_60 : memref<1x80x128xi32, #tpu.memory_space<hbm>> -> memref<80x128xi32, #tpu.memory_space<hbm>>
      %dma_wait3A_62 = arith.constant 0 : i32
      %dma_wait3A_63 = arith.constant 0 : i32
      %dma_wait3A_64 = tpu.memref_slice %arg4[%add3A, %dma_wait3A_62, %dma_wait3A_63] : memref<32x80x128xi32, #tpu.memory_space<hbm>> -> memref<1x80x128xi32, #tpu.memory_space<hbm>>
      %dma_wait3A_65 = tpu.memref_squeeze %dma_wait3A_64 : memref<1x80x128xi32, #tpu.memory_space<hbm>> -> memref<80x128xi32, #tpu.memory_space<hbm>>
      tpu.wait_dma2 semaphore(%run_scoped3A_49 : memref<!tpu.dma_semaphore, #tpu.memory_space<semaphore_mem>>) src(%dma_wait3A_65 : memref<80x128xi32, #tpu.memory_space<hbm>>) dst(%arg8 : memref<80x128xi32, #tpu.memory_space<vmem>>)
      tpu.yield
    }) : () -> ()
    %run_scoped3A = arith.constant 0 : i32
    "tpu.region"() ({
      %run_scoped3A_49 = tpu.sem_alloc : memref<!tpu.dma_semaphore, #tpu.memory_space<semaphore_mem>>
      %dma_start3A_50 = arith.constant 0 : i32
      %dma_start3A_51 = arith.constant 0 : i32
      %dma_start3A_52 = tpu.memref_slice %arg7[%run_scoped3A, %dma_start3A_50, %dma_start3A_51] : memref<2x8x128xi32, #tpu.memory_space<vmem>> -> memref<1x8x128xi32, #tpu.memory_space<vmem>>
      %dma_start3A_53 = tpu.memref_squeeze %dma_start3A_52 : memref<1x8x128xi32, #tpu.memory_space<vmem>> -> memref<8x128xi32, #tpu.memory_space<vmem>>
      %dma_start3A_54 = arith.constant 0 : i32
      %dma_start3A_55 = arith.constant 0 : i32
      %dma_start3A_56 = tpu.memref_slice %arg3[%add3A, %dma_start3A_54, %dma_start3A_55] : memref<32x80x128xi32, #tpu.memory_space<hbm>> -> memref<1x8x128xi32, #tpu.memory_space<hbm>>
      %dma_start3A_57 = tpu.memref_squeeze %dma_start3A_56 : memref<1x8x128xi32, #tpu.memory_space<hbm>> -> memref<8x128xi32, #tpu.memory_space<hbm>>
      %dma_start3A_58 = arith.constant 0 : i32
      %dma_start3A_59 = arith.constant 0 : i32
      %dma_start3A_60 = tpu.memref_slice %arg7[%run_scoped3A, %dma_start3A_58, %dma_start3A_59] : memref<2x8x128xi32, #tpu.memory_space<vmem>> -> memref<1x8x128xi32, #tpu.memory_space<vmem>>
      %dma_start3A_61 = tpu.memref_squeeze %dma_start3A_60 : memref<1x8x128xi32, #tpu.memory_space<vmem>> -> memref<8x128xi32, #tpu.memory_space<vmem>>
      %dma_start3A_62 = arith.constant 0 : i32
      %dma_start3A_63 = arith.constant 0 : i32
      %dma_start3A_64 = tpu.memref_slice %arg3[%add3A, %dma_start3A_62, %dma_start3A_63] : memref<32x80x128xi32, #tpu.memory_space<hbm>> -> memref<1x8x128xi32, #tpu.memory_space<hbm>>
      %dma_start3A_65 = tpu.memref_squeeze %dma_start3A_64 : memref<1x8x128xi32, #tpu.memory_space<hbm>> -> memref<8x128xi32, #tpu.memory_space<hbm>>
      tpu.enqueue_dma source(%dma_start3A_65 : memref<8x128xi32, #tpu.memory_space<hbm>>) target(%dma_start3A_61 : memref<8x128xi32, #tpu.memory_space<vmem>>) target_semaphore(%run_scoped3A_49 : memref<!tpu.dma_semaphore, #tpu.memory_space<semaphore_mem>>)
      %dma_wait3A_66 = arith.constant 0 : i32
      %dma_wait3A_67 = arith.constant 0 : i32
      %dma_wait3A_68 = tpu.memref_slice %arg7[%run_scoped3A, %dma_wait3A_66, %dma_wait3A_67] : memref<2x8x128xi32, #tpu.memory_space<vmem>> -> memref<1x8x128xi32, #tpu.memory_space<vmem>>
      %dma_wait3A_69 = tpu.memref_squeeze %dma_wait3A_68 : memref<1x8x128xi32, #tpu.memory_space<vmem>> -> memref<8x128xi32, #tpu.memory_space<vmem>>
      %dma_wait3A_70 = arith.constant 0 : i32
      %dma_wait3A_71 = arith.constant 0 : i32
      %dma_wait3A_72 = tpu.memref_slice %arg3[%add3A, %dma_wait3A_70, %dma_wait3A_71] : memref<32x80x128xi32, #tpu.memory_space<hbm>> -> memref<1x8x128xi32, #tpu.memory_space<hbm>>
      %dma_wait3A_73 = tpu.memref_squeeze %dma_wait3A_72 : memref<1x8x128xi32, #tpu.memory_space<hbm>> -> memref<8x128xi32, #tpu.memory_space<hbm>>
      %dma_wait3A_74 = arith.constant 0 : i32
      %dma_wait3A_75 = arith.constant 0 : i32
      %dma_wait3A_76 = tpu.memref_slice %arg7[%run_scoped3A, %dma_wait3A_74, %dma_wait3A_75] : memref<2x8x128xi32, #tpu.memory_space<vmem>> -> memref<1x8x128xi32, #tpu.memory_space<vmem>>
      %dma_wait3A_77 = tpu.memref_squeeze %dma_wait3A_76 : memref<1x8x128xi32, #tpu.memory_space<vmem>> -> memref<8x128xi32, #tpu.memory_space<vmem>>
      %dma_wait3A_78 = arith.constant 0 : i32
      %dma_wait3A_79 = arith.constant 0 : i32
      %dma_wait3A_80 = tpu.memref_slice %arg3[%add3A, %dma_wait3A_78, %dma_wait3A_79] : memref<32x80x128xi32, #tpu.memory_space<hbm>> -> memref<1x8x128xi32, #tpu.memory_space<hbm>>
      %dma_wait3A_81 = tpu.memref_squeeze %dma_wait3A_80 : memref<1x8x128xi32, #tpu.memory_space<hbm>> -> memref<8x128xi32, #tpu.memory_space<hbm>>
      tpu.wait_dma2 semaphore(%run_scoped3A_49 : memref<!tpu.dma_semaphore, #tpu.memory_space<semaphore_mem>>) src(%dma_wait3A_81 : memref<8x128xi32, #tpu.memory_space<hbm>>) dst(%dma_wait3A_77 : memref<8x128xi32, #tpu.memory_space<vmem>>)
      tpu.yield
    }) : () -> ()
    %dma_start3A = arith.constant 1 : i32
    %dma_start3A_3 = arith.constant 0 : i32
    %dma_start3A_4 = arith.constant 0 : i32
    %dma_start3A_5 = tpu.memref_slice %arg7[%dma_start3A, %dma_start3A_3, %dma_start3A_4] : memref<2x8x128xi32, #tpu.memory_space<vmem>> -> memref<1x8x128xi32, #tpu.memory_space<vmem>>
    %dma_start3A_6 = tpu.memref_squeeze %dma_start3A_5 : memref<1x8x128xi32, #tpu.memory_space<vmem>> -> memref<8x128xi32, #tpu.memory_space<vmem>>
    %dma_start3A_7 = arith.constant 8 : i32
    %dma_start3A_8 = arith.constant 0 : i32
    %dma_start3A_9 = tpu.memref_slice %arg3[%add3A, %dma_start3A_7, %dma_start3A_8] : memref<32x80x128xi32, #tpu.memory_space<hbm>> -> memref<1x8x128xi32, #tpu.memory_space<hbm>>
    %dma_start3A_10 = tpu.memref_squeeze %dma_start3A_9 : memref<1x8x128xi32, #tpu.memory_space<hbm>> -> memref<8x128xi32, #tpu.memory_space<hbm>>
    %dma_start3A_11 = arith.constant 0 : i32
    %dma_start3A_12 = arith.constant 0 : i32
    %dma_start3A_13 = tpu.memref_slice %arg7[%dma_start3A, %dma_start3A_11, %dma_start3A_12] : memref<2x8x128xi32, #tpu.memory_space<vmem>> -> memref<1x8x128xi32, #tpu.memory_space<vmem>>
    %dma_start3A_14 = tpu.memref_squeeze %dma_start3A_13 : memref<1x8x128xi32, #tpu.memory_space<vmem>> -> memref<8x128xi32, #tpu.memory_space<vmem>>
    %dma_start3A_15 = arith.constant 8 : i32
    %dma_start3A_16 = arith.constant 0 : i32
    %dma_start3A_17 = tpu.memref_slice %arg3[%add3A, %dma_start3A_15, %dma_start3A_16] : memref<32x80x128xi32, #tpu.memory_space<hbm>> -> memref<1x8x128xi32, #tpu.memory_space<hbm>>
    %dma_start3A_18 = tpu.memref_squeeze %dma_start3A_17 : memref<1x8x128xi32, #tpu.memory_space<hbm>> -> memref<8x128xi32, #tpu.memory_space<hbm>>
    tpu.enqueue_dma source(%dma_start3A_18 : memref<8x128xi32, #tpu.memory_space<hbm>>) target(%dma_start3A_14 : memref<8x128xi32, #tpu.memory_space<vmem>>) target_semaphore(%arg15 : memref<!tpu.dma_semaphore, #tpu.memory_space<semaphore_mem>>)
    %barrier3A = arith.constant 0 : index
    tpu.barrier barrier_id(%barrier3A)
    %dma_start3A_19 = arith.constant 0 : i32
    %dma_start3A_20 = arith.constant 0 : i32
    %dma_start3A_21 = arith.constant 0 : i32
    %dma_start3A_22 = arith.constant 0 : i32
    %dma_start3A_23 = arith.constant 0 : i32
    %dma_start3A_24 = tpu.memref_slice %arg9[%dma_start3A_21, %dma_start3A_22, %dma_start3A_23] : memref<2x128x128xf32, #tpu.memory_space<vmem>> -> memref<1x128x128xf32, #tpu.memory_space<vmem>>
    %dma_start3A_25 = tpu.memref_squeeze %dma_start3A_24 : memref<1x128x128xf32, #tpu.memory_space<vmem>> -> memref<128x128xf32, #tpu.memory_space<vmem>>
    %dma_start3A_26 = arith.constant 0 : i32
    %dma_start3A_27 = tpu.memref_slice %arg7[%dma_start3A_19, %dma_start3A_20, %dma_start3A_26] : memref<2x8x128xi32, #tpu.memory_space<vmem>> -> memref<1x1x128xi32, #tpu.memory_space<vmem>>
    %dma_start3A_28 = tpu.memref_squeeze %dma_start3A_27 : memref<1x1x128xi32, #tpu.memory_space<vmem>> -> memref<128xi32, #tpu.memory_space<vmem>>
    %dma_start3A_29 = arith.constant 0 : i32
    %dma_start3A_30 = arith.constant 0 : i32
    %dma_start3A_31 = tpu.memref_slice %arg2[%dma_start3A_29, %dma_start3A_30] : memref<10240x128xf32, #tpu.memory_space<hbm>> -> memref<10240x128xf32, #tpu.memory_space<hbm>>
    tpu.enqueue_indirect_dma source(%dma_start3A_31 : memref<10240x128xf32, #tpu.memory_space<hbm>>) target(%dma_start3A_25 : memref<128x128xf32, #tpu.memory_space<vmem>>) offsets(%dma_start3A_28 : memref<128xi32, #tpu.memory_space<vmem>>) semaphore(%arg11 : memref<!tpu.dma_semaphore, #tpu.memory_space<semaphore_mem>>)
    %scan3A = arith.constant 0 : i32
    %scan3A_32 = arith.constant 0 : i32
    %scan3A_33 = arith.constant 40 : i32
    %scan3A_34 = arith.addi %scan3A_32, %scan3A_33 : i32
    %scan3A_35 = arith.constant 1 : i32
    scf.for %scan3A_49 = %scan3A_32 to %scan3A_34 step %scan3A_35  : i32 {
      %mul3A_50 = arith.constant 2 : i32
      %mul3A_51 = arith.muli %scan3A_49, %mul3A_50 : i32
      %add3A_52 = arith.constant 0 : i32
      %add3A_53 = arith.addi %mul3A_51, %add3A_52 : i32
      %jit3A = arith.constant 8 : i32
      %eq3A = arith.constant 0 : i32
      %eq3A_54 = arith.cmpi eq, %jit3A, %eq3A : i32
      %jit3A_55 = arith.constant 1 : i32
      %select_n3A = arith.select %eq3A_54, %jit3A_55, %jit3A : i32
      %rem3A = arith.remsi %add3A_53, %select_n3A : i32
      %ne3A = arith.constant 0 : i32
      %ne3A_56 = arith.cmpi ne, %rem3A, %ne3A : i32
      %lt3A = arith.constant 0 : i32
      %lt3A_57 = arith.cmpi slt, %rem3A, %lt3A : i32
      %lt3A_58 = arith.constant 0 : i32
      %lt3A_59 = arith.cmpi slt, %select_n3A, %lt3A_58 : i32
      %ne3A_60 = arith.xori %lt3A_57, %lt3A_59 : i1
      %and3A = arith.andi %ne3A_60, %ne3A_56 : i1
      %add3A_61 = arith.addi %rem3A, %select_n3A : i32
      %select_n3A_62 = arith.select %and3A, %add3A_61, %rem3A : i32
      %eq3A_63 = arith.constant 7 : i32
      %eq3A_64 = arith.cmpi eq, %select_n3A_62, %eq3A_63 : i32
      %jit3A_65 = arith.constant 8 : i32
      %div3A = arith.divsi %add3A_53, %jit3A_65 : i32
      %sign3A = arith.constant 0 : i32
      %sign3A_66 = arith.cmpi sgt, %add3A_53, %sign3A : i32
      %sign3A_67 = arith.extui %sign3A_66 : i1 to i32
      %sign3A_68 = arith.constant 0 : i32
      %sign3A_69 = arith.cmpi slt, %add3A_53, %sign3A_68 : i32
      %sign3A_70 = arith.extui %sign3A_69 : i1 to i32
      %sign3A_71 = arith.subi %sign3A_67, %sign3A_70 : i32
      %sign3A_72 = arith.constant 0 : i32
      %sign3A_73 = arith.cmpi sgt, %jit3A_65, %sign3A_72 : i32
      %sign3A_74 = arith.extui %sign3A_73 : i1 to i32
      %sign3A_75 = arith.constant 0 : i32
      %sign3A_76 = arith.cmpi slt, %jit3A_65, %sign3A_75 : i32
      %sign3A_77 = arith.extui %sign3A_76 : i1 to i32
      %sign3A_78 = arith.subi %sign3A_74, %sign3A_77 : i32
      %ne3A_79 = arith.cmpi ne, %sign3A_71, %sign3A_78 : i32
      %rem3A_80 = arith.remsi %add3A_53, %jit3A_65 : i32
      %ne3A_81 = arith.constant 0 : i32
      %ne3A_82 = arith.cmpi ne, %rem3A_80, %ne3A_81 : i32
      %and3A_83 = arith.andi %ne3A_79, %ne3A_82 : i1
      %sub3A = arith.constant 1 : i32
      %sub3A_84 = arith.subi %div3A, %sub3A : i32
      %select_n3A_85 = arith.select %and3A_83, %sub3A_84, %div3A : i32
      %add3A_86 = arith.constant 1 : i32
      %add3A_87 = arith.addi %select_n3A_85, %add3A_86 : i32
      %lt3A_88 = arith.constant 10 : i32
      %lt3A_89 = arith.cmpi slt, %add3A_87, %lt3A_88 : i32
      %and3A_90 = arith.andi %eq3A_64, %lt3A_89 : i1
      %convert_element_type3A = arith.extui %and3A_90 : i1 to i32
      %cond3A = arith.constant 0 : i32
      %cond3A_91 = arith.cmpi ne, %convert_element_type3A, %cond3A : i32
      scf.if %cond3A_91 {
        %dma_wait3A_317 = arith.constant 0 : i32
        %dma_wait3A_318 = arith.constant 0 : i32
        %dma_wait3A_319 = arith.constant 0 : i32
        %dma_wait3A_320 = tpu.memref_slice %arg7[%dma_wait3A_317, %dma_wait3A_318, %dma_wait3A_319] : memref<2x8x128xi32, #tpu.memory_space<vmem>> -> memref<1x8x128xi32, #tpu.memory_space<vmem>>
        %dma_wait3A_321 = tpu.memref_squeeze %dma_wait3A_320 : memref<1x8x128xi32, #tpu.memory_space<vmem>> -> memref<8x128xi32, #tpu.memory_space<vmem>>
        %dma_wait3A_322 = arith.constant 0 : i32
        %dma_wait3A_323 = arith.constant 0 : i32
        %dma_wait3A_324 = tpu.memref_slice %arg3[%add3A, %dma_wait3A_322, %dma_wait3A_323] : memref<32x80x128xi32, #tpu.memory_space<hbm>> -> memref<1x8x128xi32, #tpu.memory_space<hbm>>
        %dma_wait3A_325 = tpu.memref_squeeze %dma_wait3A_324 : memref<1x8x128xi32, #tpu.memory_space<hbm>> -> memref<8x128xi32, #tpu.memory_space<hbm>>
        %dma_wait3A_326 = arith.constant 0 : i32
        %dma_wait3A_327 = arith.constant 0 : i32
        %dma_wait3A_328 = tpu.memref_slice %arg7[%dma_wait3A_317, %dma_wait3A_326, %dma_wait3A_327] : memref<2x8x128xi32, #tpu.memory_space<vmem>> -> memref<1x8x128xi32, #tpu.memory_space<vmem>>
        %dma_wait3A_329 = tpu.memref_squeeze %dma_wait3A_328 : memref<1x8x128xi32, #tpu.memory_space<vmem>> -> memref<8x128xi32, #tpu.memory_space<vmem>>
        %dma_wait3A_330 = arith.constant 0 : i32
        %dma_wait3A_331 = arith.constant 0 : i32
        %dma_wait3A_332 = tpu.memref_slice %arg3[%add3A, %dma_wait3A_330, %dma_wait3A_331] : memref<32x80x128xi32, #tpu.memory_space<hbm>> -> memref<1x8x128xi32, #tpu.memory_space<hbm>>
        %dma_wait3A_333 = tpu.memref_squeeze %dma_wait3A_332 : memref<1x8x128xi32, #tpu.memory_space<hbm>> -> memref<8x128xi32, #tpu.memory_space<hbm>>
        tpu.wait_dma2 semaphore(%arg15 : memref<!tpu.dma_semaphore, #tpu.memory_space<semaphore_mem>>) src(%dma_wait3A_333 : memref<8x128xi32, #tpu.memory_space<hbm>>) dst(%dma_wait3A_329 : memref<8x128xi32, #tpu.memory_space<vmem>>)
      } else {
      }
      %ge3A = arith.constant 1 : i32
      %ge3A_92 = arith.cmpi sge, %add3A_53, %ge3A : i32
      %convert_element_type3A_93 = arith.extui %ge3A_92 : i1 to i32
      %cond3A_94 = arith.constant 0 : i32
      %cond3A_95 = arith.cmpi ne, %convert_element_type3A_93, %cond3A_94 : i32
      scf.if %cond3A_95 {
        %dma_wait3A_317 = arith.constant 1 : i32
        %dma_wait3A_318 = arith.constant 0 : i32
        %dma_wait3A_319 = arith.constant 0 : i32
        %dma_wait3A_320 = tpu.memref_slice %arg9[%dma_wait3A_317, %dma_wait3A_318, %dma_wait3A_319] : memref<2x128x128xf32, #tpu.memory_space<vmem>> -> memref<1x128x128xf32, #tpu.memory_space<vmem>>
        %dma_wait3A_321 = tpu.memref_squeeze %dma_wait3A_320 : memref<1x128x128xf32, #tpu.memory_space<vmem>> -> memref<128x128xf32, #tpu.memory_space<vmem>>
        %dma_wait3A_322 = arith.constant 0 : i32
        %dma_wait3A_323 = tpu.memref_slice %arg8[%add3A_53, %dma_wait3A_322] : memref<80x128xi32, #tpu.memory_space<vmem>> -> memref<1x128xi32, #tpu.memory_space<vmem>>
        %dma_wait3A_324 = tpu.memref_squeeze %dma_wait3A_323 : memref<1x128xi32, #tpu.memory_space<vmem>> -> memref<128xi32, #tpu.memory_space<vmem>>
        %dma_wait3A_325 = arith.constant 0 : i32
        %dma_wait3A_326 = arith.constant 0 : i32
        %dma_wait3A_327 = tpu.memref_slice %arg10[%dma_wait3A_325, %dma_wait3A_326] : memref<10240x128xf32, #tpu.memory_space<vmem_shared>> -> memref<10240x128xf32, #tpu.memory_space<vmem_shared>>
        tpu.wait_indirect_dma semaphore(%arg14 : memref<!tpu.dma_semaphore, #tpu.memory_space<semaphore_mem>>) src(%dma_wait3A_321 : memref<128x128xf32, #tpu.memory_space<vmem>>) dst(%dma_wait3A_327 : memref<10240x128xf32, #tpu.memory_space<vmem_shared>>)
      } else {
      }
      %add3A_96 = arith.constant 1 : i32
      %add3A_97 = arith.addi %add3A_53, %add3A_96 : i32
      %lt3A_98 = arith.constant 80 : i32
      %lt3A_99 = arith.cmpi slt, %add3A_97, %lt3A_98 : i32
      %convert_element_type3A_100 = arith.extui %lt3A_99 : i1 to i32
      %cond3A_101 = arith.constant 0 : i32
      %cond3A_102 = arith.cmpi ne, %convert_element_type3A_100, %cond3A_101 : i32
      scf.if %cond3A_102 {
        %add3A_317 = arith.constant 1 : i32
        %add3A_318 = arith.addi %add3A_53, %add3A_317 : i32
        %jit3A_319 = arith.constant 8 : i32
        %div3A_320 = arith.divsi %add3A_318, %jit3A_319 : i32
        %sign3A_321 = arith.constant 0 : i32
        %sign3A_322 = arith.cmpi sgt, %add3A_318, %sign3A_321 : i32
        %sign3A_323 = arith.extui %sign3A_322 : i1 to i32
        %sign3A_324 = arith.constant 0 : i32
        %sign3A_325 = arith.cmpi slt, %add3A_318, %sign3A_324 : i32
        %sign3A_326 = arith.extui %sign3A_325 : i1 to i32
        %sign3A_327 = arith.subi %sign3A_323, %sign3A_326 : i32
        %sign3A_328 = arith.constant 0 : i32
        %sign3A_329 = arith.cmpi sgt, %jit3A_319, %sign3A_328 : i32
        %sign3A_330 = arith.extui %sign3A_329 : i1 to i32
        %sign3A_331 = arith.constant 0 : i32
        %sign3A_332 = arith.cmpi slt, %jit3A_319, %sign3A_331 : i32
        %sign3A_333 = arith.extui %sign3A_332 : i1 to i32
        %sign3A_334 = arith.subi %sign3A_330, %sign3A_333 : i32
        %ne3A_335 = arith.cmpi ne, %sign3A_327, %sign3A_334 : i32
        %rem3A_336 = arith.remsi %add3A_318, %jit3A_319 : i32
        %ne3A_337 = arith.constant 0 : i32
        %ne3A_338 = arith.cmpi ne, %rem3A_336, %ne3A_337 : i32
        %and3A_339 = arith.andi %ne3A_335, %ne3A_338 : i1
        %sub3A_340 = arith.constant 1 : i32
        %sub3A_341 = arith.subi %div3A_320, %sub3A_340 : i32
        %select_n3A_342 = arith.select %and3A_339, %sub3A_341, %div3A_320 : i32
        %jit3A_343 = arith.constant 2 : i32
        %eq3A_344 = arith.constant 0 : i32
        %eq3A_345 = arith.cmpi eq, %jit3A_343, %eq3A_344 : i32
        %jit3A_346 = arith.constant 1 : i32
        %select_n3A_347 = arith.select %eq3A_345, %jit3A_346, %jit3A_343 : i32
        %rem3A_348 = arith.remsi %select_n3A_342, %select_n3A_347 : i32
        %ne3A_349 = arith.constant 0 : i32
        %ne3A_350 = arith.cmpi ne, %rem3A_348, %ne3A_349 : i32
        %lt3A_351 = arith.constant 0 : i32
        %lt3A_352 = arith.cmpi slt, %rem3A_348, %lt3A_351 : i32
        %lt3A_353 = arith.constant 0 : i32
        %lt3A_354 = arith.cmpi slt, %select_n3A_347, %lt3A_353 : i32
        %ne3A_355 = arith.xori %lt3A_352, %lt3A_354 : i1
        %and3A_356 = arith.andi %ne3A_355, %ne3A_350 : i1
        %add3A_357 = arith.addi %rem3A_348, %select_n3A_347 : i32
        %select_n3A_358 = arith.select %and3A_356, %add3A_357, %rem3A_348 : i32
        %jit3A_359 = arith.constant 8 : i32
        %eq3A_360 = arith.constant 0 : i32
        %eq3A_361 = arith.cmpi eq, %jit3A_359, %eq3A_360 : i32
        %jit3A_362 = arith.constant 1 : i32
        %select_n3A_363 = arith.select %eq3A_361, %jit3A_362, %jit3A_359 : i32
        %rem3A_364 = arith.remsi %add3A_318, %select_n3A_363 : i32
        %ne3A_365 = arith.constant 0 : i32
        %ne3A_366 = arith.cmpi ne, %rem3A_364, %ne3A_365 : i32
        %lt3A_367 = arith.constant 0 : i32
        %lt3A_368 = arith.cmpi slt, %rem3A_364, %lt3A_367 : i32
        %lt3A_369 = arith.constant 0 : i32
        %lt3A_370 = arith.cmpi slt, %select_n3A_363, %lt3A_369 : i32
        %ne3A_371 = arith.xori %lt3A_368, %lt3A_370 : i1
        %and3A_372 = arith.andi %ne3A_371, %ne3A_366 : i1
        %add3A_373 = arith.addi %rem3A_364, %select_n3A_363 : i32
        %select_n3A_374 = arith.select %and3A_372, %add3A_373, %rem3A_364 : i32
        %dma_start3A_375 = arith.constant 1 : i32
        %dma_start3A_376 = arith.constant 0 : i32
        %dma_start3A_377 = arith.constant 0 : i32
        %dma_start3A_378 = tpu.memref_slice %arg9[%dma_start3A_375, %dma_start3A_376, %dma_start3A_377] : memref<2x128x128xf32, #tpu.memory_space<vmem>> -> memref<1x128x128xf32, #tpu.memory_space<vmem>>
        %dma_start3A_379 = tpu.memref_squeeze %dma_start3A_378 : memref<1x128x128xf32, #tpu.memory_space<vmem>> -> memref<128x128xf32, #tpu.memory_space<vmem>>
        %dma_start3A_380 = arith.constant 0 : i32
        %dma_start3A_381 = tpu.memref_slice %arg7[%select_n3A_358, %select_n3A_374, %dma_start3A_380] : memref<2x8x128xi32, #tpu.memory_space<vmem>> -> memref<1x1x128xi32, #tpu.memory_space<vmem>>
        %dma_start3A_382 = tpu.memref_squeeze %dma_start3A_381 : memref<1x1x128xi32, #tpu.memory_space<vmem>> -> memref<128xi32, #tpu.memory_space<vmem>>
        %dma_start3A_383 = arith.constant 0 : i32
        %dma_start3A_384 = arith.constant 0 : i32
        %dma_start3A_385 = tpu.memref_slice %arg2[%dma_start3A_383, %dma_start3A_384] : memref<10240x128xf32, #tpu.memory_space<hbm>> -> memref<10240x128xf32, #tpu.memory_space<hbm>>
        tpu.enqueue_indirect_dma source(%dma_start3A_385 : memref<10240x128xf32, #tpu.memory_space<hbm>>) target(%dma_start3A_379 : memref<128x128xf32, #tpu.memory_space<vmem>>) offsets(%dma_start3A_382 : memref<128xi32, #tpu.memory_space<vmem>>) semaphore(%arg12 : memref<!tpu.dma_semaphore, #tpu.memory_space<semaphore_mem>>)
      } else {
      }
      %dma_wait3A_103 = arith.constant 0 : i32
      %dma_wait3A_104 = arith.constant 0 : i32
      %dma_wait3A_105 = arith.constant 0 : i32
      %dma_wait3A_106 = arith.constant 0 : i32
      %dma_wait3A_107 = arith.constant 0 : i32
      %dma_wait3A_108 = tpu.memref_slice %arg9[%dma_wait3A_105, %dma_wait3A_106, %dma_wait3A_107] : memref<2x128x128xf32, #tpu.memory_space<vmem>> -> memref<1x128x128xf32, #tpu.memory_space<vmem>>
      %dma_wait3A_109 = tpu.memref_squeeze %dma_wait3A_108 : memref<1x128x128xf32, #tpu.memory_space<vmem>> -> memref<128x128xf32, #tpu.memory_space<vmem>>
      %dma_wait3A_110 = arith.constant 0 : i32
      %dma_wait3A_111 = tpu.memref_slice %arg7[%dma_wait3A_103, %dma_wait3A_104, %dma_wait3A_110] : memref<2x8x128xi32, #tpu.memory_space<vmem>> -> memref<1x1x128xi32, #tpu.memory_space<vmem>>
      %dma_wait3A_112 = tpu.memref_squeeze %dma_wait3A_111 : memref<1x1x128xi32, #tpu.memory_space<vmem>> -> memref<128xi32, #tpu.memory_space<vmem>>
      %dma_wait3A_113 = arith.constant 0 : i32
      %dma_wait3A_114 = arith.constant 0 : i32
      %dma_wait3A_115 = tpu.memref_slice %arg2[%dma_wait3A_113, %dma_wait3A_114] : memref<10240x128xf32, #tpu.memory_space<hbm>> -> memref<10240x128xf32, #tpu.memory_space<hbm>>
      tpu.wait_indirect_dma semaphore(%arg11 : memref<!tpu.dma_semaphore, #tpu.memory_space<semaphore_mem>>) src(%dma_wait3A_115 : memref<10240x128xf32, #tpu.memory_space<hbm>>) dst(%dma_wait3A_109 : memref<128x128xf32, #tpu.memory_space<vmem>>)
      %dma_start3A_116 = arith.constant 0 : i32
      %dma_start3A_117 = arith.constant 0 : i32
      %dma_start3A_118 = arith.constant 0 : i32
      %dma_start3A_119 = tpu.memref_slice %arg9[%dma_start3A_116, %dma_start3A_117, %dma_start3A_118] : memref<2x128x128xf32, #tpu.memory_space<vmem>> -> memref<1x128x128xf32, #tpu.memory_space<vmem>>
      %dma_start3A_120 = tpu.memref_squeeze %dma_start3A_119 : memref<1x128x128xf32, #tpu.memory_space<vmem>> -> memref<128x128xf32, #tpu.memory_space<vmem>>
      %dma_start3A_121 = arith.constant 0 : i32
      %dma_start3A_122 = tpu.memref_slice %arg8[%add3A_53, %dma_start3A_121] : memref<80x128xi32, #tpu.memory_space<vmem>> -> memref<1x128xi32, #tpu.memory_space<vmem>>
      %dma_start3A_123 = tpu.memref_squeeze %dma_start3A_122 : memref<1x128xi32, #tpu.memory_space<vmem>> -> memref<128xi32, #tpu.memory_space<vmem>>
      %dma_start3A_124 = arith.constant 0 : i32
      %dma_start3A_125 = arith.constant 0 : i32
      %dma_start3A_126 = tpu.memref_slice %arg10[%dma_start3A_124, %dma_start3A_125] : memref<10240x128xf32, #tpu.memory_space<vmem_shared>> -> memref<10240x128xf32, #tpu.memory_space<vmem_shared>>
      tpu.enqueue_indirect_dma source(%dma_start3A_120 : memref<128x128xf32, #tpu.memory_space<vmem>>) target(%dma_start3A_126 : memref<10240x128xf32, #tpu.memory_space<vmem_shared>>) offsets(%dma_start3A_123 : memref<128xi32, #tpu.memory_space<vmem>>) semaphore(%arg13 : memref<!tpu.dma_semaphore, #tpu.memory_space<semaphore_mem>>) {add = true}
      %jit3A_127 = arith.constant 8 : i32
      %eq3A_128 = arith.constant 0 : i32
      %eq3A_129 = arith.cmpi eq, %jit3A_127, %eq3A_128 : i32
      %jit3A_130 = arith.constant 1 : i32
      %select_n3A_131 = arith.select %eq3A_129, %jit3A_130, %jit3A_127 : i32
      %rem3A_132 = arith.remsi %add3A_53, %select_n3A_131 : i32
      %ne3A_133 = arith.constant 0 : i32
      %ne3A_134 = arith.cmpi ne, %rem3A_132, %ne3A_133 : i32
      %lt3A_135 = arith.constant 0 : i32
      %lt3A_136 = arith.cmpi slt, %rem3A_132, %lt3A_135 : i32
      %lt3A_137 = arith.constant 0 : i32
      %lt3A_138 = arith.cmpi slt, %select_n3A_131, %lt3A_137 : i32
      %ne3A_139 = arith.xori %lt3A_136, %lt3A_138 : i1
      %and3A_140 = arith.andi %ne3A_139, %ne3A_134 : i1
      %add3A_141 = arith.addi %rem3A_132, %select_n3A_131 : i32
      %select_n3A_142 = arith.select %and3A_140, %add3A_141, %rem3A_132 : i32
      %eq3A_143 = arith.constant 7 : i32
      %eq3A_144 = arith.cmpi eq, %select_n3A_142, %eq3A_143 : i32
      %jit3A_145 = arith.constant 8 : i32
      %div3A_146 = arith.divsi %add3A_53, %jit3A_145 : i32
      %sign3A_147 = arith.constant 0 : i32
      %sign3A_148 = arith.cmpi sgt, %add3A_53, %sign3A_147 : i32
      %sign3A_149 = arith.extui %sign3A_148 : i1 to i32
      %sign3A_150 = arith.constant 0 : i32
      %sign3A_151 = arith.cmpi slt, %add3A_53, %sign3A_150 : i32
      %sign3A_152 = arith.extui %sign3A_151 : i1 to i32
      %sign3A_153 = arith.subi %sign3A_149, %sign3A_152 : i32
      %sign3A_154 = arith.constant 0 : i32
      %sign3A_155 = arith.cmpi sgt, %jit3A_145, %sign3A_154 : i32
      %sign3A_156 = arith.extui %sign3A_155 : i1 to i32
      %sign3A_157 = arith.constant 0 : i32
      %sign3A_158 = arith.cmpi slt, %jit3A_145, %sign3A_157 : i32
      %sign3A_159 = arith.extui %sign3A_158 : i1 to i32
      %sign3A_160 = arith.subi %sign3A_156, %sign3A_159 : i32
      %ne3A_161 = arith.cmpi ne, %sign3A_153, %sign3A_160 : i32
      %rem3A_162 = arith.remsi %add3A_53, %jit3A_145 : i32
      %ne3A_163 = arith.constant 0 : i32
      %ne3A_164 = arith.cmpi ne, %rem3A_162, %ne3A_163 : i32
      %and3A_165 = arith.andi %ne3A_161, %ne3A_164 : i1
      %sub3A_166 = arith.constant 1 : i32
      %sub3A_167 = arith.subi %div3A_146, %sub3A_166 : i32
      %select_n3A_168 = arith.select %and3A_165, %sub3A_167, %div3A_146 : i32
      %add3A_169 = arith.constant 2 : i32
      %add3A_170 = arith.addi %select_n3A_168, %add3A_169 : i32
      %lt3A_171 = arith.constant 10 : i32
      %lt3A_172 = arith.cmpi slt, %add3A_170, %lt3A_171 : i32
      %and3A_173 = arith.andi %eq3A_144, %lt3A_172 : i1
      %convert_element_type3A_174 = arith.extui %and3A_173 : i1 to i32
      %cond3A_175 = arith.constant 0 : i32
      %cond3A_176 = arith.cmpi ne, %convert_element_type3A_174, %cond3A_175 : i32
      scf.if %cond3A_176 {
        %jit3A_317 = arith.constant 8 : i32
        %div3A_318 = arith.divsi %add3A_53, %jit3A_317 : i32
        %sign3A_319 = arith.constant 0 : i32
        %sign3A_320 = arith.cmpi sgt, %add3A_53, %sign3A_319 : i32
        %sign3A_321 = arith.extui %sign3A_320 : i1 to i32
        %sign3A_322 = arith.constant 0 : i32
        %sign3A_323 = arith.cmpi slt, %add3A_53, %sign3A_322 : i32
        %sign3A_324 = arith.extui %sign3A_323 : i1 to i32
        %sign3A_325 = arith.subi %sign3A_321, %sign3A_324 : i32
        %sign3A_326 = arith.constant 0 : i32
        %sign3A_327 = arith.cmpi sgt, %jit3A_317, %sign3A_326 : i32
        %sign3A_328 = arith.extui %sign3A_327 : i1 to i32
        %sign3A_329 = arith.constant 0 : i32
        %sign3A_330 = arith.cmpi slt, %jit3A_317, %sign3A_329 : i32
        %sign3A_331 = arith.extui %sign3A_330 : i1 to i32
        %sign3A_332 = arith.subi %sign3A_328, %sign3A_331 : i32
        %ne3A_333 = arith.cmpi ne, %sign3A_325, %sign3A_332 : i32
        %rem3A_334 = arith.remsi %add3A_53, %jit3A_317 : i32
        %ne3A_335 = arith.constant 0 : i32
        %ne3A_336 = arith.cmpi ne, %rem3A_334, %ne3A_335 : i32
        %and3A_337 = arith.andi %ne3A_333, %ne3A_336 : i1
        %sub3A_338 = arith.constant 1 : i32
        %sub3A_339 = arith.subi %div3A_318, %sub3A_338 : i32
        %select_n3A_340 = arith.select %and3A_337, %sub3A_339, %div3A_318 : i32
        %add3A_341 = arith.constant 2 : i32
        %add3A_342 = arith.addi %select_n3A_340, %add3A_341 : i32
        %mul3A_343 = arith.constant 8 : i32
        %mul3A_344 = arith.muli %add3A_342, %mul3A_343 : i32
        %jit3A_345 = arith.constant 2 : i32
        %eq3A_346 = arith.constant 0 : i32
        %eq3A_347 = arith.cmpi eq, %jit3A_345, %eq3A_346 : i32
        %jit3A_348 = arith.constant 1 : i32
        %select_n3A_349 = arith.select %eq3A_347, %jit3A_348, %jit3A_345 : i32
        %rem3A_350 = arith.remsi %select_n3A_340, %select_n3A_349 : i32
        %ne3A_351 = arith.constant 0 : i32
        %ne3A_352 = arith.cmpi ne, %rem3A_350, %ne3A_351 : i32
        %lt3A_353 = arith.constant 0 : i32
        %lt3A_354 = arith.cmpi slt, %rem3A_350, %lt3A_353 : i32
        %lt3A_355 = arith.constant 0 : i32
        %lt3A_356 = arith.cmpi slt, %select_n3A_349, %lt3A_355 : i32
        %ne3A_357 = arith.xori %lt3A_354, %lt3A_356 : i1
        %and3A_358 = arith.andi %ne3A_357, %ne3A_352 : i1
        %add3A_359 = arith.addi %rem3A_350, %select_n3A_349 : i32
        %select_n3A_360 = arith.select %and3A_358, %add3A_359, %rem3A_350 : i32
        %dma_start3A_361 = arith.constant 0 : i32
        %dma_start3A_362 = arith.constant 0 : i32
        %dma_start3A_363 = tpu.memref_slice %arg7[%select_n3A_360, %dma_start3A_361, %dma_start3A_362] : memref<2x8x128xi32, #tpu.memory_space<vmem>> -> memref<1x8x128xi32, #tpu.memory_space<vmem>>
        %dma_start3A_364 = tpu.memref_squeeze %dma_start3A_363 : memref<1x8x128xi32, #tpu.memory_space<vmem>> -> memref<8x128xi32, #tpu.memory_space<vmem>>
        %dma_start3A_365 = arith.constant 0 : i32
        %dma_start3A_366 = tpu.memref_slice %arg3[%add3A, %mul3A_344, %dma_start3A_365] : memref<32x80x128xi32, #tpu.memory_space<hbm>> -> memref<1x8x128xi32, #tpu.memory_space<hbm>>
        %dma_start3A_367 = tpu.memref_squeeze %dma_start3A_366 : memref<1x8x128xi32, #tpu.memory_space<hbm>> -> memref<8x128xi32, #tpu.memory_space<hbm>>
        %dma_start3A_368 = arith.constant 0 : i32
        %dma_start3A_369 = arith.constant 0 : i32
        %dma_start3A_370 = tpu.memref_slice %arg7[%select_n3A_360, %dma_start3A_368, %dma_start3A_369] : memref<2x8x128xi32, #tpu.memory_space<vmem>> -> memref<1x8x128xi32, #tpu.memory_space<vmem>>
        %dma_start3A_371 = tpu.memref_squeeze %dma_start3A_370 : memref<1x8x128xi32, #tpu.memory_space<vmem>> -> memref<8x128xi32, #tpu.memory_space<vmem>>
        %dma_start3A_372 = arith.constant 0 : i32
        %dma_start3A_373 = tpu.memref_slice %arg3[%add3A, %mul3A_344, %dma_start3A_372] : memref<32x80x128xi32, #tpu.memory_space<hbm>> -> memref<1x8x128xi32, #tpu.memory_space<hbm>>
        %dma_start3A_374 = tpu.memref_squeeze %dma_start3A_373 : memref<1x8x128xi32, #tpu.memory_space<hbm>> -> memref<8x128xi32, #tpu.memory_space<hbm>>
        tpu.enqueue_dma source(%dma_start3A_374 : memref<8x128xi32, #tpu.memory_space<hbm>>) target(%dma_start3A_371 : memref<8x128xi32, #tpu.memory_space<vmem>>) target_semaphore(%arg15 : memref<!tpu.dma_semaphore, #tpu.memory_space<semaphore_mem>>)
      } else {
      }
      %mul3A_177 = arith.constant 2 : i32
      %mul3A_178 = arith.muli %scan3A_49, %mul3A_177 : i32
      %add3A_179 = arith.constant 1 : i32
      %add3A_180 = arith.addi %mul3A_178, %add3A_179 : i32
      %jit3A_181 = arith.constant 8 : i32
      %eq3A_182 = arith.constant 0 : i32
      %eq3A_183 = arith.cmpi eq, %jit3A_181, %eq3A_182 : i32
      %jit3A_184 = arith.constant 1 : i32
      %select_n3A_185 = arith.select %eq3A_183, %jit3A_184, %jit3A_181 : i32
      %rem3A_186 = arith.remsi %add3A_180, %select_n3A_185 : i32
      %ne3A_187 = arith.constant 0 : i32
      %ne3A_188 = arith.cmpi ne, %rem3A_186, %ne3A_187 : i32
      %lt3A_189 = arith.constant 0 : i32
      %lt3A_190 = arith.cmpi slt, %rem3A_186, %lt3A_189 : i32
      %lt3A_191 = arith.constant 0 : i32
      %lt3A_192 = arith.cmpi slt, %select_n3A_185, %lt3A_191 : i32
      %ne3A_193 = arith.xori %lt3A_190, %lt3A_192 : i1
      %and3A_194 = arith.andi %ne3A_193, %ne3A_188 : i1
      %add3A_195 = arith.addi %rem3A_186, %select_n3A_185 : i32
      %select_n3A_196 = arith.select %and3A_194, %add3A_195, %rem3A_186 : i32
      %eq3A_197 = arith.constant 7 : i32
      %eq3A_198 = arith.cmpi eq, %select_n3A_196, %eq3A_197 : i32
      %jit3A_199 = arith.constant 8 : i32
      %div3A_200 = arith.divsi %add3A_180, %jit3A_199 : i32
      %sign3A_201 = arith.constant 0 : i32
      %sign3A_202 = arith.cmpi sgt, %add3A_180, %sign3A_201 : i32
      %sign3A_203 = arith.extui %sign3A_202 : i1 to i32
      %sign3A_204 = arith.constant 0 : i32
      %sign3A_205 = arith.cmpi slt, %add3A_180, %sign3A_204 : i32
      %sign3A_206 = arith.extui %sign3A_205 : i1 to i32
      %sign3A_207 = arith.subi %sign3A_203, %sign3A_206 : i32
      %sign3A_208 = arith.constant 0 : i32
      %sign3A_209 = arith.cmpi sgt, %jit3A_199, %sign3A_208 : i32
      %sign3A_210 = arith.extui %sign3A_209 : i1 to i32
      %sign3A_211 = arith.constant 0 : i32
      %sign3A_212 = arith.cmpi slt, %jit3A_199, %sign3A_211 : i32
      %sign3A_213 = arith.extui %sign3A_212 : i1 to i32
      %sign3A_214 = arith.subi %sign3A_210, %sign3A_213 : i32
      %ne3A_215 = arith.cmpi ne, %sign3A_207, %sign3A_214 : i32
      %rem3A_216 = arith.remsi %add3A_180, %jit3A_199 : i32
      %ne3A_217 = arith.constant 0 : i32
      %ne3A_218 = arith.cmpi ne, %rem3A_216, %ne3A_217 : i32
      %and3A_219 = arith.andi %ne3A_215, %ne3A_218 : i1
      %sub3A_220 = arith.constant 1 : i32
      %sub3A_221 = arith.subi %div3A_200, %sub3A_220 : i32
      %select_n3A_222 = arith.select %and3A_219, %sub3A_221, %div3A_200 : i32
      %add3A_223 = arith.constant 1 : i32
      %add3A_224 = arith.addi %select_n3A_222, %add3A_223 : i32
      %lt3A_225 = arith.constant 10 : i32
      %lt3A_226 = arith.cmpi slt, %add3A_224, %lt3A_225 : i32
      %and3A_227 = arith.andi %eq3A_198, %lt3A_226 : i1
      %convert_element_type3A_228 = arith.extui %and3A_227 : i1 to i32
      %cond3A_229 = arith.constant 0 : i32
      %cond3A_230 = arith.cmpi ne, %convert_element_type3A_228, %cond3A_229 : i32
      scf.if %cond3A_230 {
        %dma_wait3A_317 = arith.constant 0 : i32
        %dma_wait3A_318 = arith.constant 0 : i32
        %dma_wait3A_319 = arith.constant 0 : i32
        %dma_wait3A_320 = tpu.memref_slice %arg7[%dma_wait3A_317, %dma_wait3A_318, %dma_wait3A_319] : memref<2x8x128xi32, #tpu.memory_space<vmem>> -> memref<1x8x128xi32, #tpu.memory_space<vmem>>
        %dma_wait3A_321 = tpu.memref_squeeze %dma_wait3A_320 : memref<1x8x128xi32, #tpu.memory_space<vmem>> -> memref<8x128xi32, #tpu.memory_space<vmem>>
        %dma_wait3A_322 = arith.constant 0 : i32
        %dma_wait3A_323 = arith.constant 0 : i32
        %dma_wait3A_324 = tpu.memref_slice %arg3[%add3A, %dma_wait3A_322, %dma_wait3A_323] : memref<32x80x128xi32, #tpu.memory_space<hbm>> -> memref<1x8x128xi32, #tpu.memory_space<hbm>>
        %dma_wait3A_325 = tpu.memref_squeeze %dma_wait3A_324 : memref<1x8x128xi32, #tpu.memory_space<hbm>> -> memref<8x128xi32, #tpu.memory_space<hbm>>
        %dma_wait3A_326 = arith.constant 0 : i32
        %dma_wait3A_327 = arith.constant 0 : i32
        %dma_wait3A_328 = tpu.memref_slice %arg7[%dma_wait3A_317, %dma_wait3A_326, %dma_wait3A_327] : memref<2x8x128xi32, #tpu.memory_space<vmem>> -> memref<1x8x128xi32, #tpu.memory_space<vmem>>
        %dma_wait3A_329 = tpu.memref_squeeze %dma_wait3A_328 : memref<1x8x128xi32, #tpu.memory_space<vmem>> -> memref<8x128xi32, #tpu.memory_space<vmem>>
        %dma_wait3A_330 = arith.constant 0 : i32
        %dma_wait3A_331 = arith.constant 0 : i32
        %dma_wait3A_332 = tpu.memref_slice %arg3[%add3A, %dma_wait3A_330, %dma_wait3A_331] : memref<32x80x128xi32, #tpu.memory_space<hbm>> -> memref<1x8x128xi32, #tpu.memory_space<hbm>>
        %dma_wait3A_333 = tpu.memref_squeeze %dma_wait3A_332 : memref<1x8x128xi32, #tpu.memory_space<hbm>> -> memref<8x128xi32, #tpu.memory_space<hbm>>
        tpu.wait_dma2 semaphore(%arg15 : memref<!tpu.dma_semaphore, #tpu.memory_space<semaphore_mem>>) src(%dma_wait3A_333 : memref<8x128xi32, #tpu.memory_space<hbm>>) dst(%dma_wait3A_329 : memref<8x128xi32, #tpu.memory_space<vmem>>)
      } else {
      }
      %ge3A_231 = arith.constant 1 : i32
      %ge3A_232 = arith.cmpi sge, %add3A_180, %ge3A_231 : i32
      %convert_element_type3A_233 = arith.extui %ge3A_232 : i1 to i32
      %cond3A_234 = arith.constant 0 : i32
      %cond3A_235 = arith.cmpi ne, %convert_element_type3A_233, %cond3A_234 : i32
      scf.if %cond3A_235 {
        %dma_wait3A_317 = arith.constant 0 : i32
        %dma_wait3A_318 = arith.constant 0 : i32
        %dma_wait3A_319 = arith.constant 0 : i32
        %dma_wait3A_320 = tpu.memref_slice %arg9[%dma_wait3A_317, %dma_wait3A_318, %dma_wait3A_319] : memref<2x128x128xf32, #tpu.memory_space<vmem>> -> memref<1x128x128xf32, #tpu.memory_space<vmem>>
        %dma_wait3A_321 = tpu.memref_squeeze %dma_wait3A_320 : memref<1x128x128xf32, #tpu.memory_space<vmem>> -> memref<128x128xf32, #tpu.memory_space<vmem>>
        %dma_wait3A_322 = arith.constant 0 : i32
        %dma_wait3A_323 = tpu.memref_slice %arg8[%add3A_180, %dma_wait3A_322] : memref<80x128xi32, #tpu.memory_space<vmem>> -> memref<1x128xi32, #tpu.memory_space<vmem>>
        %dma_wait3A_324 = tpu.memref_squeeze %dma_wait3A_323 : memref<1x128xi32, #tpu.memory_space<vmem>> -> memref<128xi32, #tpu.memory_space<vmem>>
        %dma_wait3A_325 = arith.constant 0 : i32
        %dma_wait3A_326 = arith.constant 0 : i32
        %dma_wait3A_327 = tpu.memref_slice %arg10[%dma_wait3A_325, %dma_wait3A_326] : memref<10240x128xf32, #tpu.memory_space<vmem_shared>> -> memref<10240x128xf32, #tpu.memory_space<vmem_shared>>
        tpu.wait_indirect_dma semaphore(%arg13 : memref<!tpu.dma_semaphore, #tpu.memory_space<semaphore_mem>>) src(%dma_wait3A_321 : memref<128x128xf32, #tpu.memory_space<vmem>>) dst(%dma_wait3A_327 : memref<10240x128xf32, #tpu.memory_space<vmem_shared>>)
      } else {
      }
      %add3A_236 = arith.constant 1 : i32
      %add3A_237 = arith.addi %add3A_180, %add3A_236 : i32
      %lt3A_238 = arith.constant 80 : i32
      %lt3A_239 = arith.cmpi slt, %add3A_237, %lt3A_238 : i32
      %convert_element_type3A_240 = arith.extui %lt3A_239 : i1 to i32
      %cond3A_241 = arith.constant 0 : i32
      %cond3A_242 = arith.cmpi ne, %convert_element_type3A_240, %cond3A_241 : i32
      scf.if %cond3A_242 {
        %add3A_317 = arith.constant 1 : i32
        %add3A_318 = arith.addi %add3A_180, %add3A_317 : i32
        %jit3A_319 = arith.constant 8 : i32
        %div3A_320 = arith.divsi %add3A_318, %jit3A_319 : i32
        %sign3A_321 = arith.constant 0 : i32
        %sign3A_322 = arith.cmpi sgt, %add3A_318, %sign3A_321 : i32
        %sign3A_323 = arith.extui %sign3A_322 : i1 to i32
        %sign3A_324 = arith.constant 0 : i32
        %sign3A_325 = arith.cmpi slt, %add3A_318, %sign3A_324 : i32
        %sign3A_326 = arith.extui %sign3A_325 : i1 to i32
        %sign3A_327 = arith.subi %sign3A_323, %sign3A_326 : i32
        %sign3A_328 = arith.constant 0 : i32
        %sign3A_329 = arith.cmpi sgt, %jit3A_319, %sign3A_328 : i32
        %sign3A_330 = arith.extui %sign3A_329 : i1 to i32
        %sign3A_331 = arith.constant 0 : i32
        %sign3A_332 = arith.cmpi slt, %jit3A_319, %sign3A_331 : i32
        %sign3A_333 = arith.extui %sign3A_332 : i1 to i32
        %sign3A_334 = arith.subi %sign3A_330, %sign3A_333 : i32
        %ne3A_335 = arith.cmpi ne, %sign3A_327, %sign3A_334 : i32
        %rem3A_336 = arith.remsi %add3A_318, %jit3A_319 : i32
        %ne3A_337 = arith.constant 0 : i32
        %ne3A_338 = arith.cmpi ne, %rem3A_336, %ne3A_337 : i32
        %and3A_339 = arith.andi %ne3A_335, %ne3A_338 : i1
        %sub3A_340 = arith.constant 1 : i32
        %sub3A_341 = arith.subi %div3A_320, %sub3A_340 : i32
        %select_n3A_342 = arith.select %and3A_339, %sub3A_341, %div3A_320 : i32
        %jit3A_343 = arith.constant 2 : i32
        %eq3A_344 = arith.constant 0 : i32
        %eq3A_345 = arith.cmpi eq, %jit3A_343, %eq3A_344 : i32
        %jit3A_346 = arith.constant 1 : i32
        %select_n3A_347 = arith.select %eq3A_345, %jit3A_346, %jit3A_343 : i32
        %rem3A_348 = arith.remsi %select_n3A_342, %select_n3A_347 : i32
        %ne3A_349 = arith.constant 0 : i32
        %ne3A_350 = arith.cmpi ne, %rem3A_348, %ne3A_349 : i32
        %lt3A_351 = arith.constant 0 : i32
        %lt3A_352 = arith.cmpi slt, %rem3A_348, %lt3A_351 : i32
        %lt3A_353 = arith.constant 0 : i32
        %lt3A_354 = arith.cmpi slt, %select_n3A_347, %lt3A_353 : i32
        %ne3A_355 = arith.xori %lt3A_352, %lt3A_354 : i1
        %and3A_356 = arith.andi %ne3A_355, %ne3A_350 : i1
        %add3A_357 = arith.addi %rem3A_348, %select_n3A_347 : i32
        %select_n3A_358 = arith.select %and3A_356, %add3A_357, %rem3A_348 : i32
        %jit3A_359 = arith.constant 8 : i32
        %eq3A_360 = arith.constant 0 : i32
        %eq3A_361 = arith.cmpi eq, %jit3A_359, %eq3A_360 : i32
        %jit3A_362 = arith.constant 1 : i32
        %select_n3A_363 = arith.select %eq3A_361, %jit3A_362, %jit3A_359 : i32
        %rem3A_364 = arith.remsi %add3A_318, %select_n3A_363 : i32
        %ne3A_365 = arith.constant 0 : i32
        %ne3A_366 = arith.cmpi ne, %rem3A_364, %ne3A_365 : i32
        %lt3A_367 = arith.constant 0 : i32
        %lt3A_368 = arith.cmpi slt, %rem3A_364, %lt3A_367 : i32
        %lt3A_369 = arith.constant 0 : i32
        %lt3A_370 = arith.cmpi slt, %select_n3A_363, %lt3A_369 : i32
        %ne3A_371 = arith.xori %lt3A_368, %lt3A_370 : i1
        %and3A_372 = arith.andi %ne3A_371, %ne3A_366 : i1
        %add3A_373 = arith.addi %rem3A_364, %select_n3A_363 : i32
        %select_n3A_374 = arith.select %and3A_372, %add3A_373, %rem3A_364 : i32
        %dma_start3A_375 = arith.constant 0 : i32
        %dma_start3A_376 = arith.constant 0 : i32
        %dma_start3A_377 = arith.constant 0 : i32
        %dma_start3A_378 = tpu.memref_slice %arg9[%dma_start3A_375, %dma_start3A_376, %dma_start3A_377] : memref<2x128x128xf32, #tpu.memory_space<vmem>> -> memref<1x128x128xf32, #tpu.memory_space<vmem>>
        %dma_start3A_379 = tpu.memref_squeeze %dma_start3A_378 : memref<1x128x128xf32, #tpu.memory_space<vmem>> -> memref<128x128xf32, #tpu.memory_space<vmem>>
        %dma_start3A_380 = arith.constant 0 : i32
        %dma_start3A_381 = tpu.memref_slice %arg7[%select_n3A_358, %select_n3A_374, %dma_start3A_380] : memref<2x8x128xi32, #tpu.memory_space<vmem>> -> memref<1x1x128xi32, #tpu.memory_space<vmem>>
        %dma_start3A_382 = tpu.memref_squeeze %dma_start3A_381 : memref<1x1x128xi32, #tpu.memory_space<vmem>> -> memref<128xi32, #tpu.memory_space<vmem>>
        %dma_start3A_383 = arith.constant 0 : i32
        %dma_start3A_384 = arith.constant 0 : i32
        %dma_start3A_385 = tpu.memref_slice %arg2[%dma_start3A_383, %dma_start3A_384] : memref<10240x128xf32, #tpu.memory_space<hbm>> -> memref<10240x128xf32, #tpu.memory_space<hbm>>
        tpu.enqueue_indirect_dma source(%dma_start3A_385 : memref<10240x128xf32, #tpu.memory_space<hbm>>) target(%dma_start3A_379 : memref<128x128xf32, #tpu.memory_space<vmem>>) offsets(%dma_start3A_382 : memref<128xi32, #tpu.memory_space<vmem>>) semaphore(%arg11 : memref<!tpu.dma_semaphore, #tpu.memory_space<semaphore_mem>>)
      } else {
      }
      %dma_wait3A_243 = arith.constant 0 : i32
      %dma_wait3A_244 = arith.constant 0 : i32
      %dma_wait3A_245 = arith.constant 1 : i32
      %dma_wait3A_246 = arith.constant 0 : i32
      %dma_wait3A_247 = arith.constant 0 : i32
      %dma_wait3A_248 = tpu.memref_slice %arg9[%dma_wait3A_245, %dma_wait3A_246, %dma_wait3A_247] : memref<2x128x128xf32, #tpu.memory_space<vmem>> -> memref<1x128x128xf32, #tpu.memory_space<vmem>>
      %dma_wait3A_249 = tpu.memref_squeeze %dma_wait3A_248 : memref<1x128x128xf32, #tpu.memory_space<vmem>> -> memref<128x128xf32, #tpu.memory_space<vmem>>
      %dma_wait3A_250 = arith.constant 0 : i32
      %dma_wait3A_251 = tpu.memref_slice %arg7[%dma_wait3A_243, %dma_wait3A_244, %dma_wait3A_250] : memref<2x8x128xi32, #tpu.memory_space<vmem>> -> memref<1x1x128xi32, #tpu.memory_space<vmem>>
      %dma_wait3A_252 = tpu.memref_squeeze %dma_wait3A_251 : memref<1x1x128xi32, #tpu.memory_space<vmem>> -> memref<128xi32, #tpu.memory_space<vmem>>
      %dma_wait3A_253 = arith.constant 0 : i32
      %dma_wait3A_254 = arith.constant 0 : i32
      %dma_wait3A_255 = tpu.memref_slice %arg2[%dma_wait3A_253, %dma_wait3A_254] : memref<10240x128xf32, #tpu.memory_space<hbm>> -> memref<10240x128xf32, #tpu.memory_space<hbm>>
      tpu.wait_indirect_dma semaphore(%arg12 : memref<!tpu.dma_semaphore, #tpu.memory_space<semaphore_mem>>) src(%dma_wait3A_255 : memref<10240x128xf32, #tpu.memory_space<hbm>>) dst(%dma_wait3A_249 : memref<128x128xf32, #tpu.memory_space<vmem>>)
      %dma_start3A_256 = arith.constant 1 : i32
      %dma_start3A_257 = arith.constant 0 : i32
      %dma_start3A_258 = arith.constant 0 : i32
      %dma_start3A_259 = tpu.memref_slice %arg9[%dma_start3A_256, %dma_start3A_257, %dma_start3A_258] : memref<2x128x128xf32, #tpu.memory_space<vmem>> -> memref<1x128x128xf32, #tpu.memory_space<vmem>>
      %dma_start3A_260 = tpu.memref_squeeze %dma_start3A_259 : memref<1x128x128xf32, #tpu.memory_space<vmem>> -> memref<128x128xf32, #tpu.memory_space<vmem>>
      %dma_start3A_261 = arith.constant 0 : i32
      %dma_start3A_262 = tpu.memref_slice %arg8[%add3A_180, %dma_start3A_261] : memref<80x128xi32, #tpu.memory_space<vmem>> -> memref<1x128xi32, #tpu.memory_space<vmem>>
      %dma_start3A_263 = tpu.memref_squeeze %dma_start3A_262 : memref<1x128xi32, #tpu.memory_space<vmem>> -> memref<128xi32, #tpu.memory_space<vmem>>
      %dma_start3A_264 = arith.constant 0 : i32
      %dma_start3A_265 = arith.constant 0 : i32
      %dma_start3A_266 = tpu.memref_slice %arg10[%dma_start3A_264, %dma_start3A_265] : memref<10240x128xf32, #tpu.memory_space<vmem_shared>> -> memref<10240x128xf32, #tpu.memory_space<vmem_shared>>
      tpu.enqueue_indirect_dma source(%dma_start3A_260 : memref<128x128xf32, #tpu.memory_space<vmem>>) target(%dma_start3A_266 : memref<10240x128xf32, #tpu.memory_space<vmem_shared>>) offsets(%dma_start3A_263 : memref<128xi32, #tpu.memory_space<vmem>>) semaphore(%arg14 : memref<!tpu.dma_semaphore, #tpu.memory_space<semaphore_mem>>) {add = true}
      %jit3A_267 = arith.constant 8 : i32
      %eq3A_268 = arith.constant 0 : i32
      %eq3A_269 = arith.cmpi eq, %jit3A_267, %eq3A_268 : i32
      %jit3A_270 = arith.constant 1 : i32
      %select_n3A_271 = arith.select %eq3A_269, %jit3A_270, %jit3A_267 : i32
      %rem3A_272 = arith.remsi %add3A_180, %select_n3A_271 : i32
      %ne3A_273 = arith.constant 0 : i32
      %ne3A_274 = arith.cmpi ne, %rem3A_272, %ne3A_273 : i32
      %lt3A_275 = arith.constant 0 : i32
      %lt3A_276 = arith.cmpi slt, %rem3A_272, %lt3A_275 : i32
      %lt3A_277 = arith.constant 0 : i32
      %lt3A_278 = arith.cmpi slt, %select_n3A_271, %lt3A_277 : i32
      %ne3A_279 = arith.xori %lt3A_276, %lt3A_278 : i1
      %and3A_280 = arith.andi %ne3A_279, %ne3A_274 : i1
      %add3A_281 = arith.addi %rem3A_272, %select_n3A_271 : i32
      %select_n3A_282 = arith.select %and3A_280, %add3A_281, %rem3A_272 : i32
      %eq3A_283 = arith.constant 7 : i32
      %eq3A_284 = arith.cmpi eq, %select_n3A_282, %eq3A_283 : i32
      %jit3A_285 = arith.constant 8 : i32
      %div3A_286 = arith.divsi %add3A_180, %jit3A_285 : i32
      %sign3A_287 = arith.constant 0 : i32
      %sign3A_288 = arith.cmpi sgt, %add3A_180, %sign3A_287 : i32
      %sign3A_289 = arith.extui %sign3A_288 : i1 to i32
      %sign3A_290 = arith.constant 0 : i32
      %sign3A_291 = arith.cmpi slt, %add3A_180, %sign3A_290 : i32
      %sign3A_292 = arith.extui %sign3A_291 : i1 to i32
      %sign3A_293 = arith.subi %sign3A_289, %sign3A_292 : i32
      %sign3A_294 = arith.constant 0 : i32
      %sign3A_295 = arith.cmpi sgt, %jit3A_285, %sign3A_294 : i32
      %sign3A_296 = arith.extui %sign3A_295 : i1 to i32
      %sign3A_297 = arith.constant 0 : i32
      %sign3A_298 = arith.cmpi slt, %jit3A_285, %sign3A_297 : i32
      %sign3A_299 = arith.extui %sign3A_298 : i1 to i32
      %sign3A_300 = arith.subi %sign3A_296, %sign3A_299 : i32
      %ne3A_301 = arith.cmpi ne, %sign3A_293, %sign3A_300 : i32
      %rem3A_302 = arith.remsi %add3A_180, %jit3A_285 : i32
      %ne3A_303 = arith.constant 0 : i32
      %ne3A_304 = arith.cmpi ne, %rem3A_302, %ne3A_303 : i32
      %and3A_305 = arith.andi %ne3A_301, %ne3A_304 : i1
      %sub3A_306 = arith.constant 1 : i32
      %sub3A_307 = arith.subi %div3A_286, %sub3A_306 : i32
      %select_n3A_308 = arith.select %and3A_305, %sub3A_307, %div3A_286 : i32
      %add3A_309 = arith.constant 2 : i32
      %add3A_310 = arith.addi %select_n3A_308, %add3A_309 : i32
      %lt3A_311 = arith.constant 10 : i32
      %lt3A_312 = arith.cmpi slt, %add3A_310, %lt3A_311 : i32
      %and3A_313 = arith.andi %eq3A_284, %lt3A_312 : i1
      %convert_element_type3A_314 = arith.extui %and3A_313 : i1 to i32
      %cond3A_315 = arith.constant 0 : i32
      %cond3A_316 = arith.cmpi ne, %convert_element_type3A_314, %cond3A_315 : i32
      scf.if %cond3A_316 {
        %jit3A_317 = arith.constant 8 : i32
        %div3A_318 = arith.divsi %add3A_180, %jit3A_317 : i32
        %sign3A_319 = arith.constant 0 : i32
        %sign3A_320 = arith.cmpi sgt, %add3A_180, %sign3A_319 : i32
        %sign3A_321 = arith.extui %sign3A_320 : i1 to i32
        %sign3A_322 = arith.constant 0 : i32
        %sign3A_323 = arith.cmpi slt, %add3A_180, %sign3A_322 : i32
        %sign3A_324 = arith.extui %sign3A_323 : i1 to i32
        %sign3A_325 = arith.subi %sign3A_321, %sign3A_324 : i32
        %sign3A_326 = arith.constant 0 : i32
        %sign3A_327 = arith.cmpi sgt, %jit3A_317, %sign3A_326 : i32
        %sign3A_328 = arith.extui %sign3A_327 : i1 to i32
        %sign3A_329 = arith.constant 0 : i32
        %sign3A_330 = arith.cmpi slt, %jit3A_317, %sign3A_329 : i32
        %sign3A_331 = arith.extui %sign3A_330 : i1 to i32
        %sign3A_332 = arith.subi %sign3A_328, %sign3A_331 : i32
        %ne3A_333 = arith.cmpi ne, %sign3A_325, %sign3A_332 : i32
        %rem3A_334 = arith.remsi %add3A_180, %jit3A_317 : i32
        %ne3A_335 = arith.constant 0 : i32
        %ne3A_336 = arith.cmpi ne, %rem3A_334, %ne3A_335 : i32
        %and3A_337 = arith.andi %ne3A_333, %ne3A_336 : i1
        %sub3A_338 = arith.constant 1 : i32
        %sub3A_339 = arith.subi %div3A_318, %sub3A_338 : i32
        %select_n3A_340 = arith.select %and3A_337, %sub3A_339, %div3A_318 : i32
        %add3A_341 = arith.constant 2 : i32
        %add3A_342 = arith.addi %select_n3A_340, %add3A_341 : i32
        %mul3A_343 = arith.constant 8 : i32
        %mul3A_344 = arith.muli %add3A_342, %mul3A_343 : i32
        %jit3A_345 = arith.constant 2 : i32
        %eq3A_346 = arith.constant 0 : i32
        %eq3A_347 = arith.cmpi eq, %jit3A_345, %eq3A_346 : i32
        %jit3A_348 = arith.constant 1 : i32
        %select_n3A_349 = arith.select %eq3A_347, %jit3A_348, %jit3A_345 : i32
        %rem3A_350 = arith.remsi %select_n3A_340, %select_n3A_349 : i32
        %ne3A_351 = arith.constant 0 : i32
        %ne3A_352 = arith.cmpi ne, %rem3A_350, %ne3A_351 : i32
        %lt3A_353 = arith.constant 0 : i32
        %lt3A_354 = arith.cmpi slt, %rem3A_350, %lt3A_353 : i32
        %lt3A_355 = arith.constant 0 : i32
        %lt3A_356 = arith.cmpi slt, %select_n3A_349, %lt3A_355 : i32
        %ne3A_357 = arith.xori %lt3A_354, %lt3A_356 : i1
        %and3A_358 = arith.andi %ne3A_357, %ne3A_352 : i1
        %add3A_359 = arith.addi %rem3A_350, %select_n3A_349 : i32
        %select_n3A_360 = arith.select %and3A_358, %add3A_359, %rem3A_350 : i32
        %dma_start3A_361 = arith.constant 0 : i32
        %dma_start3A_362 = arith.constant 0 : i32
        %dma_start3A_363 = tpu.memref_slice %arg7[%select_n3A_360, %dma_start3A_361, %dma_start3A_362] : memref<2x8x128xi32, #tpu.memory_space<vmem>> -> memref<1x8x128xi32, #tpu.memory_space<vmem>>
        %dma_start3A_364 = tpu.memref_squeeze %dma_start3A_363 : memref<1x8x128xi32, #tpu.memory_space<vmem>> -> memref<8x128xi32, #tpu.memory_space<vmem>>
        %dma_start3A_365 = arith.constant 0 : i32
        %dma_start3A_366 = tpu.memref_slice %arg3[%add3A, %mul3A_344, %dma_start3A_365] : memref<32x80x128xi32, #tpu.memory_space<hbm>> -> memref<1x8x128xi32, #tpu.memory_space<hbm>>
        %dma_start3A_367 = tpu.memref_squeeze %dma_start3A_366 : memref<1x8x128xi32, #tpu.memory_space<hbm>> -> memref<8x128xi32, #tpu.memory_space<hbm>>
        %dma_start3A_368 = arith.constant 0 : i32
        %dma_start3A_369 = arith.constant 0 : i32
        %dma_start3A_370 = tpu.memref_slice %arg7[%select_n3A_360, %dma_start3A_368, %dma_start3A_369] : memref<2x8x128xi32, #tpu.memory_space<vmem>> -> memref<1x8x128xi32, #tpu.memory_space<vmem>>
        %dma_start3A_371 = tpu.memref_squeeze %dma_start3A_370 : memref<1x8x128xi32, #tpu.memory_space<vmem>> -> memref<8x128xi32, #tpu.memory_space<vmem>>
        %dma_start3A_372 = arith.constant 0 : i32
        %dma_start3A_373 = tpu.memref_slice %arg3[%add3A, %mul3A_344, %dma_start3A_372] : memref<32x80x128xi32, #tpu.memory_space<hbm>> -> memref<1x8x128xi32, #tpu.memory_space<hbm>>
        %dma_start3A_374 = tpu.memref_squeeze %dma_start3A_373 : memref<1x8x128xi32, #tpu.memory_space<hbm>> -> memref<8x128xi32, #tpu.memory_space<hbm>>
        tpu.enqueue_dma source(%dma_start3A_374 : memref<8x128xi32, #tpu.memory_space<hbm>>) target(%dma_start3A_371 : memref<8x128xi32, #tpu.memory_space<vmem>>) target_semaphore(%arg15 : memref<!tpu.dma_semaphore, #tpu.memory_space<semaphore_mem>>)
      } else {
      }
    }
    %scan3A_36 = arith.constant 40 : i32
    %dma_wait3A = arith.constant 1 : i32
    %dma_wait3A_37 = arith.constant 0 : i32
    %dma_wait3A_38 = arith.constant 0 : i32
    %dma_wait3A_39 = arith.constant 0 : i32
    %dma_wait3A_40 = tpu.memref_slice %arg9[%dma_wait3A, %dma_wait3A_38, %dma_wait3A_39] : memref<2x128x128xf32, #tpu.memory_space<vmem>> -> memref<1x128x128xf32, #tpu.memory_space<vmem>>
    %dma_wait3A_41 = tpu.memref_squeeze %dma_wait3A_40 : memref<1x128x128xf32, #tpu.memory_space<vmem>> -> memref<128x128xf32, #tpu.memory_space<vmem>>
    %dma_wait3A_42 = arith.constant 0 : i32
    %dma_wait3A_43 = tpu.memref_slice %arg8[%dma_wait3A_37, %dma_wait3A_42] : memref<80x128xi32, #tpu.memory_space<vmem>> -> memref<1x128xi32, #tpu.memory_space<vmem>>
    %dma_wait3A_44 = tpu.memref_squeeze %dma_wait3A_43 : memref<1x128xi32, #tpu.memory_space<vmem>> -> memref<128xi32, #tpu.memory_space<vmem>>
    %dma_wait3A_45 = arith.constant 0 : i32
    %dma_wait3A_46 = arith.constant 0 : i32
    %dma_wait3A_47 = tpu.memref_slice %arg10[%dma_wait3A_45, %dma_wait3A_46] : memref<10240x128xf32, #tpu.memory_space<vmem_shared>> -> memref<10240x128xf32, #tpu.memory_space<vmem_shared>>
    tpu.wait_indirect_dma semaphore(%arg14 : memref<!tpu.dma_semaphore, #tpu.memory_space<semaphore_mem>>) src(%dma_wait3A_41 : memref<128x128xf32, #tpu.memory_space<vmem>>) dst(%dma_wait3A_47 : memref<10240x128xf32, #tpu.memory_space<vmem_shared>>)
    %barrier3A_48 = arith.constant 0 : index
    tpu.barrier barrier_id(%barrier3A_48)
    "tpu.region"() ({
      %run_scoped3A_49 = tpu.sem_alloc : memref<!tpu.dma_semaphore, #tpu.memory_space<semaphore_mem>>
      %dma_start3A_50 = arith.constant 0 : i32
      %dma_start3A_51 = tpu.memref_slice %arg6[%arg0, %mul3A_2, %dma_start3A_50] : memref<2x10240x128xf32, #tpu.memory_space<hbm>> -> memref<1x640x128xf32, #tpu.memory_space<hbm>>
      %dma_start3A_52 = tpu.memref_squeeze %dma_start3A_51 : memref<1x640x128xf32, #tpu.memory_space<hbm>> -> memref<640x128xf32, #tpu.memory_space<hbm>>
      %dma_start3A_53 = arith.constant 0 : i32
      %dma_start3A_54 = tpu.memref_slice %arg10[%mul3A_2, %dma_start3A_53] : memref<10240x128xf32, #tpu.memory_space<vmem_shared>> -> memref<640x128xf32, #tpu.memory_space<vmem_shared>>
      tpu.enqueue_dma source(%dma_start3A_54 : memref<640x128xf32, #tpu.memory_space<vmem_shared>>) target(%dma_start3A_52 : memref<640x128xf32, #tpu.memory_space<hbm>>) target_semaphore(%run_scoped3A_49 : memref<!tpu.dma_semaphore, #tpu.memory_space<semaphore_mem>>)
      %dma_wait3A_55 = arith.constant 0 : i32
      %dma_wait3A_56 = tpu.memref_slice %arg6[%arg0, %mul3A_2, %dma_wait3A_55] : memref<2x10240x128xf32, #tpu.memory_space<hbm>> -> memref<1x640x128xf32, #tpu.memory_space<hbm>>
      %dma_wait3A_57 = tpu.memref_squeeze %dma_wait3A_56 : memref<1x640x128xf32, #tpu.memory_space<hbm>> -> memref<640x128xf32, #tpu.memory_space<hbm>>
      %dma_wait3A_58 = arith.constant 0 : i32
      %dma_wait3A_59 = tpu.memref_slice %arg10[%mul3A_2, %dma_wait3A_58] : memref<10240x128xf32, #tpu.memory_space<vmem_shared>> -> memref<640x128xf32, #tpu.memory_space<vmem_shared>>
      tpu.wait_dma2 semaphore(%run_scoped3A_49 : memref<!tpu.dma_semaphore, #tpu.memory_space<semaphore_mem>>) src(%dma_wait3A_59 : memref<640x128xf32, #tpu.memory_space<vmem_shared>>) dst(%dma_wait3A_57 : memref<640x128xf32, #tpu.memory_space<hbm>>)
      tpu.yield
    }) : () -> ()
    return
  }
}

module attributes {stable_mosaic.version = 14 : i64} {
  func.func @_tc_mm_body(%arg0: i32, %arg1: memref<1024x128xf32, #tpu.memory_space<vmem>>, %arg2: memref<128x128xf32, #tpu.memory_space<vmem>>, %arg3: memref<1024x128xf32, #tpu.memory_space<vmem>>) attributes {dimension_semantics = [#tpu.dimension_semantics<arbitrary>], iteration_bounds = array<i64: 10>, scalar_prefetch = 0 : i64, scratch_operands = 0 : i64, tpu.core_type = #tpu.core_type<tc>, window_params = [{transform_indices = @transform_0, window_bounds = array<i64: 1024, 128>}, {pipeline_mode = #tpu.pipeline_mode<synchronous>, transform_indices = @transform_1, window_bounds = array<i64: 128, 128>}, {transform_indices = @transform_2, window_bounds = array<i64: 1024, 128>}]} {
    %get3A = arith.constant 0 : index
    %get3A_0 = arith.constant 0 : index
    %get3A_1 = vector.load %arg1[%get3A, %get3A_0] : memref<1024x128xf32, #tpu.memory_space<vmem>>, vector<1024x128xf32>
    %get3A_2 = arith.constant 0 : index
    %get3A_3 = arith.constant 0 : index
    %get3A_4 = vector.load %arg2[%get3A_2, %get3A_3] : memref<128x128xf32, #tpu.memory_space<vmem>>, vector<128x128xf32>
    %dot_general3A = arith.constant dense<0.000000e+00> : vector<1024x128xf32>
    %dot_general3A_5 = tpu.matmul %get3A_1, %get3A_4, %dot_general3A {dimension_numbers = #tpu.dot_dimension_numbers<[1], [0], [0], [1], [0, 0, 1, 1], [], []>, transpose_lhs_hint = false} : vector<1024x128xf32>, vector<128x128xf32>, vector<1024x128xf32> -> vector<1024x128xf32>
    %swap3A = arith.constant 0 : index
    %swap3A_6 = arith.constant 0 : index
    %swap3A_7 = vector.load %arg3[%swap3A, %swap3A_6] : memref<1024x128xf32, #tpu.memory_space<vmem>>, vector<1024x128xf32>
    tpu.vector_store %arg3[%swap3A, %swap3A_6], %dot_general3A_5 {strides = array<i32>} : memref<1024x128xf32, #tpu.memory_space<vmem>>, vector<1024x128xf32>,
    return
  }
  func.func @transform_0(%arg0: i32) -> (i32, i32) {
    %c0_i32 = arith.constant 0 : i32
    %c0_i32_0 = arith.constant 0 : i32
    return %arg0, %c0_i32 : i32, i32
  }
  func.func @transform_1(%arg0: i32) -> (i32, i32) {
    %c0_i32 = arith.constant 0 : i32
    %c0_i32_0 = arith.constant 0 : i32
    %c0_i32_1 = arith.constant 0 : i32
    return %c0_i32, %c0_i32_0 : i32, i32
  }
  func.func @transform_2(%arg0: i32) -> (i32, i32) {
    %c0_i32 = arith.constant 0 : i32
    %c0_i32_0 = arith.constant 0 : i32
    return %arg0, %c0_i32 : i32, i32
  }
}

module attributes {stable_mosaic.version = 14 : i64} {
  func.func @_tc_mid_body(%arg0: i32, %arg1: memref<2x1024x128xf32, #tpu.memory_space<vmem>>, %arg2: memref<1024x128xf32, #tpu.memory_space<vmem>>, %arg3: memref<1024x1xf32, #tpu.memory_space<vmem>>, %arg4: memref<1x128xf32, #tpu.memory_space<vmem>>, %arg5: memref<128x128xf32, #tpu.memory_space<vmem>>, %arg6: memref<1024x128xf32, #tpu.memory_space<vmem>>) attributes {dimension_semantics = [#tpu.dimension_semantics<arbitrary>], iteration_bounds = array<i64: 10>, scalar_prefetch = 0 : i64, scratch_operands = 0 : i64, tpu.core_type = #tpu.core_type<tc>, window_params = [{transform_indices = @transform_0, window_bounds = array<i64: 2, 1024, 128>}, {transform_indices = @transform_1, window_bounds = array<i64: 1024, 128>}, {transform_indices = @transform_2, window_bounds = array<i64: 1024, 1>}, {pipeline_mode = #tpu.pipeline_mode<synchronous>, transform_indices = @transform_3, window_bounds = array<i64: 1, 128>}, {pipeline_mode = #tpu.pipeline_mode<synchronous>, transform_indices = @transform_4, window_bounds = array<i64: 128, 128>}, {transform_indices = @transform_5, window_bounds = array<i64: 1024, 128>}]} {
    %get3A = arith.constant 0 : index
    %get3A_0 = arith.constant 0 : index
    %get3A_1 = vector.load %arg3[%get3A, %get3A_0] : memref<1024x1xf32, #tpu.memory_space<vmem>>, vector<1024x1xf32>
    %get3A_2 = arith.constant 0 : index
    %get3A_3 = arith.constant 0 : index
    %get3A_4 = arith.constant 0 : index
    %get3A_5 = vector.load %arg1[%get3A_2, %get3A_3, %get3A_4] : memref<2x1024x128xf32, #tpu.memory_space<vmem>>, vector<1x1024x128xf32>
    %get3A_6 = vector.shape_cast %get3A_5 : vector<1x1024x128xf32> to vector<1024x128xf32>
    %get3A_7 = arith.constant 1 : index
    %get3A_8 = arith.constant 0 : index
    %get3A_9 = arith.constant 0 : index
    %get3A_10 = vector.load %arg1[%get3A_7, %get3A_8, %get3A_9] : memref<2x1024x128xf32, #tpu.memory_space<vmem>>, vector<1x1024x128xf32>
    %get3A_11 = vector.shape_cast %get3A_10 : vector<1x1024x128xf32> to vector<1024x128xf32>
    %add3A = arith.addf %get3A_6, %get3A_11 : vector<1024x128xf32>
    %get3A_12 = arith.constant 0 : index
    %get3A_13 = arith.constant 0 : index
    %get3A_14 = vector.load %arg2[%get3A_12, %get3A_13] : memref<1024x128xf32, #tpu.memory_space<vmem>>, vector<1024x128xf32>
    %add3A_15 = arith.addf %add3A, %get3A_14 : vector<1024x128xf32>
    %mul3A = vector.broadcast %get3A_1 : vector<1024x1xf32> to vector<1024x128xf32>
    %mul3A_16 = arith.mulf %add3A_15, %mul3A : vector<1024x128xf32>
    %get3A_17 = arith.constant 0 : index
    %get3A_18 = arith.constant 0 : index
    %get3A_19 = vector.load %arg4[%get3A_17, %get3A_18] : memref<1x128xf32, #tpu.memory_space<vmem>>, vector<1x128xf32>
    %add3A_20 = vector.broadcast %get3A_19 : vector<1x128xf32> to vector<1024x128xf32>
    %add3A_21 = arith.addf %mul3A_16, %add3A_20 : vector<1024x128xf32>
    %max3A = arith.constant 0.000000e+00 : f32
    %max3A_22 = vector.broadcast %max3A : f32 to vector<1024x128xf32>
    %max3A_23 = arith.maximumf %add3A_21, %max3A_22 : vector<1024x128xf32>
    %get3A_24 = arith.constant 0 : index
    %get3A_25 = arith.constant 0 : index
    %get3A_26 = vector.load %arg5[%get3A_24, %get3A_25] : memref<128x128xf32, #tpu.memory_space<vmem>>, vector<128x128xf32>
    %dot_general3A = arith.constant dense<0.000000e+00> : vector<1024x128xf32>
    %dot_general3A_27 = tpu.matmul %max3A_23, %get3A_26, %dot_general3A {dimension_numbers = #tpu.dot_dimension_numbers<[1], [0], [0], [1], [0, 0, 1, 1], [], []>, transpose_lhs_hint = false} : vector<1024x128xf32>, vector<128x128xf32>, vector<1024x128xf32> -> vector<1024x128xf32>
    %mul3A_28 = vector.broadcast %get3A_1 : vector<1024x1xf32> to vector<1024x128xf32>
    %mul3A_29 = arith.mulf %dot_general3A_27, %mul3A_28 : vector<1024x128xf32>
    %swap3A = arith.constant 0 : index
    %swap3A_30 = arith.constant 0 : index
    %swap3A_31 = vector.load %arg6[%swap3A, %swap3A_30] : memref<1024x128xf32, #tpu.memory_space<vmem>>, vector<1024x128xf32>
    tpu.vector_store %arg6[%swap3A, %swap3A_30], %mul3A_29 {strides = array<i32>} : memref<1024x128xf32, #tpu.memory_space<vmem>>, vector<1024x128xf32>,
    return
  }
  func.func @transform_0(%arg0: i32) -> (i32, i32, i32) {
    %c0_i32 = arith.constant 0 : i32
    %c0_i32_0 = arith.constant 0 : i32
    %c0_i32_1 = arith.constant 0 : i32
    return %c0_i32, %arg0, %c0_i32_0 : i32, i32, i32
  }
  func.func @transform_1(%arg0: i32) -> (i32, i32) {
    %c0_i32 = arith.constant 0 : i32
    %c0_i32_0 = arith.constant 0 : i32
    return %arg0, %c0_i32 : i32, i32
  }
  func.func @transform_2(%arg0: i32) -> (i32, i32) {
    %c0_i32 = arith.constant 0 : i32
    %c0_i32_0 = arith.constant 0 : i32
    return %arg0, %c0_i32 : i32, i32
  }
  func.func @transform_3(%arg0: i32) -> (i32, i32) {
    %c0_i32 = arith.constant 0 : i32
    %c0_i32_0 = arith.constant 0 : i32
    %c0_i32_1 = arith.constant 0 : i32
    return %c0_i32, %c0_i32_0 : i32, i32
  }
  func.func @transform_4(%arg0: i32) -> (i32, i32) {
    %c0_i32 = arith.constant 0 : i32
    %c0_i32_0 = arith.constant 0 : i32
    %c0_i32_1 = arith.constant 0 : i32
    return %c0_i32, %c0_i32_0 : i32, i32
  }
  func.func @transform_5(%arg0: i32) -> (i32, i32) {
    %c0_i32 = arith.constant 0 : i32
    %c0_i32_0 = arith.constant 0 : i32
    return %arg0, %c0_i32 : i32, i32
  }
}

module attributes {stable_mosaic.version = 14 : i64} {
  func.func @_tc_scale_body(%arg0: i32, %arg1: memref<1024x128xf32, #tpu.memory_space<vmem>>, %arg2: memref<2x1024x128xf32, #tpu.memory_space<vmem>>, %arg3: memref<1024x128xf32, #tpu.memory_space<vmem>>, %arg4: memref<1024x1xf32, #tpu.memory_space<vmem>>) attributes {dimension_semantics = [#tpu.dimension_semantics<arbitrary>], iteration_bounds = array<i64: 10>, scalar_prefetch = 0 : i64, scratch_operands = 0 : i64, tpu.core_type = #tpu.core_type<tc>, window_params = [{transform_indices = @transform_0, window_bounds = array<i64: 1024, 128>}, {transform_indices = @transform_1, window_bounds = array<i64: 2, 1024, 128>}, {transform_indices = @transform_2, window_bounds = array<i64: 1024, 128>}, {transform_indices = @transform_3, window_bounds = array<i64: 1024, 1>}]} {
    %get3A = arith.constant 0 : index
    %get3A_0 = arith.constant 0 : index
    %get3A_1 = arith.constant 0 : index
    %get3A_2 = vector.load %arg2[%get3A, %get3A_0, %get3A_1] : memref<2x1024x128xf32, #tpu.memory_space<vmem>>, vector<1x1024x128xf32>
    %get3A_3 = vector.shape_cast %get3A_2 : vector<1x1024x128xf32> to vector<1024x128xf32>
    %slice3A = vector.extract_strided_slice %get3A_3 {offsets = [0, 0], sizes = [1024, 1], strides = [1, 1]} : vector<1024x128xf32> to vector<1024x1xf32>
    %get3A_4 = arith.constant 1 : index
    %get3A_5 = arith.constant 0 : index
    %get3A_6 = arith.constant 0 : index
    %get3A_7 = vector.load %arg2[%get3A_4, %get3A_5, %get3A_6] : memref<2x1024x128xf32, #tpu.memory_space<vmem>>, vector<1x1024x128xf32>
    %get3A_8 = vector.shape_cast %get3A_7 : vector<1x1024x128xf32> to vector<1024x128xf32>
    %slice3A_9 = vector.extract_strided_slice %get3A_8 {offsets = [0, 0], sizes = [1024, 1], strides = [1, 1]} : vector<1024x128xf32> to vector<1024x1xf32>
    %add3A = arith.addf %slice3A, %slice3A_9 : vector<1024x1xf32>
    %add3A_10 = arith.constant 1.000000e+00 : f32
    %add3A_11 = vector.broadcast %add3A_10 : f32 to vector<1024x1xf32>
    %add3A_12 = arith.addf %add3A, %add3A_11 : vector<1024x1xf32>
    %rsqrt3A = math.rsqrt %add3A_12 : vector<1024x1xf32>
    %get3A_13 = arith.constant 0 : index
    %get3A_14 = arith.constant 0 : index
    %get3A_15 = vector.load %arg1[%get3A_13, %get3A_14] : memref<1024x128xf32, #tpu.memory_space<vmem>>, vector<1024x128xf32>
    %mul3A = vector.broadcast %rsqrt3A : vector<1024x1xf32> to vector<1024x128xf32>
    %mul3A_16 = arith.mulf %get3A_15, %mul3A : vector<1024x128xf32>
    %swap3A = arith.constant 0 : index
    %swap3A_17 = arith.constant 0 : index
    %swap3A_18 = vector.load %arg3[%swap3A, %swap3A_17] : memref<1024x128xf32, #tpu.memory_space<vmem>>, vector<1024x128xf32>
    tpu.vector_store %arg3[%swap3A, %swap3A_17], %mul3A_16 {strides = array<i32>} : memref<1024x128xf32, #tpu.memory_space<vmem>>, vector<1024x128xf32>,
    %swap3A_19 = arith.constant 0 : index
    %swap3A_20 = arith.constant 0 : index
    %swap3A_21 = vector.load %arg4[%swap3A_19, %swap3A_20] : memref<1024x1xf32, #tpu.memory_space<vmem>>, vector<1024x1xf32>
    tpu.vector_store %arg4[%swap3A_19, %swap3A_20], %rsqrt3A {strides = array<i32>} : memref<1024x1xf32, #tpu.memory_space<vmem>>, vector<1024x1xf32>,
    return
  }
  func.func @transform_0(%arg0: i32) -> (i32, i32) {
    %c0_i32 = arith.constant 0 : i32
    %c0_i32_0 = arith.constant 0 : i32
    return %arg0, %c0_i32 : i32, i32
  }
  func.func @transform_1(%arg0: i32) -> (i32, i32, i32) {
    %c0_i32 = arith.constant 0 : i32
    %c0_i32_0 = arith.constant 0 : i32
    %c0_i32_1 = arith.constant 0 : i32
    return %c0_i32, %arg0, %c0_i32_0 : i32, i32, i32
  }
  func.func @transform_2(%arg0: i32) -> (i32, i32) {
    %c0_i32 = arith.constant 0 : i32
    %c0_i32_0 = arith.constant 0 : i32
    return %arg0, %c0_i32 : i32, i32
  }
  func.func @transform_3(%arg0: i32) -> (i32, i32) {
    %c0_i32 = arith.constant 0 : i32
    %c0_i32_0 = arith.constant 0 : i32
    return %arg0, %c0_i32 : i32, i32
  }
}

module attributes {stable_mosaic.version = 14 : i64} {
  func.func @_tc_out_body(%arg0: i32, %arg1: memref<2x1024x128xf32, #tpu.memory_space<vmem>>, %arg2: memref<1024x128xf32, #tpu.memory_space<vmem>>, %arg3: memref<1024x1xf32, #tpu.memory_space<vmem>>, %arg4: memref<1x128xf32, #tpu.memory_space<vmem>>, %arg5: memref<1024x128xf32, #tpu.memory_space<vmem>>) attributes {dimension_semantics = [#tpu.dimension_semantics<arbitrary>], iteration_bounds = array<i64: 10>, scalar_prefetch = 0 : i64, scratch_operands = 0 : i64, tpu.core_type = #tpu.core_type<tc>, window_params = [{transform_indices = @transform_0, window_bounds = array<i64: 2, 1024, 128>}, {transform_indices = @transform_1, window_bounds = array<i64: 1024, 128>}, {transform_indices = @transform_2, window_bounds = array<i64: 1024, 1>}, {pipeline_mode = #tpu.pipeline_mode<synchronous>, transform_indices = @transform_3, window_bounds = array<i64: 1, 128>}, {transform_indices = @transform_4, window_bounds = array<i64: 1024, 128>}]} {
    %get3A = arith.constant 0 : index
    %get3A_0 = arith.constant 0 : index
    %get3A_1 = arith.constant 0 : index
    %get3A_2 = vector.load %arg1[%get3A, %get3A_0, %get3A_1] : memref<2x1024x128xf32, #tpu.memory_space<vmem>>, vector<1x1024x128xf32>
    %get3A_3 = vector.shape_cast %get3A_2 : vector<1x1024x128xf32> to vector<1024x128xf32>
    %get3A_4 = arith.constant 1 : index
    %get3A_5 = arith.constant 0 : index
    %get3A_6 = arith.constant 0 : index
    %get3A_7 = vector.load %arg1[%get3A_4, %get3A_5, %get3A_6] : memref<2x1024x128xf32, #tpu.memory_space<vmem>>, vector<1x1024x128xf32>
    %get3A_8 = vector.shape_cast %get3A_7 : vector<1x1024x128xf32> to vector<1024x128xf32>
    %add3A = arith.addf %get3A_3, %get3A_8 : vector<1024x128xf32>
    %get3A_9 = arith.constant 0 : index
    %get3A_10 = arith.constant 0 : index
    %get3A_11 = vector.load %arg2[%get3A_9, %get3A_10] : memref<1024x128xf32, #tpu.memory_space<vmem>>, vector<1024x128xf32>
    %add3A_12 = arith.addf %add3A, %get3A_11 : vector<1024x128xf32>
    %get3A_13 = arith.constant 0 : index
    %get3A_14 = arith.constant 0 : index
    %get3A_15 = vector.load %arg3[%get3A_13, %get3A_14] : memref<1024x1xf32, #tpu.memory_space<vmem>>, vector<1024x1xf32>
    %mul3A = vector.broadcast %get3A_15 : vector<1024x1xf32> to vector<1024x128xf32>
    %mul3A_16 = arith.mulf %add3A_12, %mul3A : vector<1024x128xf32>
    %get3A_17 = arith.constant 0 : index
    %get3A_18 = arith.constant 0 : index
    %get3A_19 = vector.load %arg4[%get3A_17, %get3A_18] : memref<1x128xf32, #tpu.memory_space<vmem>>, vector<1x128xf32>
    %add3A_20 = vector.broadcast %get3A_19 : vector<1x128xf32> to vector<1024x128xf32>
    %add3A_21 = arith.addf %mul3A_16, %add3A_20 : vector<1024x128xf32>
    %reduce_max3A = arith.constant dense<0xFF800000> : vector<1024xf32>
    %reduce_max3A_22 = vector.multi_reduction <maximumf>, %add3A_21, %reduce_max3A [1] : vector<1024x128xf32> to vector<1024xf32>
    %broadcast_in_dim3A = vector.shape_cast %reduce_max3A_22 : vector<1024xf32> to vector<1024x1xf32>
    %sub3A = vector.broadcast %broadcast_in_dim3A : vector<1024x1xf32> to vector<1024x128xf32>
    %sub3A_23 = arith.subf %add3A_21, %sub3A : vector<1024x128xf32>
    %exp3A = math.exp %sub3A_23 : vector<1024x128xf32>
    %reduce_sum3A = arith.constant dense<0.000000e+00> : vector<1024xf32>
    %reduce_sum3A_24 = vector.multi_reduction <add>, %exp3A, %reduce_sum3A [1] : vector<1024x128xf32> to vector<1024xf32>
    %broadcast_in_dim3A_25 = vector.shape_cast %reduce_sum3A_24 : vector<1024xf32> to vector<1024x1xf32>
    %log3A = math.log %broadcast_in_dim3A_25 : vector<1024x1xf32>
    %sub3A_26 = vector.broadcast %log3A : vector<1024x1xf32> to vector<1024x128xf32>
    %sub3A_27 = arith.subf %sub3A_23, %sub3A_26 : vector<1024x128xf32>
    %swap3A = arith.constant 0 : index
    %swap3A_28 = arith.constant 0 : index
    %swap3A_29 = vector.load %arg5[%swap3A, %swap3A_28] : memref<1024x128xf32, #tpu.memory_space<vmem>>, vector<1024x128xf32>
    tpu.vector_store %arg5[%swap3A, %swap3A_28], %sub3A_27 {strides = array<i32>} : memref<1024x128xf32, #tpu.memory_space<vmem>>, vector<1024x128xf32>,
    return
  }
  func.func @transform_0(%arg0: i32) -> (i32, i32, i32) {
    %c0_i32 = arith.constant 0 : i32
    %c0_i32_0 = arith.constant 0 : i32
    %c0_i32_1 = arith.constant 0 : i32
    return %c0_i32, %arg0, %c0_i32_0 : i32, i32, i32
  }
  func.func @transform_1(%arg0: i32) -> (i32, i32) {
    %c0_i32 = arith.constant 0 : i32
    %c0_i32_0 = arith.constant 0 : i32
    return %arg0, %c0_i32 : i32, i32
  }
  func.func @transform_2(%arg0: i32) -> (i32, i32) {
    %c0_i32 = arith.constant 0 : i32
    %c0_i32_0 = arith.constant 0 : i32
    return %arg0, %c0_i32 : i32, i32
  }
  func.func @transform_3(%arg0: i32) -> (i32, i32) {
    %c0_i32 = arith.constant 0 : i32
    %c0_i32_0 = arith.constant 0 : i32
    %c0_i32_1 = arith.constant 0 : i32
    return %c0_i32, %c0_i32_0 : i32, i32
  }
  func.func @transform_4(%arg0: i32) -> (i32, i32) {
    %c0_i32 = arith.constant 0 : i32
    %c0_i32_0 = arith.constant 0 : i32
    return %arg0, %c0_i32 : i32, i32
  }
}

</mosaic_0001>

<sc_bundles>
// kernel: kernel.12.cloned.1.call-start
scs
__scs_entry_jumppad:
0x0: {  	(pc) =	sbr.rel $0x88, $3  }
0x1: {  	(tag) =	ssettag $0x0;
	lr =	simm.s32 $0x1  }
0x2: {  	[smem:$0x3F9B] =	sst lr;
	_ =	strace $0xD0000000  }
0x3: {  	_ = 	snop  }
0x4: {  	_ = 	snop  }
0x5: {  	_ = 	snop  }
0x6: {  	_ = 	snop  }
0x7: {  	_ = 	snop  }
__scs_overlays_trampoline_lowered:
0x8: {  	[smem:$0x3FAA] =	sst s0  }
0x9: {  	[smem:$0x3FAB] =	sst s1  }
0xa: {  	[smem:$0x3FAC] =	sst s2  }
0xb: {  	[smem:$0x3FAD] =	sst s3  }
0xc: {  	[smem:$0x3FAE] =	sst s4  }
0xd: {  	[smem:$0x3FAF] =	sst s5  }
0xe: {  	[smem:$0x3FB0] =	sst s6  }
0xf: {  	[smem:$0x3FB1] =	sst s7  }
0x10: {  	[smem:$0x3FB2] =	sst s8  }
0x11: {  	[smem:$0x3FB3] =	sst s9;
	s0 =	simm.s32 @!p0 $0x0  }
0x12: {  	s1 =	sld [smem:$0x3F99];
	s0 =	simm.s32 @p0 $0x1  }
0x13: {  	[smem:$0x3FB4] =	sst s0;
	s0 =	simm.s32 @!p1 $0x0  }
0x14: {  	s2 =	sld [smem:$0x3F98];
	s0 =	simm.s32 @p1 $0x1  }
0x15: {  	[smem:$0x3FB5] =	sst s0;
	s0 =	simm.s32 @!p2 $0x0  }
0x16: {  	s3 =	sld [smem:$0x3FDB];
	s0 =	simm.s32 @p2 $0x1  }
0x17: {  	s4 =	simm.s32 $0x1BF5;
	[smem:$0x3FB7] =	sst s0  }
0x18: {  	s0 =	sld [smem:$0x3F9A];
	_ =	swait.ge [sflag:s4], $0x0  }
0x19: {  	s7 =	sld [smem:$0x3F9B]  }
0x1a: {  	s8 =	sadd.s32 $0xFFFFE003, lr  }
0x1b: {  	s9 =	sadd.s32 $0xFFFFFEF7, lr;
	s5 =	simm.s32 $0xFFFFFFFF;
	p2 =	slt.u32 s8, $0xFFFFF086  }
0x1c: {  	p1 =	slt.u32 s9, $0xF7A;
	s5 =	simm.s32 @!p2 $0x0  }
0x1d: {  	s5 =	simm.s32 @p1 $0x1;
	p0 =	seq.s32 s7, s2  }
0x1e: {  	s7 =	smul.u32 @!p0 $0xF7A, s2;
	p2 =	seq.s32 @!p0 s5, $0x0  }
0x1f: {  	s9 =	smul.u32 $0xF7A, s1;
	s8 =	simm.s32 @!p0 $0x1BF5;
	p2 =	por !p2, p0  }
0x20: {  	[sflag:s8] =	ssyncset.s32 @!p0 $0xFFFFF086;
	s6 =	sadd.s32 @!p0 s3, s7;
	s7 =	simm.s32 @!p0 $0x108  }
0x21: {  	s3 =	sadd.s32 s3, s9;
	s6 =	sadd.s32 @!p0 $0x88, s6;
	s7 =	simm.s32 @p2 $0x1082  }
0x22: {  	[simem:s7], [sflag:s8] =	dma.local @!p0 [hbm:s6], $0xF7A  }
0x23: {  	s9 =	sor.u32 $0xD0000000, s2;
	s6 =	simm.s32 $0x108;
	_ =	swait.ge @!p0 [sflag:s8], $0x0  }
0x24: {  	s3 =	sadd.s32 $0x88, s3;
	s6 =	simm.s32 @!p1 $0x1082;
	[sflag:s4] =	ssyncset.s32 $0xFFFFF086  }
0x25: {  	[simem:s6], [sflag:s4] =	dma.local [hbm:s3], $0xF7A  }
0x26: {  	[smem:$0x3F9B] =	sst s1;
	(tag) =	ssettag s2;
	_ =	strace s9  }
0x27: {  	s1 =	sld [smem:$0x3FAB]  }
0x28: {  	s2 =	sld [smem:$0x3FAC]  }
0x29: {  	s4 =	sld [smem:$0x3FAE]  }
0x2a: {  	p0 =	seq.s32 s5, $0x0;
	s5 =	sld [smem:$0x3FAF]  }
0x2b: {  	s6 =	sld [smem:$0x3FB0]  }
0x2c: {  	s7 =	sld [smem:$0x3FB1]  }
0x2d: {  	s3 =	simm.s32 $0x108;
	s8 =	sld [smem:$0x3FB2]  }
0x2e: {  	s3 =	simm.s32 @!p0 $0x1082;
	s9 =	sld [smem:$0x3FB3]  }
0x2f: {  	lr =	sadd.s32 s0, s3;
	s0 =	sld [smem:$0x3FAA]  }
0x30: {  	s3 =	sld [smem:$0x3FAD]  }
0x31: {  	[smem:$0x3FB6] =	sst s10  }
0x32: {  	s10 =	sld [smem:$0x3FB4];
	_ =	sdelay $0x3  }
0x33: {  	p0 =	seq.s32 s10, $0x1;
	s10 =	sld [smem:$0x3FB6];
	_ =	sdelay $0x3  }
0x34: {  	[smem:$0x3FB6] =	sst s10  }
0x35: {  	s10 =	sld [smem:$0x3FB5];
	_ =	sdelay $0x3  }
0x36: {  	p1 =	seq.s32 s10, $0x1;
	s10 =	sld [smem:$0x3FB6];
	_ =	sdelay $0x3  }
0x37: {  	[smem:$0x3FB6] =	sst s10  }
0x38: {  	s10 =	sld [smem:$0x3FB7]  }
0x39: {  	_ = 	snop;
	(pc) =	sbr.ind lr, $3  }
0x3a: {  	_ = 	snop  }
0x3b: {  	_ = 	snop  }
0x3c: {  	p2 =	seq.s32 s10, $0x1;
	s10 =	sld [smem:$0x3FB6]  }
0x3d: {  	_ =	shalt  }
0x3e: {  	_ =	shalt  }
0x3f: {  	_ =	shalt  }
0x40: {  	_ =	shalt  }
0x41: {  	_ =	shalt  }
0x42: {  	_ =	shalt  }
0x43: {  	_ =	shalt  }
0x44: {  	_ =	shalt  }
0x45: {  	_ =	shalt  }
0x46: {  	_ =	shalt  }
0x47: {  	_ =	shalt  }
0x48: {  	_ =	shalt  }
0x49: {  	_ =	shalt  }
0x4a: {  	_ =	shalt  }
0x4b: {  	_ =	shalt  }
0x4c: {  	_ =	shalt  }
0x4d: {  	_ =	shalt  }
0x4e: {  	_ =	shalt  }
0x4f: {  	_ =	shalt  }
0x50: {  	_ =	shalt  }
0x51: {  	_ =	shalt  }
0x52: {  	_ =	shalt  }
0x53: {  	_ =	shalt  }
0x54: {  	_ =	shalt  }
0x55: {  	_ =	shalt  }
0x56: {  	_ =	shalt  }
0x57: {  	_ =	shalt  }
0x58: {  	_ =	shalt  }
0x59: {  	_ =	shalt  }
0x5a: {  	_ =	shalt  }
0x5b: {  	_ =	shalt  }
0x5c: {  	_ =	shalt  }
0x5d: {  	_ =	shalt  }
0x5e: {  	_ =	shalt  }
0x5f: {  	_ =	shalt  }
0x60: {  	_ =	shalt  }
0x61: {  	_ =	shalt  }
0x62: {  	_ =	shalt  }
0x63: {  	_ =	shalt  }
0x64: {  	_ =	shalt  }
0x65: {  	_ =	shalt  }
0x66: {  	_ =	shalt  }
0x67: {  	_ =	shalt  }
0x68: {  	_ =	shalt  }
0x69: {  	_ =	shalt  }
0x6a: {  	_ =	shalt  }
0x6b: {  	_ =	shalt  }
0x6c: {  	_ =	shalt  }
0x6d: {  	_ =	shalt  }
0x6e: {  	_ =	shalt  }
0x6f: {  	_ =	shalt  }
0x70: {  	_ =	shalt  }
0x71: {  	_ =	shalt  }
0x72: {  	_ =	shalt  }
0x73: {  	_ =	shalt  }
0x74: {  	_ =	shalt  }
0x75: {  	_ =	shalt  }
0x76: {  	_ =	shalt  }
0x77: {  	_ =	shalt  }
0x78: {  	_ =	shalt  }
0x79: {  	_ =	shalt  }
0x7a: {  	_ =	shalt  }
0x7b: {  	_ =	shalt  }
0x7c: {  	_ =	shalt  }
0x7d: {  	_ =	shalt  }
0x7e: {  	_ =	shalt  }
0x7f: {  	_ =	shalt  }
0x80: {  	_ =	shalt  }
0x81: {  	_ =	shalt  }
0x82: {  	_ =	shalt  }
0x83: {  	_ =	shalt  }
0x84: {  	_ =	shalt  }
0x85: {  	_ =	shalt  }
0x86: {  	_ =	shalt  }
0x87: {  	_ =	shalt  }
.Lfunc_end0:
.L_simem_size_0:
called_computation.1_lowered:
.L_overlay_start_0:
0x88: {  	s2 =	sld [smem:$0x3FD9]  }
0x89: {  	s3 =	sld [smem:$0x3FFE];
	_ =	sdelay $0x1  }
0x8a: {  	s1 =	srdreg.scid  }
0x8b: {  	s0 =	sand.u32 $0x1, s1  }
0x8c: {  	s17 =	sshll.u32 s0, $0xA;
	s2 =	sadd.s32 s3, s2  }
0x8d: {  	s2 =	sadd.s32 s2, s17  }
0x8e: {  	[smem:$0x3FC2] =	sst s2  }
0x8f: {  	_ = 	snop  }
0x90: {  	s2 =	sld [smem:$0x3FD0];
	(tm) =	ssettm $0x1  }
0x91: {  	s18 =	sld [smem:$0x3FFB];
	_ =	sdelay $0x3  }
0x92: {  	_ =	strace s18  }
0x93: {  	s3 =	sld [smem:$0x3FFC];
	_ =	sdelay $0x3  }
0x94: {  	_ =	strace s3  }
0x95: {  	s3 =	sld [smem:$0x3FFD];
	_ =	sdelay $0x3  }
0x96: {  	_ =	strace s3  }
0x97: {  	_ =	strace $0x8FFFFFFF  }
0x98: {  	s19 =	sld [smem:$0x3FDB];
	_ =	sdelay $0x1  }
0x99: {  	s4 =	simm.s32 $_scs_section_size  }
0x9a: {  	s5 =	simm.s32 $_size__tile_overlayer_lowered;
	s6 =	simm.s32 $_tile_overlayer_lowered  }
0x9b: {  	s22 =	simm.s32 $0x1BFF;
	s21 =	sshll.u32 s6, $0x1;
	s3 =	sadd.s32 s4, s19  }
0x9c: {  	s7 =	simm.s32 $0x0;
	s20 =	sshll.u32 s5, $0x1;
	s5 =	sadd.s32 s21, s3  }
0x9d: {  	[timem:s7], [sflag:s22] =	dma.local [hbm:s5], s20  }
0x9e: {  	_ =	swait.ge [sflag:s22], s20  }
0x9f: {  	s4 =	ssub.s32 $0x0, s20;
	[sflag:s22] =	ssyncset.done $0x0  }
0xa0: {  	[sflag:s22] =	ssyncadd.s32 s4;
	_ =	sdelay $0x1  }
0xa1: {  	s23 =	simm.s32 $0x1B8B  }
0xa2: {  	_ =	swait.ge [sflag:s23], $0x1  }
0xa3: {  	[sflag:s23] =	ssyncset.done $0x0  }
0xa4: {  	s25 =	simm.s32 $0x1B8E;
	s24 =	sld [smem:$0x3FFE];
	[sflag:s23] =	ssyncadd.s32 $0xFFFFFFFF  }
0xa5: {  	s26 =	simm.s32 $execute0_lowered;
	[smem:$0x3FD2] =	sst s25  }
0xa6: {  	s5 =	sshll.u32 s26, $0x1;
	_ =	strace $0x80000049;
	[dreg:$0x1] =	wrdreg $0xFFFFFFFF  }
0xa7: {  	s28 =	simm.s32 $_size_execute0_lowered;
	s3 =	sadd.s32 s3, s5;
	[dreg:$0x0] =	wrdreg $0x0  }
0xa8: {  	s5 =	sshll.u32 s28, $0x1;
	[dreg:$0x2] =	wrdreg s3  }
0xa9: {  	[dreg:$0x3] =	wrdreg s5  }
0xaa: {  	[dreg:$0x4] =	wrdreg $0xC0  }
0xab: {  	_ =	task [dreg:s7], $0x5FFFF  }
0xac: {  	[dreg:$0x1] =	wrdreg $0xFFFFFFFF  }
0xad: {  	[dreg:$0x0] =	wrdreg $0x60  }
0xae: {  	[dreg:$0x2] =	wrdreg s24  }
0xaf: {  	[dreg:$0x3] =	wrdreg s2  }
0xb0: {  	[dreg:$0x4] =	wrdreg $0xB0000  }
0xb1: {  	[dreg:$0x5] =	wrdreg $0x9  }
0xb2: {  	_ =	task.clear_ibuf [dreg:s7], $0x6FFFF;
	_ =	strace $0x90000049  }
0xb3: {  	s29 =	simm.s32 $0x9;
	_ =	strace $0x8000004B  }
0xb4: {  	_ =	swait.ge [sflag:s29], $0x1  }
0xb5: {  	[sflag:s29] =	ssyncadd.s32 $0xFFFFFFFF  }
0xb6: {  	_ =	strace $0x9000004B  }
0xb7: {  	_ =	sfence  }
0xb8: {  	s30 =	sld [smem:$0x0];
	_ =	sdelay $0x2  }
0xb9: {  	s31 =	sshll.u32 s1, $0xD;
	s1 =	sshrl.u32 s1, $0x2  }
0xba: {  	s3 =	sand.u32 $0x4000, s31;
	s1 =	sadd.s32 s1, s30  }
0xbb: {  	s0 =	sor.u32 s3, s0;
	s1 =	sshll.u32 s1, $0x11  }
0xbc: {  	s0 =	sor.u32 s1, s0  }
0xbd: {  	s0 =	sadd.s32 $0x8F2B, s0  }
0xbe: {  	[sflag:s0] =	ssyncadd.remote.s32 $0x1  }
0xbf: {  	_ =	sfence.sel $0xFFFF  }
0xc0: {  	[dreg:$0x0] =	wrdreg $0xFFFFFFFF;
	(pc) =	sbr.abs _section_cstart, $3  }
0xc1: {  	[dreg:$0x1] =	wrdreg $0xFFFFFFFF  }
0xc2: {  	_ =	task.clear_ibuf [dreg:s7], $0x2FFFF;
	_ =	strace $0x9FFFFFFF  }
0xc3: {  	(tm) =	ssettm $0x7FFFFFFF  }
tec
execute0_lowered:
.L_overlay_start_1:
0x0: {  	(tag) =	ssettag $0x1  }
0x1: {  	s0 =	rddreg [dreg:$0x0]  }
0x2: {  	s1 =	rddreg [dreg:$0x1]  }
0x3: {  	s2 =	rddreg [dreg:$0x2];
	s15 =	stileid.u32  }
0x4: {  	s3 =	simm.s32 $0x0;
	s4 =	srdreg.scid;
	s16 =	simm.s32 $0x800  }
0x5: {  	s18 =	simm.s32 $0x80;
	s19 =	simm.s32 $0x3000;
	s20 =	simm.s32 $0x7000  }
0x6: {  	s22 =	simm.s32 $0x2;
	s24 =	simm.s32 $0x4;
	s31 =	simm.s32 $0x0  }
0x7: {  	s6 =	smul.u32 $0x14000, s15;
	[smem:$0x7FF] =	sst s3;
	s7 =	sand.u32 $0x1, s4  }
0x8: {  	s4 =	sadd.s32 $0x35400, s0;
	s5 =	sadd.s32 $0x2C00, s0;
	s25 =	smul.u32 $0x50000, s15  }
0x9: {  	s10 =	sshll.u32 s15, $0x1;
	s29 =	sshll.u32 s15, $0x6;
	s15 =	simm.s32 $0x6  }
0xa: {  	_ =	strace $0x8000004A;
	s9 =	smul.u32 $0x140000, s7;
	s11 =	ssub.s32 $0x2, s7  }
0xb: {  	s7 =	sor.u32 s7, s10;
	s8 =	sshrl.u32 s6, $0x3;
	s26 =	sshrl.u32 s11, $0x1  }
0xc: {  	s12 =	smul.u32 $0x2800, s7;
	s7 =	sor.u32 $0x1C06, s29;
	s8 =	sadd.s32 s8, s0  }
0xd: {  	s6 =	sadd.s32 s6, s9;
	s9 =	sshrl.u32 s25, $0x2;
	s13 =	ssub.s32 s11, s26  }
0xe: {  	s25 =	simm.s32 $0x1;
	s26 =	simm.s32 $0x3;
	s6 =	sshrl.u32 s6, $0x3  }
0xf: {  	s14 =	sadd.s32 s9, s2;
	s28 =	sadd.s32 $0xD400, s8;
	s30 =	sshrl.u32 s12, $0x3  }
0x10: {  	s11 =	sadd.s32 $0x800, s12;
	s13 =	smax.u32 s13, $0x1;
	s0 =	sadd.s32 s6, s0  }
0x11: {  	[dreg:$0x4] =	wrdreg s28;
	s8 =	sadd.s32 s1, s30;
	s9 =	sadd.s32 s5, s30  }
0x12: {  	s14 =	sshrl.u32 s14, $0x3;
	s10 =	sadd.s32 $0x80, s9;
	s12 =	sadd.s32 $0x5D400, s0  }
.LBB2_1:
0x13: {  	s0 =	rddreg [dreg:$0x4]  }
0x14: {  	[spmem:s14], [sflag:s7] =	dma.local [hbm:s0], $0x2800  }
0x15: {  	_ =	swait.ge [sflag:s15], $0x2800  }
0x16: {  	[sflag:s15] =	ssyncset.done $0x0  }
0x17: {  	[sflag:s15] =	ssyncadd.s32 $0xFFFFD800  }
0x18: {  	[tilespmem:s16], [sflag:$0x6] =	stream.linear.gather [hbm4b:s8+s3], $0x2800, $0x38;
	[tilespmem:$0x1F000] =	vst v63  }
0x19: {  	_ =	swait.ge [sflag:s15], $0x2800  }
0x1a: {  	[sflag:s15] =	ssyncset.done $0x0  }
0x1b: {  	[sflag:s15] =	ssyncadd.s32 $0xFFFFD800  }
0x1c: {  	[tilespmem:s3], [sflag:$0x6] =	stream.linear.gather [hbm4b:s9+s3], $0x400, $0x38;
	[tilespmem:$0x1F000] =	vst v63  }
0x1d: {  	_ =	swait.ge [sflag:s15], $0x400  }
0x1e: {  	[sflag:s15] =	ssyncset.done $0x0  }
0x1f: {  	s6 =	simm.s32 $0x400;
	[sflag:s15] =	ssyncadd.s32 $0xFFFFFC00  }
0x20: {  	[tilespmem:s6], [sflag:$0x5] =	stream.linear.gather [hbm4b:s10+s3], $0x400, $0x38;
	[tilespmem:$0x1F000] =	vst v63  }
0x21: {  	[bflag:$0x0] =	sbarrier.arrive $0xFFFF  }
0x22: {  	[tilespmem:s19], [sflag:$0x1] =	stream.indirect.gather [hbm4b:s4+s18], $0x80, s3, s18, $0xb8;
	[tilespmem:$0x1F000] =	vst v63  }
0x23: {  	_ = 	snop  }
0x24: {  	[tilespmem:s20], [sflag:$0x2] =	stream.indirect.gather [hbm4b:s4+s18], $0x80, s18, s18, $0xb8;
	[tilespmem:$0x1F000] =	vst v63  }
0x25: {  	_ =	swait.ge [sflag:s25], $0x4000  }
0x26: {  	[sflag:s25] =	ssyncset.done $0x0  }
0x27: {  	[sflag:s25] =	ssyncadd.s32 $0xFFFFC000  }
0x28: {  	[spmem:s2] =	stream.indirect.scatter.add.f32 [tilespmem:s19], [sflag:$0x3], $0x80, s16, s18, $0xb8;
	[tilespmem:$0x1F000] =	vst v63  }
0x29: {  	_ =	swait.ge [sflag:s26], $0x4000  }
0x2a: {  	[sflag:s26] =	ssyncset.done $0x0  }
0x2b: {  	s17 =	simm.s32 $0x100;
	[sflag:s26] =	ssyncadd.s32 $0xFFFFC000  }
0x2c: {  	[tilespmem:s19], [sflag:$0x1] =	stream.indirect.gather [hbm4b:s4+s18], $0x80, s17, s18, $0xb8;
	[tilespmem:$0x1F000] =	vst v63  }
0x2d: {  	_ =	swait.ge [sflag:s22], $0x4000  }
0x2e: {  	[sflag:s22] =	ssyncset.done $0x0  }
0x2f: {  	s21 =	simm.s32 $0x880;
	[sflag:s22] =	ssyncadd.s32 $0xFFFFC000  }
0x30: {  	[spmem:s2] =	stream.indirect.scatter.add.f32 [tilespmem:s20], [sflag:$0x4], $0x80, s21, s18, $0xb8;
	[tilespmem:$0x1F000] =	vst v63  }
0x31: {  	s1 =	simm.s32 $0x180;
	s17 =	simm.s32 $0x100;
	_ =	swait.ge [sflag:s24], $0x4000  }
0x32: {  	s1 =	sand.u32 $0x380, s1;
	s0 =	sand.u32 $0x400, s17;
	[sflag:s24] =	ssyncset.done $0x0  }
0x33: {  	s1 =	sor.u32 s1, s0;
	[sflag:s24] =	ssyncadd.s32 $0xFFFFC000  }
0x34: {  	[tilespmem:s20], [sflag:$0x2] =	stream.indirect.gather [hbm4b:s4+s18], $0x80, s1, s18, $0xb8;
	[tilespmem:$0x1F000] =	vst v63  }
0x35: {  	p0 =	por $0x0, $0x0;
	s1 =	sand.u32 $0x7, s26;
	_ =	swait.ge [sflag:s25], $0x4000  }
0x36: {  	p1 =	sne.s32 @!p0 s1, $0x7;
	[sflag:s25] =	ssyncset.done $0x0  }
0x37: {  	s21 =	simm.s32 $0x900;
	p0 =	por p1, p0;
	[sflag:s25] =	ssyncadd.s32 $0xFFFFC000  }
0x38: {  	[spmem:s2] =	stream.indirect.scatter.add.f32 [tilespmem:s19], [sflag:$0x3], $0x80, s21, s18, $0xb8;
	[tilespmem:$0x1F000] =	vst v63  }
0x39: {  	s21 =	simm.s32 @!p0 $0x5  }
0x3a: {  	_ =	swait.ge @!p0 [sflag:s21], $0x400  }
0x3b: {  	[sflag:s21] =	ssyncset.done @!p0 $0x0  }
0x3c: {  	s23 =	simm.s32 $0x200;
	[sflag:s21] =	ssyncadd.s32 @!p0 $0xFFFFFC00;
	p0 =	por $0x0, $0x0  }
0x3d: {  	s30 =	simm.s32 $0x980;
	_ =	swait.ge [sflag:s26], $0x4000;
	p1 =	sne.s32 @!p0 s1, $0x7  }
0x3e: {  	s21 =	sand.u32 $0x700, s23;
	[sflag:s26] =	ssyncset.done $0x0;
	p0 =	por p1, p0  }
0x3f: {  	s1 =	simm.s32 $0x300;
	[sflag:s26] =	ssyncadd.s32 $0xFFFFC000;
	s23 =	sand.u32 @!p0 $0x1C00, s17  }
0x40: {  	[tilespmem:s19], [sflag:$0x1] =	stream.indirect.gather [hbm4b:s4+s18], $0x80, s21, s18, $0xb8;
	[tilespmem:$0x1F000] =	vst v63  }
0x41: {  	s17 =	simm.s32 $0x5;
	s28 =	simm.s32 @!p0 $0x0;
	_ =	swait.ge [sflag:s22], $0x4000  }
0x42: {  	s21 =	simm.s32 $0xA00;
	s23 =	sadd.s32 @!p0 s23, s11;
	[sflag:s22] =	ssyncset.done $0x0  }
0x43: {  	s29 =	sshrl.u32 @!p0 s23, $0x3;
	s23 =	simm.s32 $0x1;
	[sflag:s22] =	ssyncadd.s32 $0xFFFFC000  }
0x44: {  	[spmem:s2] =	stream.indirect.scatter.add.f32 [tilespmem:s20], [sflag:$0x4], $0x80, s30, s18, $0xb8;
	[tilespmem:$0x1F000] =	vst v63  }
.LBB2_2:
0x45: {  	s29 =	sadd.s32 @!p0 s5, s29;
	s23 =	sadd.s32 $0x1, s23  }
0x46: {  	s30 =	smov.u32 s1;
	s1 =	sadd.s32 $0x100, s1;
	s6 =	smov.u32 s21  }
0x47: {  	[tilespmem:s0], [sflag:$0x5] =	stream.linear.gather @!p0 [hbm4b:s29+s28], $0x400, $0x38;
	[tilespmem:$0x1F000] =	vst v63  }
0x48: {  	s28 =	sadd.s32 $0xFFFFFF00, s30;
	s29 =	sadd.s32 $0xFFFFFF80, s30;
	_ =	swait.ge [sflag:s24], $0x4000  }
0x49: {  	s0 =	sand.u32 $0x400, s28;
	s29 =	sand.u32 $0x380, s29;
	[sflag:s24] =	ssyncset.done $0x0  }
0x4a: {  	p0 =	sgt.u32 s23, $0x1F;
	s29 =	sor.u32 s29, s0;
	[sflag:s24] =	ssyncadd.s32 $0xFFFFC000  }
0x4b: {  	[tilespmem:s20], [sflag:$0x2] =	stream.indirect.gather [hbm4b:s4+s18], $0x80, s29, s18, $0xb8;
	[tilespmem:$0x1F000] =	vst v63  }
0x4c: {  	p1 =	sgt.u32 s23, $0x23;
	s29 =	sand.u32 $0x7, s17;
	_ =	swait.ge [sflag:s25], $0x4000  }
0x4d: {  	p3 =	sne.s32 @!p1 s29, $0x7;
	p2 =	sne.s32 @!p0 s29, $0x7;
	[sflag:s25] =	ssyncset.done $0x0  }
0x4e: {  	p3 =	por p3, p1;
	p1 =	sne.s32 s1, $0x2800;
	[sflag:s25] =	ssyncadd.s32 $0xFFFFC000  }
0x4f: {  	[spmem:s2] =	stream.indirect.scatter.add.f32 [tilespmem:s19], [sflag:$0x3], $0x80, s21, s18, $0xb8;
	[tilespmem:$0x1F000] =	vst v63  }
0x50: {  	s29 =	simm.s32 @!p3 $0x5  }
0x51: {  	_ =	swait.ge @!p3 [sflag:s29], $0x400  }
0x52: {  	[sflag:s29] =	ssyncset.done @!p3 $0x0  }
0x53: {  	[sflag:s29] =	ssyncadd.s32 @!p3 $0xFFFFFC00  }
0x54: {  	_ =	swait.ge [sflag:s26], $0x4000  }
0x55: {  	s17 =	sadd.s32 $0x2, s17;
	[sflag:s26] =	ssyncset.done $0x0  }
0x56: {  	p0 =	por p2, p0;
	s29 =	sand.u32 $0x700, s30;
	[sflag:s26] =	ssyncadd.s32 $0xFFFFC000  }
0x57: {  	[tilespmem:s19], [sflag:$0x1] =	stream.indirect.gather [hbm4b:s4+s18], $0x80, s29, s18, $0xb8;
	[tilespmem:$0x1F000] =	vst v63  }
.Ltmp0:
0x58: {  	_ = 	snop;
	(pc) =	sbr.rel @p1 .LBB2_2-.Ltmp0, $4  }
0x59: {  	s28 =	sand.u32 @!p0 $0x1C00, s28;
	s21 =	sadd.s32 $0x100, s21;
	_ =	swait.ge [sflag:s22], $0x4000  }
0x5a: {  	s6 =	sadd.s32 $0x80, s6;
	s28 =	sadd.s32 @!p0 s28, s11;
	[sflag:s22] =	ssyncset.done $0x0  }
0x5b: {  	s29 =	sshrl.u32 @!p0 s28, $0x3;
	s28 =	simm.s32 @!p0 $0x0;
	[sflag:s22] =	ssyncadd.s32 $0xFFFFC000  }
0x5c: {  	[spmem:s2] =	stream.indirect.scatter.add.f32 [tilespmem:s20], [sflag:$0x4], $0x80, s6, s18, $0xb8;
	[tilespmem:$0x1F000] =	vst v63  }
0x5d: {  	s1 =	sadd.s32 @!p0 s5, s29  }
0x5e: {  	[tilespmem:s0], [sflag:$0x5] =	stream.linear.gather @!p0 [hbm4b:s1+s28], $0x400, $0x38;
	[tilespmem:$0x1F000] =	vst v63  }
0x5f: {  	_ =	swait.ge [sflag:s24], $0x4000  }
0x60: {  	[sflag:s24] =	ssyncset.done $0x0  }
0x61: {  	s28 =	simm.s32 $0x780;
	[sflag:s24] =	ssyncadd.s32 $0xFFFFC000  }
0x62: {  	[tilespmem:s20], [sflag:$0x2] =	stream.indirect.gather [hbm4b:s4+s18], $0x80, s28, s18, $0xb8;
	[tilespmem:$0x1F000] =	vst v63  }
0x63: {  	_ =	swait.ge [sflag:s25], $0x4000  }
0x64: {  	[sflag:s25] =	ssyncset.done $0x0  }
0x65: {  	s29 =	simm.s32 $0x2F00;
	[sflag:s25] =	ssyncadd.s32 $0xFFFFC000  }
0x66: {  	[spmem:s2] =	stream.indirect.scatter.add.f32 [tilespmem:s19], [sflag:$0x3], $0x80, s29, s18, $0xb8;
	[tilespmem:$0x1F000] =	vst v63  }
0x67: {  	_ =	swait.ge [sflag:s26], $0x4000  }
0x68: {  	[sflag:s26] =	ssyncset.done $0x0  }
0x69: {  	[sflag:s26] =	ssyncadd.s32 $0xFFFFC000  }
0x6a: {  	_ =	swait.ge [sflag:s22], $0x4000  }
0x6b: {  	[sflag:s22] =	ssyncset.done $0x0  }
0x6c: {  	s30 =	simm.s32 $0x2F80;
	[sflag:s22] =	ssyncadd.s32 $0xFFFFC000  }
0x6d: {  	[spmem:s2] =	stream.indirect.scatter.add.f32 [tilespmem:s20], [sflag:$0x4], $0x80, s30, s18, $0xb8;
	[tilespmem:$0x1F000] =	vst v63  }
0x6e: {  	_ =	swait.ge [sflag:s24], $0x4000  }
0x6f: {  	s31 =	sadd.s32 $0x1, s31;
	[sflag:s24] =	ssyncset.done $0x0  }
0x70: {  	p0 =	sne.s32 s31, s13;
	[sflag:s24] =	ssyncadd.s32 $0xFFFFC000  }
.Ltmp1:
0x71: {  	[bflag:$0x0] =	sbarrier.arrive $0xFFFF;
	(pc) =	sbr.rel @p0 .LBB2_1-.Ltmp1, $4  }
0x72: {  	[hbm:s12], [sflag:s7] =	dma.local [spmem:s14], $0x2800  }
0x73: {  	_ =	swait.ge [sflag:s15], $0x2800  }
0x74: {  	[sflag:s15] =	ssyncset.done $0x0  }
0x75: {  	[sflag:s15] =	ssyncadd.s32 $0xFFFFD800  }
0x76: {  	_ =	sfence.sel $0x180000  }
0x77: {  	[bflag:$0x0] =	sbarrier.arrive $0xFFFF  }
0x78: {  	_ =	strace $0x9000004A  }
0x79: {  	s0 =	stileid.u32;
	[bflag:$0x2] =	sbarrier.arrive $0xFFFF  }
0x7a: {  	p0 =	sne.s32 s0, $0x0;
	s0 =	rddreg [dreg:$0x3]  }
0x7b: {  	s0 =	sadd.s32 @!p0 $0x100000, s0  }
0x7c: {  	[sflag:s0] =	ssyncadd.tile.s32 @!p0 $0x1;
	_ =	shalt  }
.Lfunc_end2:
_tile_overlayer_lowered:
.L_overlay_start_2:
0x7d: {  	(tag) =	ssettag $0x2  }
0x7e: {  	s0 =	rddreg [dreg:$0x0];
	s2 =	stileid.u32  }
0x7f: {  	s1 =	rddreg [dreg:$0x1];
	p0 =	sne.s32 s2, $0x0  }
0x80: {  	s3 =	rddreg [dreg:$0x2];
	[bflag:$0x3] =	sbarrier.arrive $0xFFFF;
	s2 =	simm.s32 @!p0 $0x1C06  }
0x81: {  	[timem:s3], [sflag:s2] =	dma.local @!p0 [hbm:s0], s1  }
0x82: {  	s0 =	simm.s32 @!p0 $0x6  }
0x83: {  	_ =	swait.ge @!p0 [sflag:s0], s1  }
0x84: {  	s1 =	ssub.s32 @!p0 $0x0, s1;
	[sflag:s0] =	ssyncset.done @!p0 $0x0  }
0x85: {  	[sflag:s0] =	ssyncadd.s32 @!p0 s1  }
0x86: {  	[bflag:$0x3] =	sbarrier.arrive $0xFFFF  }
0x87: {  	_ =	shalt  }

// kernel: kernel.15.cloned.1.call-start
scs
__scs_entry_jumppad:
0x0: {  	(pc) =	sbr.rel $0x88, $3  }
0x1: {  	(tag) =	ssettag $0x0;
	lr =	simm.s32 $0x1  }
0x2: {  	[smem:$0x3F9B] =	sst lr;
	_ =	strace $0xD0000000  }
0x3: {  	_ = 	snop  }
0x4: {  	_ = 	snop  }
0x5: {  	_ = 	snop  }
0x6: {  	_ = 	snop  }
0x7: {  	_ = 	snop  }
__scs_overlays_trampoline_lowered:
0x8: {  	[smem:$0x3FAA] =	sst s0  }
0x9: {  	[smem:$0x3FAB] =	sst s1  }
0xa: {  	[smem:$0x3FAC] =	sst s2  }
0xb: {  	[smem:$0x3FAD] =	sst s3  }
0xc: {  	[smem:$0x3FAE] =	sst s4  }
0xd: {  	[smem:$0x3FAF] =	sst s5  }
0xe: {  	[smem:$0x3FB0] =	sst s6  }
0xf: {  	[smem:$0x3FB1] =	sst s7  }
0x10: {  	[smem:$0x3FB2] =	sst s8  }
0x11: {  	[smem:$0x3FB3] =	sst s9;
	s0 =	simm.s32 @!p0 $0x0  }
0x12: {  	s1 =	sld [smem:$0x3F99];
	s0 =	simm.s32 @p0 $0x1  }
0x13: {  	[smem:$0x3FB4] =	sst s0;
	s0 =	simm.s32 @!p1 $0x0  }
0x14: {  	s2 =	sld [smem:$0x3F98];
	s0 =	simm.s32 @p1 $0x1  }
0x15: {  	[smem:$0x3FB5] =	sst s0;
	s0 =	simm.s32 @!p2 $0x0  }
0x16: {  	s3 =	sld [smem:$0x3FDB];
	s0 =	simm.s32 @p2 $0x1  }
0x17: {  	s4 =	simm.s32 $0x1BF5;
	[smem:$0x3FB7] =	sst s0  }
0x18: {  	s0 =	sld [smem:$0x3F9A];
	_ =	swait.ge [sflag:s4], $0x0  }
0x19: {  	s7 =	sld [smem:$0x3F9B]  }
0x1a: {  	s8 =	sadd.s32 $0xFFFFE003, lr  }
0x1b: {  	s9 =	sadd.s32 $0xFFFFFEF7, lr;
	s5 =	simm.s32 $0xFFFFFFFF;
	p2 =	slt.u32 s8, $0xFFFFF086  }
0x1c: {  	p1 =	slt.u32 s9, $0xF7A;
	s5 =	simm.s32 @!p2 $0x0  }
0x1d: {  	s5 =	simm.s32 @p1 $0x1;
	p0 =	seq.s32 s7, s2  }
0x1e: {  	s7 =	smul.u32 @!p0 $0xF7A, s2;
	p2 =	seq.s32 @!p0 s5, $0x0  }
0x1f: {  	s9 =	smul.u32 $0xF7A, s1;
	s8 =	simm.s32 @!p0 $0x1BF5;
	p2 =	por !p2, p0  }
0x20: {  	[sflag:s8] =	ssyncset.s32 @!p0 $0xFFFFF086;
	s6 =	sadd.s32 @!p0 s3, s7;
	s7 =	simm.s32 @!p0 $0x108  }
0x21: {  	s3 =	sadd.s32 s3, s9;
	s6 =	sadd.s32 @!p0 $0x88, s6;
	s7 =	simm.s32 @p2 $0x1082  }
0x22: {  	[simem:s7], [sflag:s8] =	dma.local @!p0 [hbm:s6], $0xF7A  }
0x23: {  	s9 =	sor.u32 $0xD0000000, s2;
	s6 =	simm.s32 $0x108;
	_ =	swait.ge @!p0 [sflag:s8], $0x0  }
0x24: {  	s3 =	sadd.s32 $0x88, s3;
	s6 =	simm.s32 @!p1 $0x1082;
	[sflag:s4] =	ssyncset.s32 $0xFFFFF086  }
0x25: {  	[simem:s6], [sflag:s4] =	dma.local [hbm:s3], $0xF7A  }
0x26: {  	[smem:$0x3F9B] =	sst s1;
	(tag) =	ssettag s2;
	_ =	strace s9  }
0x27: {  	s1 =	sld [smem:$0x3FAB]  }
0x28: {  	s2 =	sld [smem:$0x3FAC]  }
0x29: {  	s4 =	sld [smem:$0x3FAE]  }
0x2a: {  	p0 =	seq.s32 s5, $0x0;
	s5 =	sld [smem:$0x3FAF]  }
0x2b: {  	s6 =	sld [smem:$0x3FB0]  }
0x2c: {  	s7 =	sld [smem:$0x3FB1]  }
0x2d: {  	s3 =	simm.s32 $0x108;
	s8 =	sld [smem:$0x3FB2]  }
0x2e: {  	s3 =	simm.s32 @!p0 $0x1082;
	s9 =	sld [smem:$0x3FB3]  }
0x2f: {  	lr =	sadd.s32 s0, s3;
	s0 =	sld [smem:$0x3FAA]  }
0x30: {  	s3 =	sld [smem:$0x3FAD]  }
0x31: {  	[smem:$0x3FB6] =	sst s10  }
0x32: {  	s10 =	sld [smem:$0x3FB4];
	_ =	sdelay $0x3  }
0x33: {  	p0 =	seq.s32 s10, $0x1;
	s10 =	sld [smem:$0x3FB6];
	_ =	sdelay $0x3  }
0x34: {  	[smem:$0x3FB6] =	sst s10  }
0x35: {  	s10 =	sld [smem:$0x3FB5];
	_ =	sdelay $0x3  }
0x36: {  	p1 =	seq.s32 s10, $0x1;
	s10 =	sld [smem:$0x3FB6];
	_ =	sdelay $0x3  }
0x37: {  	[smem:$0x3FB6] =	sst s10  }
0x38: {  	s10 =	sld [smem:$0x3FB7]  }
0x39: {  	_ = 	snop;
	(pc) =	sbr.ind lr, $3  }
0x3a: {  	_ = 	snop  }
0x3b: {  	_ = 	snop  }
0x3c: {  	p2 =	seq.s32 s10, $0x1;
	s10 =	sld [smem:$0x3FB6]  }
0x3d: {  	_ =	shalt  }
0x3e: {  	_ =	shalt  }
0x3f: {  	_ =	shalt  }
0x40: {  	_ =	shalt  }
0x41: {  	_ =	shalt  }
0x42: {  	_ =	shalt  }
0x43: {  	_ =	shalt  }
0x44: {  	_ =	shalt  }
0x45: {  	_ =	shalt  }
0x46: {  	_ =	shalt  }
0x47: {  	_ =	shalt  }
0x48: {  	_ =	shalt  }
0x49: {  	_ =	shalt  }
0x4a: {  	_ =	shalt  }
0x4b: {  	_ =	shalt  }
0x4c: {  	_ =	shalt  }
0x4d: {  	_ =	shalt  }
0x4e: {  	_ =	shalt  }
0x4f: {  	_ =	shalt  }
0x50: {  	_ =	shalt  }
0x51: {  	_ =	shalt  }
0x52: {  	_ =	shalt  }
0x53: {  	_ =	shalt  }
0x54: {  	_ =	shalt  }
0x55: {  	_ =	shalt  }
0x56: {  	_ =	shalt  }
0x57: {  	_ =	shalt  }
0x58: {  	_ =	shalt  }
0x59: {  	_ =	shalt  }
0x5a: {  	_ =	shalt  }
0x5b: {  	_ =	shalt  }
0x5c: {  	_ =	shalt  }
0x5d: {  	_ =	shalt  }
0x5e: {  	_ =	shalt  }
0x5f: {  	_ =	shalt  }
0x60: {  	_ =	shalt  }
0x61: {  	_ =	shalt  }
0x62: {  	_ =	shalt  }
0x63: {  	_ =	shalt  }
0x64: {  	_ =	shalt  }
0x65: {  	_ =	shalt  }
0x66: {  	_ =	shalt  }
0x67: {  	_ =	shalt  }
0x68: {  	_ =	shalt  }
0x69: {  	_ =	shalt  }
0x6a: {  	_ =	shalt  }
0x6b: {  	_ =	shalt  }
0x6c: {  	_ =	shalt  }
0x6d: {  	_ =	shalt  }
0x6e: {  	_ =	shalt  }
0x6f: {  	_ =	shalt  }
0x70: {  	_ =	shalt  }
0x71: {  	_ =	shalt  }
0x72: {  	_ =	shalt  }
0x73: {  	_ =	shalt  }
0x74: {  	_ =	shalt  }
0x75: {  	_ =	shalt  }
0x76: {  	_ =	shalt  }
0x77: {  	_ =	shalt  }
0x78: {  	_ =	shalt  }
0x79: {  	_ =	shalt  }
0x7a: {  	_ =	shalt  }
0x7b: {  	_ =	shalt  }
0x7c: {  	_ =	shalt  }
0x7d: {  	_ =	shalt  }
0x7e: {  	_ =	shalt  }
0x7f: {  	_ =	shalt  }
0x80: {  	_ =	shalt  }
0x81: {  	_ =	shalt  }
0x82: {  	_ =	shalt  }
0x83: {  	_ =	shalt  }
0x84: {  	_ =	shalt  }
0x85: {  	_ =	shalt  }
0x86: {  	_ =	shalt  }
0x87: {  	_ =	shalt  }
.Lfunc_end0:
.L_simem_size_0:
called_computation.2_lowered:
.L_overlay_start_0:
0x88: {  	s2 =	sld [smem:$0x3FD9]  }
0x89: {  	s3 =	sld [smem:$0x3FFE];
	_ =	sdelay $0x1  }
0x8a: {  	s1 =	srdreg.scid  }
0x8b: {  	s0 =	sand.u32 $0x1, s1  }
0x8c: {  	s17 =	sshll.u32 s0, $0xA;
	s2 =	sadd.s32 s3, s2  }
0x8d: {  	s2 =	sadd.s32 s2, s17  }
0x8e: {  	[smem:$0x3FC2] =	sst s2  }
0x8f: {  	_ = 	snop  }
0x90: {  	s2 =	sld [smem:$0x3FD0];
	(tm) =	ssettm $0x1  }
0x91: {  	s18 =	sld [smem:$0x3FFB];
	_ =	sdelay $0x3  }
0x92: {  	_ =	strace s18  }
0x93: {  	s3 =	sld [smem:$0x3FFC];
	_ =	sdelay $0x3  }
0x94: {  	_ =	strace s3  }
0x95: {  	s3 =	sld [smem:$0x3FFD];
	_ =	sdelay $0x3  }
0x96: {  	_ =	strace s3  }
0x97: {  	_ =	strace $0x8FFFFFFF  }
0x98: {  	s19 =	sld [smem:$0x3FDB];
	_ =	sdelay $0x1  }
0x99: {  	s4 =	simm.s32 $_scs_section_size  }
0x9a: {  	s5 =	simm.s32 $_size__tile_overlayer_lowered;
	s6 =	simm.s32 $_tile_overlayer_lowered  }
0x9b: {  	s22 =	simm.s32 $0x1BFF;
	s21 =	sshll.u32 s6, $0x1;
	s3 =	sadd.s32 s4, s19  }
0x9c: {  	s7 =	simm.s32 $0x0;
	s20 =	sshll.u32 s5, $0x1;
	s5 =	sadd.s32 s21, s3  }
0x9d: {  	[timem:s7], [sflag:s22] =	dma.local [hbm:s5], s20  }
0x9e: {  	_ =	swait.ge [sflag:s22], s20  }
0x9f: {  	s4 =	ssub.s32 $0x0, s20;
	[sflag:s22] =	ssyncset.done $0x0  }
0xa0: {  	[sflag:s22] =	ssyncadd.s32 s4;
	_ =	sdelay $0x1  }
0xa1: {  	s23 =	simm.s32 $0x1B8B  }
0xa2: {  	_ =	swait.ge [sflag:s23], $0x1  }
0xa3: {  	[sflag:s23] =	ssyncset.done $0x0  }
0xa4: {  	s25 =	simm.s32 $0x1B8E;
	s24 =	sld [smem:$0x3FFE];
	[sflag:s23] =	ssyncadd.s32 $0xFFFFFFFF  }
0xa5: {  	s26 =	simm.s32 $execute0_lowered;
	[smem:$0x3FD2] =	sst s25  }
0xa6: {  	s5 =	sshll.u32 s26, $0x1;
	_ =	strace $0x8000004C;
	[dreg:$0x1] =	wrdreg $0xFFFFFFFF  }
0xa7: {  	s28 =	simm.s32 $_size_execute0_lowered;
	s3 =	sadd.s32 s3, s5;
	[dreg:$0x0] =	wrdreg $0x0  }
0xa8: {  	s5 =	sshll.u32 s28, $0x1;
	[dreg:$0x2] =	wrdreg s3  }
0xa9: {  	[dreg:$0x3] =	wrdreg s5  }
0xaa: {  	[dreg:$0x4] =	wrdreg $0xC0  }
0xab: {  	_ =	task [dreg:s7], $0x5FFFF  }
0xac: {  	[dreg:$0x1] =	wrdreg $0xFFFFFFFF  }
0xad: {  	[dreg:$0x0] =	wrdreg $0x60  }
0xae: {  	[dreg:$0x2] =	wrdreg s24  }
0xaf: {  	[dreg:$0x3] =	wrdreg s2  }
0xb0: {  	[dreg:$0x4] =	wrdreg $0xB0000  }
0xb1: {  	[dreg:$0x5] =	wrdreg $0x9  }
0xb2: {  	_ =	task.clear_ibuf [dreg:s7], $0x6FFFF;
	_ =	strace $0x9000004C  }
0xb3: {  	s29 =	simm.s32 $0x9;
	_ =	strace $0x8000004E  }
0xb4: {  	_ =	swait.ge [sflag:s29], $0x1  }
0xb5: {  	[sflag:s29] =	ssyncadd.s32 $0xFFFFFFFF  }
0xb6: {  	_ =	strace $0x9000004E  }
0xb7: {  	_ =	sfence  }
0xb8: {  	s30 =	sld [smem:$0x0];
	_ =	sdelay $0x2  }
0xb9: {  	s31 =	sshll.u32 s1, $0xD;
	s1 =	sshrl.u32 s1, $0x2  }
0xba: {  	s3 =	sand.u32 $0x4000, s31;
	s1 =	sadd.s32 s1, s30  }
0xbb: {  	s0 =	sor.u32 s3, s0;
	s1 =	sshll.u32 s1, $0x11  }
0xbc: {  	s0 =	sor.u32 s1, s0  }
0xbd: {  	s0 =	sadd.s32 $0x8F2B, s0  }
0xbe: {  	[sflag:s0] =	ssyncadd.remote.s32 $0x1  }
0xbf: {  	_ =	sfence.sel $0xFFFF  }
0xc0: {  	[dreg:$0x0] =	wrdreg $0xFFFFFFFF;
	(pc) =	sbr.abs _section_cstart, $3  }
0xc1: {  	[dreg:$0x1] =	wrdreg $0xFFFFFFFF  }
0xc2: {  	_ =	task.clear_ibuf [dreg:s7], $0x2FFFF;
	_ =	strace $0x9FFFFFFF  }
0xc3: {  	(tm) =	ssettm $0x7FFFFFFF  }
tec
execute0_lowered:
.L_overlay_start_1:
0x0: {  	(tag) =	ssettag $0x1  }
0x1: {  	s0 =	rddreg [dreg:$0x0]  }
0x2: {  	s1 =	rddreg [dreg:$0x1]  }
0x3: {  	s2 =	rddreg [dreg:$0x2];
	s15 =	stileid.u32  }
0x4: {  	s3 =	simm.s32 $0x0;
	s4 =	srdreg.scid;
	s16 =	simm.s32 $0x800  }
0x5: {  	s18 =	simm.s32 $0x80;
	s19 =	simm.s32 $0x3000;
	s20 =	simm.s32 $0x7000  }
0x6: {  	s22 =	simm.s32 $0x2;
	s24 =	simm.s32 $0x4;
	s31 =	simm.s32 $0x0  }
0x7: {  	s6 =	smul.u32 $0x14000, s15;
	[smem:$0x7FF] =	sst s3;
	s7 =	sand.u32 $0x1, s4  }
0x8: {  	s4 =	sadd.s32 $0x35400, s0;
	s5 =	sadd.s32 $0x2C00, s0;
	s25 =	smul.u32 $0x50000, s15  }
0x9: {  	s10 =	sshll.u32 s15, $0x1;
	s29 =	sshll.u32 s15, $0x6;
	s15 =	simm.s32 $0x6  }
0xa: {  	_ =	strace $0x8000004D;
	s9 =	smul.u32 $0x140000, s7;
	s11 =	ssub.s32 $0x2, s7  }
0xb: {  	s7 =	sor.u32 s7, s10;
	s8 =	sshrl.u32 s6, $0x3;
	s26 =	sshrl.u32 s11, $0x1  }
0xc: {  	s12 =	smul.u32 $0x2800, s7;
	s7 =	sor.u32 $0x1C06, s29;
	s8 =	sadd.s32 s8, s0  }
0xd: {  	s6 =	sadd.s32 s6, s9;
	s9 =	sshrl.u32 s25, $0x2;
	s13 =	ssub.s32 s11, s26  }
0xe: {  	s25 =	simm.s32 $0x1;
	s26 =	simm.s32 $0x3;
	s6 =	sshrl.u32 s6, $0x3  }
0xf: {  	s14 =	sadd.s32 s9, s2;
	s28 =	sadd.s32 $0xD400, s8;
	s30 =	sshrl.u32 s12, $0x3  }
0x10: {  	s11 =	sadd.s32 $0x800, s12;
	s13 =	smax.u32 s13, $0x1;
	s0 =	sadd.s32 s6, s0  }
0x11: {  	[dreg:$0x4] =	wrdreg s28;
	s8 =	sadd.s32 s1, s30;
	s9 =	sadd.s32 s5, s30  }
0x12: {  	s14 =	sshrl.u32 s14, $0x3;
	s10 =	sadd.s32 $0x80, s9;
	s12 =	sadd.s32 $0x5D400, s0  }
.LBB2_1:
0x13: {  	s0 =	rddreg [dreg:$0x4]  }
0x14: {  	[spmem:s14], [sflag:s7] =	dma.local [hbm:s0], $0x2800  }
0x15: {  	_ =	swait.ge [sflag:s15], $0x2800  }
0x16: {  	[sflag:s15] =	ssyncset.done $0x0  }
0x17: {  	[sflag:s15] =	ssyncadd.s32 $0xFFFFD800  }
0x18: {  	[tilespmem:s16], [sflag:$0x6] =	stream.linear.gather [hbm4b:s8+s3], $0x2800, $0x38;
	[tilespmem:$0x1F000] =	vst v63  }
0x19: {  	_ =	swait.ge [sflag:s15], $0x2800  }
0x1a: {  	[sflag:s15] =	ssyncset.done $0x0  }
0x1b: {  	[sflag:s15] =	ssyncadd.s32 $0xFFFFD800  }
0x1c: {  	[tilespmem:s3], [sflag:$0x6] =	stream.linear.gather [hbm4b:s9+s3], $0x400, $0x38;
	[tilespmem:$0x1F000] =	vst v63  }
0x1d: {  	_ =	swait.ge [sflag:s15], $0x400  }
0x1e: {  	[sflag:s15] =	ssyncset.done $0x0  }
0x1f: {  	s6 =	simm.s32 $0x400;
	[sflag:s15] =	ssyncadd.s32 $0xFFFFFC00  }
0x20: {  	[tilespmem:s6], [sflag:$0x5] =	stream.linear.gather [hbm4b:s10+s3], $0x400, $0x38;
	[tilespmem:$0x1F000] =	vst v63  }
0x21: {  	[bflag:$0x0] =	sbarrier.arrive $0xFFFF  }
0x22: {  	[tilespmem:s19], [sflag:$0x1] =	stream.indirect.gather [hbm4b:s4+s18], $0x80, s3, s18, $0xb8;
	[tilespmem:$0x1F000] =	vst v63  }
0x23: {  	_ = 	snop  }
0x24: {  	[tilespmem:s20], [sflag:$0x2] =	stream.indirect.gather [hbm4b:s4+s18], $0x80, s18, s18, $0xb8;
	[tilespmem:$0x1F000] =	vst v63  }
0x25: {  	_ =	swait.ge [sflag:s25], $0x4000  }
0x26: {  	[sflag:s25] =	ssyncset.done $0x0  }
0x27: {  	[sflag:s25] =	ssyncadd.s32 $0xFFFFC000  }
0x28: {  	[spmem:s2] =	stream.indirect.scatter.add.f32 [tilespmem:s19], [sflag:$0x3], $0x80, s16, s18, $0xb8;
	[tilespmem:$0x1F000] =	vst v63  }
0x29: {  	_ =	swait.ge [sflag:s26], $0x4000  }
0x2a: {  	[sflag:s26] =	ssyncset.done $0x0  }
0x2b: {  	s17 =	simm.s32 $0x100;
	[sflag:s26] =	ssyncadd.s32 $0xFFFFC000  }
0x2c: {  	[tilespmem:s19], [sflag:$0x1] =	stream.indirect.gather [hbm4b:s4+s18], $0x80, s17, s18, $0xb8;
	[tilespmem:$0x1F000] =	vst v63  }
0x2d: {  	_ =	swait.ge [sflag:s22], $0x4000  }
0x2e: {  	[sflag:s22] =	ssyncset.done $0x0  }
0x2f: {  	s21 =	simm.s32 $0x880;
	[sflag:s22] =	ssyncadd.s32 $0xFFFFC000  }
0x30: {  	[spmem:s2] =	stream.indirect.scatter.add.f32 [tilespmem:s20], [sflag:$0x4], $0x80, s21, s18, $0xb8;
	[tilespmem:$0x1F000] =	vst v63  }
0x31: {  	s1 =	simm.s32 $0x180;
	s17 =	simm.s32 $0x100;
	_ =	swait.ge [sflag:s24], $0x4000  }
0x32: {  	s1 =	sand.u32 $0x380, s1;
	s0 =	sand.u32 $0x400, s17;
	[sflag:s24] =	ssyncset.done $0x0  }
0x33: {  	s1 =	sor.u32 s1, s0;
	[sflag:s24] =	ssyncadd.s32 $0xFFFFC000  }
0x34: {  	[tilespmem:s20], [sflag:$0x2] =	stream.indirect.gather [hbm4b:s4+s18], $0x80, s1, s18, $0xb8;
	[tilespmem:$0x1F000] =	vst v63  }
0x35: {  	p0 =	por $0x0, $0x0;
	s1 =	sand.u32 $0x7, s26;
	_ =	swait.ge [sflag:s25], $0x4000  }
0x36: {  	p1 =	sne.s32 @!p0 s1, $0x7;
	[sflag:s25] =	ssyncset.done $0x0  }
0x37: {  	s21 =	simm.s32 $0x900;
	p0 =	por p1, p0;
	[sflag:s25] =	ssyncadd.s32 $0xFFFFC000  }
0x38: {  	[spmem:s2] =	stream.indirect.scatter.add.f32 [tilespmem:s19], [sflag:$0x3], $0x80, s21, s18, $0xb8;
	[tilespmem:$0x1F000] =	vst v63  }
0x39: {  	s21 =	simm.s32 @!p0 $0x5  }
0x3a: {  	_ =	swait.ge @!p0 [sflag:s21], $0x400  }
0x3b: {  	[sflag:s21] =	ssyncset.done @!p0 $0x0  }
0x3c: {  	s23 =	simm.s32 $0x200;
	[sflag:s21] =	ssyncadd.s32 @!p0 $0xFFFFFC00;
	p0 =	por $0x0, $0x0  }
0x3d: {  	s30 =	simm.s32 $0x980;
	_ =	swait.ge [sflag:s26], $0x4000;
	p1 =	sne.s32 @!p0 s1, $0x7  }
0x3e: {  	s21 =	sand.u32 $0x700, s23;
	[sflag:s26] =	ssyncset.done $0x0;
	p0 =	por p1, p0  }
0x3f: {  	s1 =	simm.s32 $0x300;
	[sflag:s26] =	ssyncadd.s32 $0xFFFFC000;
	s23 =	sand.u32 @!p0 $0x1C00, s17  }
0x40: {  	[tilespmem:s19], [sflag:$0x1] =	stream.indirect.gather [hbm4b:s4+s18], $0x80, s21, s18, $0xb8;
	[tilespmem:$0x1F000] =	vst v63  }
0x41: {  	s17 =	simm.s32 $0x5;
	s28 =	simm.s32 @!p0 $0x0;
	_ =	swait.ge [sflag:s22], $0x4000  }
0x42: {  	s21 =	simm.s32 $0xA00;
	s23 =	sadd.s32 @!p0 s23, s11;
	[sflag:s22] =	ssyncset.done $0x0  }
0x43: {  	s29 =	sshrl.u32 @!p0 s23, $0x3;
	s23 =	simm.s32 $0x1;
	[sflag:s22] =	ssyncadd.s32 $0xFFFFC000  }
0x44: {  	[spmem:s2] =	stream.indirect.scatter.add.f32 [tilespmem:s20], [sflag:$0x4], $0x80, s30, s18, $0xb8;
	[tilespmem:$0x1F000] =	vst v63  }
.LBB2_2:
0x45: {  	s29 =	sadd.s32 @!p0 s5, s29;
	s23 =	sadd.s32 $0x1, s23  }
0x46: {  	s30 =	smov.u32 s1;
	s1 =	sadd.s32 $0x100, s1;
	s6 =	smov.u32 s21  }
0x47: {  	[tilespmem:s0], [sflag:$0x5] =	stream.linear.gather @!p0 [hbm4b:s29+s28], $0x400, $0x38;
	[tilespmem:$0x1F000] =	vst v63  }
0x48: {  	s28 =	sadd.s32 $0xFFFFFF00, s30;
	s29 =	sadd.s32 $0xFFFFFF80, s30;
	_ =	swait.ge [sflag:s24], $0x4000  }
0x49: {  	s0 =	sand.u32 $0x400, s28;
	s29 =	sand.u32 $0x380, s29;
	[sflag:s24] =	ssyncset.done $0x0  }
0x4a: {  	p0 =	sgt.u32 s23, $0x1F;
	s29 =	sor.u32 s29, s0;
	[sflag:s24] =	ssyncadd.s32 $0xFFFFC000  }
0x4b: {  	[tilespmem:s20], [sflag:$0x2] =	stream.indirect.gather [hbm4b:s4+s18], $0x80, s29, s18, $0xb8;
	[tilespmem:$0x1F000] =	vst v63  }
0x4c: {  	p1 =	sgt.u32 s23, $0x23;
	s29 =	sand.u32 $0x7, s17;
	_ =	swait.ge [sflag:s25], $0x4000  }
0x4d: {  	p3 =	sne.s32 @!p1 s29, $0x7;
	p2 =	sne.s32 @!p0 s29, $0x7;
	[sflag:s25] =	ssyncset.done $0x0  }
0x4e: {  	p3 =	por p3, p1;
	p1 =	sne.s32 s1, $0x2800;
	[sflag:s25] =	ssyncadd.s32 $0xFFFFC000  }
0x4f: {  	[spmem:s2] =	stream.indirect.scatter.add.f32 [tilespmem:s19], [sflag:$0x3], $0x80, s21, s18, $0xb8;
	[tilespmem:$0x1F000] =	vst v63  }
0x50: {  	s29 =	simm.s32 @!p3 $0x5  }
0x51: {  	_ =	swait.ge @!p3 [sflag:s29], $0x400  }
0x52: {  	[sflag:s29] =	ssyncset.done @!p3 $0x0  }
0x53: {  	[sflag:s29] =	ssyncadd.s32 @!p3 $0xFFFFFC00  }
0x54: {  	_ =	swait.ge [sflag:s26], $0x4000  }
0x55: {  	s17 =	sadd.s32 $0x2, s17;
	[sflag:s26] =	ssyncset.done $0x0  }
0x56: {  	p0 =	por p2, p0;
	s29 =	sand.u32 $0x700, s30;
	[sflag:s26] =	ssyncadd.s32 $0xFFFFC000  }
0x57: {  	[tilespmem:s19], [sflag:$0x1] =	stream.indirect.gather [hbm4b:s4+s18], $0x80, s29, s18, $0xb8;
	[tilespmem:$0x1F000] =	vst v63  }
.Ltmp0:
0x58: {  	_ = 	snop;
	(pc) =	sbr.rel @p1 .LBB2_2-.Ltmp0, $4  }
0x59: {  	s28 =	sand.u32 @!p0 $0x1C00, s28;
	s21 =	sadd.s32 $0x100, s21;
	_ =	swait.ge [sflag:s22], $0x4000  }
0x5a: {  	s6 =	sadd.s32 $0x80, s6;
	s28 =	sadd.s32 @!p0 s28, s11;
	[sflag:s22] =	ssyncset.done $0x0  }
0x5b: {  	s29 =	sshrl.u32 @!p0 s28, $0x3;
	s28 =	simm.s32 @!p0 $0x0;
	[sflag:s22] =	ssyncadd.s32 $0xFFFFC000  }
0x5c: {  	[spmem:s2] =	stream.indirect.scatter.add.f32 [tilespmem:s20], [sflag:$0x4], $0x80, s6, s18, $0xb8;
	[tilespmem:$0x1F000] =	vst v63  }
0x5d: {  	s1 =	sadd.s32 @!p0 s5, s29  }
0x5e: {  	[tilespmem:s0], [sflag:$0x5] =	stream.linear.gather @!p0 [hbm4b:s1+s28], $0x400, $0x38;
	[tilespmem:$0x1F000] =	vst v63  }
0x5f: {  	_ =	swait.ge [sflag:s24], $0x4000  }
0x60: {  	[sflag:s24] =	ssyncset.done $0x0  }
0x61: {  	s28 =	simm.s32 $0x780;
	[sflag:s24] =	ssyncadd.s32 $0xFFFFC000  }
0x62: {  	[tilespmem:s20], [sflag:$0x2] =	stream.indirect.gather [hbm4b:s4+s18], $0x80, s28, s18, $0xb8;
	[tilespmem:$0x1F000] =	vst v63  }
0x63: {  	_ =	swait.ge [sflag:s25], $0x4000  }
0x64: {  	[sflag:s25] =	ssyncset.done $0x0  }
0x65: {  	s29 =	simm.s32 $0x2F00;
	[sflag:s25] =	ssyncadd.s32 $0xFFFFC000  }
0x66: {  	[spmem:s2] =	stream.indirect.scatter.add.f32 [tilespmem:s19], [sflag:$0x3], $0x80, s29, s18, $0xb8;
	[tilespmem:$0x1F000] =	vst v63  }
0x67: {  	_ =	swait.ge [sflag:s26], $0x4000  }
0x68: {  	[sflag:s26] =	ssyncset.done $0x0  }
0x69: {  	[sflag:s26] =	ssyncadd.s32 $0xFFFFC000  }
0x6a: {  	_ =	swait.ge [sflag:s22], $0x4000  }
0x6b: {  	[sflag:s22] =	ssyncset.done $0x0  }
0x6c: {  	s30 =	simm.s32 $0x2F80;
	[sflag:s22] =	ssyncadd.s32 $0xFFFFC000  }
0x6d: {  	[spmem:s2] =	stream.indirect.scatter.add.f32 [tilespmem:s20], [sflag:$0x4], $0x80, s30, s18, $0xb8;
	[tilespmem:$0x1F000] =	vst v63  }
0x6e: {  	_ =	swait.ge [sflag:s24], $0x4000  }
0x6f: {  	s31 =	sadd.s32 $0x1, s31;
	[sflag:s24] =	ssyncset.done $0x0  }
0x70: {  	p0 =	sne.s32 s31, s13;
	[sflag:s24] =	ssyncadd.s32 $0xFFFFC000  }
.Ltmp1:
0x71: {  	[bflag:$0x0] =	sbarrier.arrive $0xFFFF;
	(pc) =	sbr.rel @p0 .LBB2_1-.Ltmp1, $4  }
0x72: {  	[hbm:s12], [sflag:s7] =	dma.local [spmem:s14], $0x2800  }
0x73: {  	_ =	swait.ge [sflag:s15], $0x2800  }
0x74: {  	[sflag:s15] =	ssyncset.done $0x0  }
0x75: {  	[sflag:s15] =	ssyncadd.s32 $0xFFFFD800  }
0x76: {  	_ =	sfence.sel $0x180000  }
0x77: {  	[bflag:$0x0] =	sbarrier.arrive $0xFFFF  }
0x78: {  	_ =	strace $0x9000004D  }
0x79: {  	s0 =	stileid.u32;
	[bflag:$0x2] =	sbarrier.arrive $0xFFFF  }
0x7a: {  	p0 =	sne.s32 s0, $0x0;
	s0 =	rddreg [dreg:$0x3]  }
0x7b: {  	s0 =	sadd.s32 @!p0 $0x100000, s0  }
0x7c: {  	[sflag:s0] =	ssyncadd.tile.s32 @!p0 $0x1;
	_ =	shalt  }
.Lfunc_end2:
_tile_overlayer_lowered:
.L_overlay_start_2:
0x7d: {  	(tag) =	ssettag $0x2  }
0x7e: {  	s0 =	rddreg [dreg:$0x0];
	s2 =	stileid.u32  }
0x7f: {  	s1 =	rddreg [dreg:$0x1];
	p0 =	sne.s32 s2, $0x0  }
0x80: {  	s3 =	rddreg [dreg:$0x2];
	[bflag:$0x3] =	sbarrier.arrive $0xFFFF;
	s2 =	simm.s32 @!p0 $0x1C06  }
0x81: {  	[timem:s3], [sflag:s2] =	dma.local @!p0 [hbm:s0], s1  }
0x82: {  	s0 =	simm.s32 @!p0 $0x6  }
0x83: {  	_ =	swait.ge @!p0 [sflag:s0], s1  }
0x84: {  	s1 =	ssub.s32 @!p0 $0x0, s1;
	[sflag:s0] =	ssyncset.done @!p0 $0x0  }
0x85: {  	[sflag:s0] =	ssyncadd.s32 @!p0 s1  }
0x86: {  	[bflag:$0x3] =	sbarrier.arrive $0xFFFF  }
0x87: {  	_ =	shalt  }

// kernel: kernel.9.cloned.1.call-start
scs
__scs_entry_jumppad:
0x0: {  	(pc) =	sbr.rel $0x88, $3  }
0x1: {  	(tag) =	ssettag $0x0;
	lr =	simm.s32 $0x1  }
0x2: {  	[smem:$0x3F9B] =	sst lr;
	_ =	strace $0xD0000000  }
0x3: {  	_ = 	snop  }
0x4: {  	_ = 	snop  }
0x5: {  	_ = 	snop  }
0x6: {  	_ = 	snop  }
0x7: {  	_ = 	snop  }
__scs_overlays_trampoline_lowered:
0x8: {  	[smem:$0x3FAA] =	sst s0  }
0x9: {  	[smem:$0x3FAB] =	sst s1  }
0xa: {  	[smem:$0x3FAC] =	sst s2  }
0xb: {  	[smem:$0x3FAD] =	sst s3  }
0xc: {  	[smem:$0x3FAE] =	sst s4  }
0xd: {  	[smem:$0x3FAF] =	sst s5  }
0xe: {  	[smem:$0x3FB0] =	sst s6  }
0xf: {  	[smem:$0x3FB1] =	sst s7  }
0x10: {  	[smem:$0x3FB2] =	sst s8  }
0x11: {  	[smem:$0x3FB3] =	sst s9;
	s0 =	simm.s32 @!p0 $0x0  }
0x12: {  	s1 =	sld [smem:$0x3F99];
	s0 =	simm.s32 @p0 $0x1  }
0x13: {  	[smem:$0x3FB4] =	sst s0;
	s0 =	simm.s32 @!p1 $0x0  }
0x14: {  	s2 =	sld [smem:$0x3F98];
	s0 =	simm.s32 @p1 $0x1  }
0x15: {  	[smem:$0x3FB5] =	sst s0;
	s0 =	simm.s32 @!p2 $0x0  }
0x16: {  	s3 =	sld [smem:$0x3FDB];
	s0 =	simm.s32 @p2 $0x1  }
0x17: {  	s4 =	simm.s32 $0x1BF5;
	[smem:$0x3FB7] =	sst s0  }
0x18: {  	s0 =	sld [smem:$0x3F9A];
	_ =	swait.ge [sflag:s4], $0x0  }
0x19: {  	s7 =	sld [smem:$0x3F9B]  }
0x1a: {  	s8 =	sadd.s32 $0xFFFFE003, lr  }
0x1b: {  	s9 =	sadd.s32 $0xFFFFFEF7, lr;
	s5 =	simm.s32 $0xFFFFFFFF;
	p2 =	slt.u32 s8, $0xFFFFF086  }
0x1c: {  	p1 =	slt.u32 s9, $0xF7A;
	s5 =	simm.s32 @!p2 $0x0  }
0x1d: {  	s5 =	simm.s32 @p1 $0x1;
	p0 =	seq.s32 s7, s2  }
0x1e: {  	s7 =	smul.u32 @!p0 $0xF7A, s2;
	p2 =	seq.s32 @!p0 s5, $0x0  }
0x1f: {  	s9 =	smul.u32 $0xF7A, s1;
	s8 =	simm.s32 @!p0 $0x1BF5;
	p2 =	por !p2, p0  }
0x20: {  	[sflag:s8] =	ssyncset.s32 @!p0 $0xFFFFF086;
	s6 =	sadd.s32 @!p0 s3, s7;
	s7 =	simm.s32 @!p0 $0x108  }
0x21: {  	s3 =	sadd.s32 s3, s9;
	s6 =	sadd.s32 @!p0 $0x88, s6;
	s7 =	simm.s32 @p2 $0x1082  }
0x22: {  	[simem:s7], [sflag:s8] =	dma.local @!p0 [hbm:s6], $0xF7A  }
0x23: {  	s9 =	sor.u32 $0xD0000000, s2;
	s6 =	simm.s32 $0x108;
	_ =	swait.ge @!p0 [sflag:s8], $0x0  }
0x24: {  	s3 =	sadd.s32 $0x88, s3;
	s6 =	simm.s32 @!p1 $0x1082;
	[sflag:s4] =	ssyncset.s32 $0xFFFFF086  }
0x25: {  	[simem:s6], [sflag:s4] =	dma.local [hbm:s3], $0xF7A  }
0x26: {  	[smem:$0x3F9B] =	sst s1;
	(tag) =	ssettag s2;
	_ =	strace s9  }
0x27: {  	s1 =	sld [smem:$0x3FAB]  }
0x28: {  	s2 =	sld [smem:$0x3FAC]  }
0x29: {  	s4 =	sld [smem:$0x3FAE]  }
0x2a: {  	p0 =	seq.s32 s5, $0x0;
	s5 =	sld [smem:$0x3FAF]  }
0x2b: {  	s6 =	sld [smem:$0x3FB0]  }
0x2c: {  	s7 =	sld [smem:$0x3FB1]  }
0x2d: {  	s3 =	simm.s32 $0x108;
	s8 =	sld [smem:$0x3FB2]  }
0x2e: {  	s3 =	simm.s32 @!p0 $0x1082;
	s9 =	sld [smem:$0x3FB3]  }
0x2f: {  	lr =	sadd.s32 s0, s3;
	s0 =	sld [smem:$0x3FAA]  }
0x30: {  	s3 =	sld [smem:$0x3FAD]  }
0x31: {  	[smem:$0x3FB6] =	sst s10  }
0x32: {  	s10 =	sld [smem:$0x3FB4];
	_ =	sdelay $0x3  }
0x33: {  	p0 =	seq.s32 s10, $0x1;
	s10 =	sld [smem:$0x3FB6];
	_ =	sdelay $0x3  }
0x34: {  	[smem:$0x3FB6] =	sst s10  }
0x35: {  	s10 =	sld [smem:$0x3FB5];
	_ =	sdelay $0x3  }
0x36: {  	p1 =	seq.s32 s10, $0x1;
	s10 =	sld [smem:$0x3FB6];
	_ =	sdelay $0x3  }
0x37: {  	[smem:$0x3FB6] =	sst s10  }
0x38: {  	s10 =	sld [smem:$0x3FB7]  }
0x39: {  	_ = 	snop;
	(pc) =	sbr.ind lr, $3  }
0x3a: {  	_ = 	snop  }
0x3b: {  	_ = 	snop  }
0x3c: {  	p2 =	seq.s32 s10, $0x1;
	s10 =	sld [smem:$0x3FB6]  }
0x3d: {  	_ =	shalt  }
0x3e: {  	_ =	shalt  }
0x3f: {  	_ =	shalt  }
0x40: {  	_ =	shalt  }
0x41: {  	_ =	shalt  }
0x42: {  	_ =	shalt  }
0x43: {  	_ =	shalt  }
0x44: {  	_ =	shalt  }
0x45: {  	_ =	shalt  }
0x46: {  	_ =	shalt  }
0x47: {  	_ =	shalt  }
0x48: {  	_ =	shalt  }
0x49: {  	_ =	shalt  }
0x4a: {  	_ =	shalt  }
0x4b: {  	_ =	shalt  }
0x4c: {  	_ =	shalt  }
0x4d: {  	_ =	shalt  }
0x4e: {  	_ =	shalt  }
0x4f: {  	_ =	shalt  }
0x50: {  	_ =	shalt  }
0x51: {  	_ =	shalt  }
0x52: {  	_ =	shalt  }
0x53: {  	_ =	shalt  }
0x54: {  	_ =	shalt  }
0x55: {  	_ =	shalt  }
0x56: {  	_ =	shalt  }
0x57: {  	_ =	shalt  }
0x58: {  	_ =	shalt  }
0x59: {  	_ =	shalt  }
0x5a: {  	_ =	shalt  }
0x5b: {  	_ =	shalt  }
0x5c: {  	_ =	shalt  }
0x5d: {  	_ =	shalt  }
0x5e: {  	_ =	shalt  }
0x5f: {  	_ =	shalt  }
0x60: {  	_ =	shalt  }
0x61: {  	_ =	shalt  }
0x62: {  	_ =	shalt  }
0x63: {  	_ =	shalt  }
0x64: {  	_ =	shalt  }
0x65: {  	_ =	shalt  }
0x66: {  	_ =	shalt  }
0x67: {  	_ =	shalt  }
0x68: {  	_ =	shalt  }
0x69: {  	_ =	shalt  }
0x6a: {  	_ =	shalt  }
0x6b: {  	_ =	shalt  }
0x6c: {  	_ =	shalt  }
0x6d: {  	_ =	shalt  }
0x6e: {  	_ =	shalt  }
0x6f: {  	_ =	shalt  }
0x70: {  	_ =	shalt  }
0x71: {  	_ =	shalt  }
0x72: {  	_ =	shalt  }
0x73: {  	_ =	shalt  }
0x74: {  	_ =	shalt  }
0x75: {  	_ =	shalt  }
0x76: {  	_ =	shalt  }
0x77: {  	_ =	shalt  }
0x78: {  	_ =	shalt  }
0x79: {  	_ =	shalt  }
0x7a: {  	_ =	shalt  }
0x7b: {  	_ =	shalt  }
0x7c: {  	_ =	shalt  }
0x7d: {  	_ =	shalt  }
0x7e: {  	_ =	shalt  }
0x7f: {  	_ =	shalt  }
0x80: {  	_ =	shalt  }
0x81: {  	_ =	shalt  }
0x82: {  	_ =	shalt  }
0x83: {  	_ =	shalt  }
0x84: {  	_ =	shalt  }
0x85: {  	_ =	shalt  }
0x86: {  	_ =	shalt  }
0x87: {  	_ =	shalt  }
.Lfunc_end0:
.L_simem_size_0:
called_computation_lowered:
.L_overlay_start_0:
0x88: {  	s2 =	sld [smem:$0x3FD9]  }
0x89: {  	s3 =	sld [smem:$0x3FFE];
	_ =	sdelay $0x1  }
0x8a: {  	s1 =	srdreg.scid  }
0x8b: {  	s0 =	sand.u32 $0x1, s1  }
0x8c: {  	s17 =	sshll.u32 s0, $0xA;
	s2 =	sadd.s32 s3, s2  }
0x8d: {  	s2 =	sadd.s32 s2, s17  }
0x8e: {  	[smem:$0x3FC2] =	sst s2  }
0x8f: {  	_ = 	snop  }
0x90: {  	s2 =	sld [smem:$0x3FD0];
	(tm) =	ssettm $0x1  }
0x91: {  	s18 =	sld [smem:$0x3FFB];
	_ =	sdelay $0x3  }
0x92: {  	_ =	strace s18  }
0x93: {  	s3 =	sld [smem:$0x3FFC];
	_ =	sdelay $0x3  }
0x94: {  	_ =	strace s3  }
0x95: {  	s3 =	sld [smem:$0x3FFD];
	_ =	sdelay $0x3  }
0x96: {  	_ =	strace s3  }
0x97: {  	_ =	strace $0x8FFFFFFF  }
0x98: {  	s19 =	sld [smem:$0x3FDB];
	_ =	sdelay $0x1  }
0x99: {  	s4 =	simm.s32 $_scs_section_size  }
0x9a: {  	s5 =	simm.s32 $_size__tile_overlayer_lowered;
	s6 =	simm.s32 $_tile_overlayer_lowered  }
0x9b: {  	s22 =	simm.s32 $0x1BFF;
	s21 =	sshll.u32 s6, $0x1;
	s3 =	sadd.s32 s4, s19  }
0x9c: {  	s7 =	simm.s32 $0x0;
	s20 =	sshll.u32 s5, $0x1;
	s5 =	sadd.s32 s21, s3  }
0x9d: {  	[timem:s7], [sflag:s22] =	dma.local [hbm:s5], s20  }
0x9e: {  	_ =	swait.ge [sflag:s22], s20  }
0x9f: {  	s4 =	ssub.s32 $0x0, s20;
	[sflag:s22] =	ssyncset.done $0x0  }
0xa0: {  	[sflag:s22] =	ssyncadd.s32 s4;
	_ =	sdelay $0x1  }
0xa1: {  	s23 =	simm.s32 $0x1B8B  }
0xa2: {  	_ =	swait.ge [sflag:s23], $0x1  }
0xa3: {  	[sflag:s23] =	ssyncset.done $0x0  }
0xa4: {  	s25 =	simm.s32 $0x1B8E;
	s24 =	sld [smem:$0x3FFE];
	[sflag:s23] =	ssyncadd.s32 $0xFFFFFFFF  }
0xa5: {  	s26 =	simm.s32 $execute0_lowered;
	[smem:$0x3FD2] =	sst s25  }
0xa6: {  	s5 =	sshll.u32 s26, $0x1;
	_ =	strace $0x80000046;
	[dreg:$0x1] =	wrdreg $0xFFFFFFFF  }
0xa7: {  	s28 =	simm.s32 $_size_execute0_lowered;
	s3 =	sadd.s32 s3, s5;
	[dreg:$0x0] =	wrdreg $0x0  }
0xa8: {  	s5 =	sshll.u32 s28, $0x1;
	[dreg:$0x2] =	wrdreg s3  }
0xa9: {  	[dreg:$0x3] =	wrdreg s5  }
0xaa: {  	[dreg:$0x4] =	wrdreg $0xC0  }
0xab: {  	_ =	task [dreg:s7], $0x5FFFF  }
0xac: {  	[dreg:$0x1] =	wrdreg $0xFFFFFFFF  }
0xad: {  	[dreg:$0x0] =	wrdreg $0x60  }
0xae: {  	[dreg:$0x2] =	wrdreg s2  }
0xaf: {  	[dreg:$0x3] =	wrdreg s24  }
0xb0: {  	[dreg:$0x4] =	wrdreg $0x68000  }
0xb1: {  	[dreg:$0x5] =	wrdreg $0x9  }
0xb2: {  	_ =	task.clear_ibuf [dreg:s7], $0x6FFFF;
	_ =	strace $0x90000046  }
0xb3: {  	s29 =	simm.s32 $0x9;
	_ =	strace $0x80000048  }
0xb4: {  	_ =	swait.ge [sflag:s29], $0x1  }
0xb5: {  	[sflag:s29] =	ssyncadd.s32 $0xFFFFFFFF  }
0xb6: {  	_ =	strace $0x90000048  }
0xb7: {  	_ =	sfence  }
0xb8: {  	s30 =	sld [smem:$0x0];
	_ =	sdelay $0x2  }
0xb9: {  	s31 =	sshll.u32 s1, $0xD;
	s1 =	sshrl.u32 s1, $0x2  }
0xba: {  	s3 =	sand.u32 $0x4000, s31;
	s1 =	sadd.s32 s1, s30  }
0xbb: {  	s0 =	sor.u32 s3, s0;
	s1 =	sshll.u32 s1, $0x11  }
0xbc: {  	s0 =	sor.u32 s1, s0  }
0xbd: {  	s0 =	sadd.s32 $0x8F2B, s0  }
0xbe: {  	[sflag:s0] =	ssyncadd.remote.s32 $0x1  }
0xbf: {  	_ =	sfence.sel $0xFFFF  }
0xc0: {  	[dreg:$0x0] =	wrdreg $0xFFFFFFFF;
	(pc) =	sbr.abs _section_cstart, $3  }
0xc1: {  	[dreg:$0x1] =	wrdreg $0xFFFFFFFF  }
0xc2: {  	_ =	task.clear_ibuf [dreg:s7], $0x2FFFF;
	_ =	strace $0x9FFFFFFF  }
0xc3: {  	(tm) =	ssettm $0x7FFFFFFF  }
tec
execute0_lowered:
.L_overlay_start_1:
0x0: {  	(tag) =	ssettag $0x1  }
0x1: {  	s7 =	rddreg [dreg:$0x0]  }
0x2: {  	s5 =	rddreg [dreg:$0x1];
	s0 =	stileid.u32  }
0x3: {  	s1 =	srdreg.scid;
	s2 =	rddreg [dreg:$0x2]  }
0x4: {  	s3 =	simm.s32 $0x0;
	s13 =	simm.s32 $0x80;
	s14 =	simm.s32 $0x100  }
0x5: {  	s15 =	simm.s32 $0x180;
	s16 =	simm.s32 $0x1;
	s17 =	simm.s32 $0x2  }
0x6: {  	s18 =	simm.s32 $0x3;
	s19 =	simm.s32 $0x4;
	s20 =	simm.s32 $0x0  }
0x7: {  	s4 =	smul.u32 $0x14000, s0;
	s6 =	sand.u32 $0x1, s1;
	s1 =	rddreg [dreg:$0x3]  }
0x8: {  	[smem:$0x7FF] =	sst s3;
	s11 =	smul.u32 $0x50000, s0;
	s12 =	sshll.u32 s0, $0x1  }
0x9: {  	s31 =	sshll.u32 s0, $0x6;
	s8 =	smul.u32 $0x140000, s6;
	_ =	strace $0x80000047  }
0xa: {  	s10 =	ssub.s32 $0x2, s6;
	s6 =	sor.u32 s6, s12;
	s12 =	simm.s32 $0x2800  }
0xb: {  	s9 =	sshrl.u32 s4, $0x3;
	s26 =	sshrl.u32 s10, $0x1;
	s28 =	sshrl.u32 s11, $0x2  }
0xc: {  	s29 =	smul.u32 $0x500, s6;
	s6 =	sor.u32 $0x1C05, s31;
	s11 =	simm.s32 $0x5  }
0xd: {  	s8 =	sadd.s32 s4, s8;
	s9 =	sadd.s32 s9, s5;
	s4 =	sadd.s32 $0xCC00, s5  }
0xe: {  	s10 =	ssub.s32 s10, s26;
	s30 =	sadd.s32 s28, s2;
	s8 =	sshrl.u32 s8, $0x3  }
0xf: {  	s7 =	sadd.s32 s7, s29;
	s8 =	sadd.s32 s8, s5;
	s5 =	sadd.s32 $0xD400, s9  }
0x10: {  	s9 =	smax.u32 s10, $0x1;
	s10 =	sshrl.u32 s30, $0x3;
	s8 =	sadd.s32 $0x35400, s8  }
.LBB2_1:
0x11: {  	[spmem:s10], [sflag:s6] =	dma.local [hbm:s5], $0x2800  }
0x12: {  	_ =	swait.ge [sflag:s11], $0x2800  }
0x13: {  	[sflag:s11] =	ssyncset.done $0x0  }
0x14: {  	[sflag:s11] =	ssyncadd.s32 $0xFFFFD800  }
0x15: {  	[tilespmem:s12], [sflag:$0x5] =	stream.linear.gather [hbm4b:s4+s3], $0x4000, $0x38;
	[tilespmem:$0x1A800] =	vst v63  }
0x16: {  	_ =	swait.ge [sflag:s11], $0x4000  }
0x17: {  	[sflag:s11] =	ssyncset.done $0x0  }
0x18: {  	[sflag:s11] =	ssyncadd.s32 $0xFFFFC000  }
0x19: {  	[tilespmem:s3], [sflag:$0x5] =	stream.linear.gather [hbm4b:s7+s3], $0x2800, $0x38;
	[tilespmem:$0x1A800] =	vst v63  }
0x1a: {  	_ =	swait.ge [sflag:s11], $0x2800  }
0x1b: {  	[sflag:s11] =	ssyncset.done $0x0  }
0x1c: {  	[sflag:s11] =	ssyncadd.s32 $0xFFFFD800  }
0x1d: {  	[bflag:$0x0] =	sbarrier.arrive $0xFFFF  }
0x1e: {  	[spmem:s2] =	stream.indirect.scatter.add.f32 [tilespmem:s12], [sflag:$0x1], $0x80, s3, s13, $0xb8;
	[tilespmem:$0x1A800] =	vst v63  }
0x1f: {  	_ = 	snop  }
0x20: {  	[spmem:s2] =	stream.indirect.scatter.add.f32 [tilespmem:s12], [sflag:$0x2], $0x80, s13, s13, $0xb8;
	[tilespmem:$0x1A800] =	vst v63  }
0x21: {  	_ = 	snop  }
0x22: {  	[spmem:s2] =	stream.indirect.scatter.add.f32 [tilespmem:s12], [sflag:$0x3], $0x80, s14, s13, $0xb8;
	[tilespmem:$0x1A800] =	vst v63  }
0x23: {  	_ = 	snop  }
0x24: {  	[spmem:s2] =	stream.indirect.scatter.add.f32 [tilespmem:s12], [sflag:$0x4], $0x80, s15, s13, $0xb8;
	[tilespmem:$0x1A800] =	vst v63  }
0x25: {  	_ =	swait.ge [sflag:s16], $0x4000  }
0x26: {  	[sflag:s16] =	ssyncset.done $0x0  }
0x27: {  	s21 =	simm.s32 $0x200;
	[sflag:s16] =	ssyncadd.s32 $0xFFFFC000  }
0x28: {  	[spmem:s2] =	stream.indirect.scatter.add.f32 [tilespmem:s12], [sflag:$0x1], $0x80, s21, s13, $0xb8;
	[tilespmem:$0x1A800] =	vst v63  }
0x29: {  	_ =	swait.ge [sflag:s17], $0x4000  }
0x2a: {  	[sflag:s17] =	ssyncset.done $0x0  }
0x2b: {  	s30 =	simm.s32 $0x280;
	[sflag:s17] =	ssyncadd.s32 $0xFFFFC000  }
0x2c: {  	[spmem:s2] =	stream.indirect.scatter.add.f32 [tilespmem:s12], [sflag:$0x2], $0x80, s30, s13, $0xb8;
	[tilespmem:$0x1A800] =	vst v63  }
0x2d: {  	_ =	swait.ge [sflag:s18], $0x4000  }
0x2e: {  	[sflag:s18] =	ssyncset.done $0x0  }
0x2f: {  	s31 =	simm.s32 $0x300;
	[sflag:s18] =	ssyncadd.s32 $0xFFFFC000  }
0x30: {  	[spmem:s2] =	stream.indirect.scatter.add.f32 [tilespmem:s12], [sflag:$0x3], $0x80, s31, s13, $0xb8;
	[tilespmem:$0x1A800] =	vst v63  }
0x31: {  	_ =	swait.ge [sflag:s19], $0x4000  }
0x32: {  	[sflag:s19] =	ssyncset.done $0x0  }
0x33: {  	s22 =	simm.s32 $0x380;
	s21 =	simm.s32 $0xFFFF7000;
	[sflag:s19] =	ssyncadd.s32 $0xFFFFC000  }
.LBB2_2:
0x34: {  	[spmem:s2] =	stream.indirect.scatter.add.f32 [tilespmem:s12], [sflag:$0x4], $0x80, s22, s13, $0xb8;
	[tilespmem:$0x1A800] =	vst v63  }
0x35: {  	s22 =	smov.u32 s21  }
0x36: {  	p0 =	sne.s32 s21, $0xFFFFF800;
	s21 =	sadd.s32 $0x800, s21;
	_ =	swait.ge [sflag:s16], $0x4000  }
0x37: {  	s22 =	sshra.s32 s22, $0x2;
	[sflag:s16] =	ssyncset.done $0x0  }
0x38: {  	s23 =	sadd.s32 $0x2800, s22;
	[sflag:s16] =	ssyncadd.s32 $0xFFFFC000  }
0x39: {  	[spmem:s2] =	stream.indirect.scatter.add.f32 [tilespmem:s12], [sflag:$0x1], $0x80, s23, s13, $0xb8;
	[tilespmem:$0x1A800] =	vst v63  }
0x3a: {  	_ =	swait.ge [sflag:s17], $0x4000  }
0x3b: {  	[sflag:s17] =	ssyncset.done $0x0  }
0x3c: {  	s23 =	sadd.s32 $0x2880, s22;
	[sflag:s17] =	ssyncadd.s32 $0xFFFFC000  }
0x3d: {  	[spmem:s2] =	stream.indirect.scatter.add.f32 [tilespmem:s12], [sflag:$0x2], $0x80, s23, s13, $0xb8;
	[tilespmem:$0x1A800] =	vst v63  }
0x3e: {  	_ =	swait.ge [sflag:s18], $0x4000  }
0x3f: {  	[sflag:s18] =	ssyncset.done $0x0  }
.Ltmp0:
0x40: {  	s23 =	sadd.s32 $0x2900, s22;
	[sflag:s18] =	ssyncadd.s32 $0xFFFFC000;
	(pc) =	sbr.rel @p0 .LBB2_2-.Ltmp0, $4  }
0x41: {  	[spmem:s2] =	stream.indirect.scatter.add.f32 [tilespmem:s12], [sflag:$0x3], $0x80, s23, s13, $0xb8;
	[tilespmem:$0x1A800] =	vst v63  }
0x42: {  	_ =	swait.ge [sflag:s19], $0x4000  }
0x43: {  	[sflag:s19] =	ssyncset.done $0x0  }
0x44: {  	s22 =	sadd.s32 $0x2980, s22;
	[sflag:s19] =	ssyncadd.s32 $0xFFFFC000  }
0x45: {  	[spmem:s2] =	stream.indirect.scatter.add.f32 [tilespmem:s12], [sflag:$0x4], $0x80, s22, s13, $0xb8;
	[tilespmem:$0x1A800] =	vst v63  }
0x46: {  	_ =	swait.ge [sflag:s16], $0x4000  }
0x47: {  	[sflag:s16] =	ssyncset.done $0x0  }
0x48: {  	[sflag:s16] =	ssyncadd.s32 $0xFFFFC000  }
0x49: {  	_ =	swait.ge [sflag:s17], $0x4000  }
0x4a: {  	[sflag:s17] =	ssyncset.done $0x0  }
0x4b: {  	[sflag:s17] =	ssyncadd.s32 $0xFFFFC000  }
0x4c: {  	_ =	swait.ge [sflag:s18], $0x4000  }
0x4d: {  	[sflag:s18] =	ssyncset.done $0x0  }
0x4e: {  	[sflag:s18] =	ssyncadd.s32 $0xFFFFC000  }
0x4f: {  	_ =	swait.ge [sflag:s19], $0x4000  }
0x50: {  	s20 =	sadd.s32 $0x1, s20;
	[sflag:s19] =	ssyncset.done $0x0  }
0x51: {  	p0 =	sne.s32 s20, s9;
	[sflag:s19] =	ssyncadd.s32 $0xFFFFC000  }
.Ltmp1:
0x52: {  	[bflag:$0x0] =	sbarrier.arrive $0xFFFF;
	(pc) =	sbr.rel @p0 .LBB2_1-.Ltmp1, $4  }
0x53: {  	[hbm:s8], [sflag:s6] =	dma.local [spmem:s10], $0x2800  }
0x54: {  	_ =	swait.ge [sflag:s11], $0x2800  }
0x55: {  	[sflag:s11] =	ssyncset.done $0x0  }
0x56: {  	[sflag:s11] =	ssyncadd.s32 $0xFFFFD800  }
0x57: {  	_ =	sfence.sel $0x180000  }
0x58: {  	[bflag:$0x0] =	sbarrier.arrive $0xFFFF  }
0x59: {  	p0 =	sne.s32 s0, $0x0;
	_ =	strace $0x90000047  }
0x5a: {  	s0 =	sadd.s32 @!p0 $0x100000, s1;
	[bflag:$0x2] =	sbarrier.arrive $0xFFFF  }
0x5b: {  	[sflag:s0] =	ssyncadd.tile.s32 @!p0 $0x1;
	_ =	shalt  }
.Lfunc_end2:
_tile_overlayer_lowered:
.L_overlay_start_2:
0x5c: {  	(tag) =	ssettag $0x2  }
0x5d: {  	s0 =	rddreg [dreg:$0x0];
	s2 =	stileid.u32  }
0x5e: {  	s1 =	rddreg [dreg:$0x1];
	p0 =	sne.s32 s2, $0x0  }
0x5f: {  	s3 =	rddreg [dreg:$0x2];
	[bflag:$0x3] =	sbarrier.arrive $0xFFFF;
	s2 =	simm.s32 @!p0 $0x1C05  }
0x60: {  	[timem:s3], [sflag:s2] =	dma.local @!p0 [hbm:s0], s1  }
0x61: {  	s0 =	simm.s32 @!p0 $0x5  }
0x62: {  	_ =	swait.ge @!p0 [sflag:s0], s1  }
0x63: {  	s1 =	ssub.s32 @!p0 $0x0, s1;
	[sflag:s0] =	ssyncset.done @!p0 $0x0  }
0x64: {  	[sflag:s0] =	ssyncadd.s32 @!p0 s1  }
0x65: {  	[bflag:$0x3] =	sbarrier.arrive $0xFFFF  }
0x66: {  	_ =	shalt  }

</sc_bundles>
